<compile_context>
chip_gen: v7x
topology: tpu7x:2x2x1
jax: 0.10.2.dev20260603
libtpu: 0.0.44.dev20260713+nightly
codegen_flags: <defaults>
</compile_context>

<pallas_src>
import jax
import jax.numpy as jnp
from jax import lax
from jax.experimental import pallas as pl
from jax.experimental.pallas import tpu as pltpu, tpu_sc as plsc

_NC = 2
_NS = 16
_NW = _NC * _NS
_LANES = 16

_B = 16384
_L = 200
_N = _B * _L
_PER_W = _N // _NW
_CH = 6400
_NCH = _PER_W // _CH


def _sc_body(xq_hbm, emb_hbm, w_hbm, b_hbm, out_hbm,
             emb_v, w_v, b_v, t_v, p_v, xin0, xin1,
             g00, g01, g02, g03, g04, g10, g11, g12, g13, g14,
             isem0, isem1, osem0, osem1):
    wid = lax.axis_index("s") * _NC + lax.axis_index("c")
    lane = lax.iota(jnp.int32, _LANES)
    zero16 = jnp.zeros((_LANES,), jnp.int32)

    pltpu.sync_copy(emb_hbm, emb_v)
    pltpu.sync_copy(w_hbm, w_v)
    pltpu.sync_copy(b_hbm, b_v)

    for chunk in range(4):
        n = chunk * _LANES + lane
        v = jnp.minimum(n // 5, 9)
        c = n - 5 * (n // 5)
        acc = jnp.zeros((_LANES,), jnp.float32)
        for d in range(20):
            dvec = zero16 + d
            e = plsc.load_gather(emb_v, [v, dvec])
            w = plsc.load_gather(w_v, [c, dvec])
            acc = acc + e * w
        acc = acc + plsc.load_gather(b_v, [zero16, c])
        t_v[pl.ds(chunk * _LANES, _LANES)] = acc

    def pbuild(k, carry):
        n = k * _LANES + lane
        p = n // 10
        j = n - 10 * p
        hi = jnp.minimum(p // 10, 9)
        lo = p - 10 * (p // 10)
        src = jnp.where(j < 5, hi * 5 + j, lo * 5 + (j - 5))
        val = plsc.load_gather(t_v, [src])
        plsc.store_scatter(p_v, [n], val)
        return carry
    lax.fori_loop(0, 64, pbuild, 0)

    xin = [xin0, xin1]
    stg = [[g00, g01, g02, g03, g04], [g10, g11, g12, g13, g14]]
    isem = [isem0, isem1]
    osem = [osem0, osem1]
    base_w = wid * _PER_W

    def in_copy(ch, bank):
        return pltpu.make_async_copy(
            xq_hbm.at[pl.ds(base_w + ch * _CH, _CH)], xin[bank], isem[bank])

    def out_copies(ch, bank):
        return [
            pltpu.make_async_copy(
                stg[bank][c],
                out_hbm.at[pl.ds(c * _N + base_w + ch * _CH, _CH)],
                osem[bank])
            for c in range(5)
        ]

    def compute(bank):
        xb = xin[bank]
        sb = stg[bank]

        @plsc.parallel_loop(0, _CH // 32, unroll=1)
        def pair_iter(k):
            ev = xb[pl.ds(k * 32, _LANES)]
            od = xb[pl.ds(k * 32 + _LANES, _LANES)]
            addr = ev * 100 + od * 10
            je = k * 32 + lane
            jo = je + _LANES
            for c in range(5):
                ve = plsc.load_gather(p_v, [addr + c])
                plsc.store_scatter(sb[c], [je], ve)
                vo = plsc.load_gather(p_v, [addr + (5 + c)])
                plsc.store_scatter(sb[c], [jo], vo)

    in_copy(0, 0).start()

    def pair_body(i, carry):
        ch0 = 2 * i
        in_copy(ch0 + 1, 1).start()
        in_copy(ch0, 0).wait()

        @pl.when(i > 0)
        def _():
            for cp in out_copies(ch0 - 2, 0):
                cp.wait()
        compute(0)
        for cp in out_copies(ch0, 0):
            cp.start()

        @pl.when(ch0 + 2 < _NCH)
        def _():
            in_copy(ch0 + 2, 0).start()
        in_copy(ch0 + 1, 1).wait()

        @pl.when(i > 0)
        def _():
            for cp in out_copies(ch0 - 1, 1):
                cp.wait()
        compute(1)
        for cp in out_copies(ch0 + 1, 1):
            cp.start()
        return carry

    lax.fori_loop(0, _NCH // 2, pair_body, 0)
    for cp in out_copies(_NCH - 2, 0):
        cp.wait()
    for cp in out_copies(_NCH - 1, 1):
        cp.wait()


def kernel(x, emb, W, b):
    B, L = x.shape
    xq = (x.T.reshape(_L // 8, 8, _B // 128, 128)
          .transpose(0, 2, 1, 3).reshape(_N))
    mesh = plsc.VectorSubcoreMesh(core_axis_name="c", subcore_axis_name="s")
    run = pl.kernel(
        _sc_body,
        out_type=jax.ShapeDtypeStruct((5 * _N,), jnp.float32),
        mesh=mesh,
        compiler_params=pltpu.CompilerParams(needs_layout_passes=False),
        scratch_types=[
            pltpu.VMEM((10, 20), jnp.float32),
            pltpu.VMEM((5, 20), jnp.float32),
            pltpu.VMEM((1, 5), jnp.float32),
            pltpu.VMEM((64,), jnp.float32),
            pltpu.VMEM((1024,), jnp.float32),
            pltpu.VMEM((_CH,), jnp.int32),
            pltpu.VMEM((_CH,), jnp.int32),
        ] + [pltpu.VMEM((_CH,), jnp.float32)] * 10 + [
            pltpu.SemaphoreType.DMA,
            pltpu.SemaphoreType.DMA,
            pltpu.SemaphoreType.DMA,
            pltpu.SemaphoreType.DMA,
        ],
    )
    of = run(xq, emb, W, b)
    return (of.reshape(5, _L // 8, _B // 128, 8, 128)
            .transpose(2, 4, 1, 3, 0).reshape(B, L, 5))

# --- scband reference (transcript-rebuilt; emitter-appended) ---
"""Pipeline reference for scband-embedding-model-2044404433116 (READ-ONLY COPY).

The authoritative reference and input builder live on the scoring server;
editing this copy changes nothing except your own understanding.
"""

import jax, jax.numpy as jnp
import numpy as np

VOCAB = 10
EMB_DIM = 20
OUT_DIM = 5
B = 16384
L = 200

def setup_inputs(seed: int = 0) -> dict:
    key = jax.random.key(seed)
    k1, k2, k3, k4 = jax.random.split(key, 4)
    x = jax.random.randint(k1, (B, L), 0, VOCAB, dtype=jnp.int64 if jax.config.jax_enable_x64 else jnp.int32).astype(jnp.int32)
    emb = jax.random.normal(k2, (VOCAB, EMB_DIM), dtype=jnp.float32)
    W = jax.random.normal(k3, (OUT_DIM, EMB_DIM), dtype=jnp.float32)
    b = jax.random.normal(k4, (1, OUT_DIM), dtype=jnp.float32)
    return {"x": x, "emb": emb, "W": W, "b": b}

def reference(x, emb, W, b):
    # x = x.type(torch.int32); x = embedding(x); x = linear(x)
    idx = x.astype(jnp.int32)
    h = jnp.take(emb, idx, axis=0)            # [B, L, EMB_DIM]
    out = jnp.dot(h, W.T) + b                 # [B, L, OUT_DIM], bias [1,5] broadcasts
    return out

if __name__ == "__main__":
    import jax
    _d = setup_inputs()
    print(jax.jit(kernel)(*tuple(_d.values())))

</pallas_src>

<mosaic_0001>
#map = affine_map<(d0, d1) -> (0)>
#map1 = affine_map<(d0, d1) -> (0, 0)>
module attributes {stable_mosaic.version = 14 : i64} {
  func.func @_sc_body(%arg0: i32, %arg1: i32, %arg2: memref<3276800xi32, #tpu.memory_space<hbm>>, %arg3: memref<10x20xf32, #tpu.memory_space<hbm>>, %arg4: memref<5x20xf32, #tpu.memory_space<hbm>>, %arg5: memref<1x5xf32, #tpu.memory_space<hbm>>, %arg6: memref<16384000xf32, #tpu.memory_space<hbm>>, %arg7: memref<10x20xf32, #tpu.memory_space<vmem>>, %arg8: memref<5x20xf32, #tpu.memory_space<vmem>>, %arg9: memref<1x5xf32, #tpu.memory_space<vmem>>, %arg10: memref<64xf32, #tpu.memory_space<vmem>>, %arg11: memref<1024xf32, #tpu.memory_space<vmem>>, %arg12: memref<6400xi32, #tpu.memory_space<vmem>>, %arg13: memref<6400xi32, #tpu.memory_space<vmem>>, %arg14: memref<6400xf32, #tpu.memory_space<vmem>>, %arg15: memref<6400xf32, #tpu.memory_space<vmem>>, %arg16: memref<6400xf32, #tpu.memory_space<vmem>>, %arg17: memref<6400xf32, #tpu.memory_space<vmem>>, %arg18: memref<6400xf32, #tpu.memory_space<vmem>>, %arg19: memref<6400xf32, #tpu.memory_space<vmem>>, %arg20: memref<6400xf32, #tpu.memory_space<vmem>>, %arg21: memref<6400xf32, #tpu.memory_space<vmem>>, %arg22: memref<6400xf32, #tpu.memory_space<vmem>>, %arg23: memref<6400xf32, #tpu.memory_space<vmem>>, %arg24: memref<!tpu.dma_semaphore, #tpu.memory_space<semaphore_mem>>, %arg25: memref<!tpu.dma_semaphore, #tpu.memory_space<semaphore_mem>>, %arg26: memref<!tpu.dma_semaphore, #tpu.memory_space<semaphore_mem>>, %arg27: memref<!tpu.dma_semaphore, #tpu.memory_space<semaphore_mem>>) attributes {dimension_semantics = [#tpu.dimension_semantics<core_parallel>, #tpu.dimension_semantics<subcore_parallel>], iteration_bounds = array<i64: 2, 16>, scalar_prefetch = 0 : i64, scratch_operands = 21 : i64, tpu.core_type = #tpu.core_type<sc_vector_subcore>, window_params = [{transform_indices = #map}, {transform_indices = #map1}, {transform_indices = #map1}, {transform_indices = #map1}, {transform_indices = #map}]} {
    %mul3A = arith.constant 2 : i32
    %mul3A_0 = arith.muli %arg1, %mul3A : i32
    %add3A = arith.addi %mul3A_0, %arg0 : i32
    %iota3A = tpu.iota {dimensions = array<i32: 0>} : vector<16xi32>
    %broadcast_in_dim3A = arith.constant 0 : i32
    %broadcast_in_dim3A_1 = vector.broadcast %broadcast_in_dim3A : i32 to vector<16xi32>
    "tpu.region"() ({
      %run_scoped3A = tpu.sem_alloc : memref<!tpu.dma_semaphore, #tpu.memory_space<semaphore_mem>>
      tpu.enqueue_dma source(%arg3 : memref<10x20xf32, #tpu.memory_space<hbm>>) target(%arg7 : memref<10x20xf32, #tpu.memory_space<vmem>>) target_semaphore(%run_scoped3A : memref<!tpu.dma_semaphore, #tpu.memory_space<semaphore_mem>>)
      tpu.wait_dma2 semaphore(%run_scoped3A : memref<!tpu.dma_semaphore, #tpu.memory_space<semaphore_mem>>) src(%arg3 : memref<10x20xf32, #tpu.memory_space<hbm>>) dst(%arg7 : memref<10x20xf32, #tpu.memory_space<vmem>>)
      tpu.yield
    }) : () -> ()
    "tpu.region"() ({
      %run_scoped3A = tpu.sem_alloc : memref<!tpu.dma_semaphore, #tpu.memory_space<semaphore_mem>>
      tpu.enqueue_dma source(%arg4 : memref<5x20xf32, #tpu.memory_space<hbm>>) target(%arg8 : memref<5x20xf32, #tpu.memory_space<vmem>>) target_semaphore(%run_scoped3A : memref<!tpu.dma_semaphore, #tpu.memory_space<semaphore_mem>>)
      tpu.wait_dma2 semaphore(%run_scoped3A : memref<!tpu.dma_semaphore, #tpu.memory_space<semaphore_mem>>) src(%arg4 : memref<5x20xf32, #tpu.memory_space<hbm>>) dst(%arg8 : memref<5x20xf32, #tpu.memory_space<vmem>>)
      tpu.yield
    }) : () -> ()
    "tpu.region"() ({
      %run_scoped3A = tpu.sem_alloc : memref<!tpu.dma_semaphore, #tpu.memory_space<semaphore_mem>>
      tpu.enqueue_dma source(%arg5 : memref<1x5xf32, #tpu.memory_space<hbm>>) target(%arg9 : memref<1x5xf32, #tpu.memory_space<vmem>>) target_semaphore(%run_scoped3A : memref<!tpu.dma_semaphore, #tpu.memory_space<semaphore_mem>>)
      tpu.wait_dma2 semaphore(%run_scoped3A : memref<!tpu.dma_semaphore, #tpu.memory_space<semaphore_mem>>) src(%arg5 : memref<1x5xf32, #tpu.memory_space<hbm>>) dst(%arg9 : memref<1x5xf32, #tpu.memory_space<vmem>>)
      tpu.yield
    }) : () -> ()
    %add3A_2 = arith.constant 0 : i32
    %add3A_3 = vector.broadcast %add3A_2 : i32 to vector<16xi32>
    %add3A_4 = arith.addi %add3A_3, %iota3A : vector<16xi32>
    %jit3A = arith.constant 5 : i32
    %div3A = vector.broadcast %jit3A : i32 to vector<16xi32>
    %div3A_5 = arith.divsi %add3A_4, %div3A : vector<16xi32>
    %sign3A = arith.constant 0 : i32
    %sign3A_6 = vector.broadcast %sign3A : i32 to vector<16xi32>
    %sign3A_7 = arith.cmpi sgt, %add3A_4, %sign3A_6 : vector<16xi32>
    %sign3A_8 = arith.extui %sign3A_7 : vector<16xi1> to vector<16xi32>
    %sign3A_9 = arith.constant 0 : i32
    %sign3A_10 = vector.broadcast %sign3A_9 : i32 to vector<16xi32>
    %sign3A_11 = arith.cmpi slt, %add3A_4, %sign3A_10 : vector<16xi32>
    %sign3A_12 = arith.extui %sign3A_11 : vector<16xi1> to vector<16xi32>
    %sign3A_13 = arith.subi %sign3A_8, %sign3A_12 : vector<16xi32>
    %sign3A_14 = arith.constant 0 : i32
    %sign3A_15 = arith.cmpi sgt, %jit3A, %sign3A_14 : i32
    %sign3A_16 = arith.extui %sign3A_15 : i1 to i32
    %sign3A_17 = arith.constant 0 : i32
    %sign3A_18 = arith.cmpi slt, %jit3A, %sign3A_17 : i32
    %sign3A_19 = arith.extui %sign3A_18 : i1 to i32
    %sign3A_20 = arith.subi %sign3A_16, %sign3A_19 : i32
    %ne3A = vector.broadcast %sign3A_20 : i32 to vector<16xi32>
    %ne3A_21 = arith.cmpi ne, %sign3A_13, %ne3A : vector<16xi32>
    %rem3A = vector.broadcast %jit3A : i32 to vector<16xi32>
    %rem3A_22 = arith.remsi %add3A_4, %rem3A : vector<16xi32>
    %ne3A_23 = arith.constant 0 : i32
    %ne3A_24 = vector.broadcast %ne3A_23 : i32 to vector<16xi32>
    %ne3A_25 = arith.cmpi ne, %rem3A_22, %ne3A_24 : vector<16xi32>
    %and3A = arith.andi %ne3A_21, %ne3A_25 : vector<16xi1>
    %sub3A = arith.constant 1 : i32
    %sub3A_26 = vector.broadcast %sub3A : i32 to vector<16xi32>
    %sub3A_27 = arith.subi %div3A_5, %sub3A_26 : vector<16xi32>
    %select_n3A = arith.select %and3A, %sub3A_27, %div3A_5 : vector<16xi1>, vector<16xi32>
    %min3A = arith.constant 9 : i32
    %min3A_28 = vector.broadcast %min3A : i32 to vector<16xi32>
    %min3A_29 = arith.minsi %select_n3A, %min3A_28 : vector<16xi32>
    %jit3A_30 = arith.constant 5 : i32
    %div3A_31 = vector.broadcast %jit3A_30 : i32 to vector<16xi32>
    %div3A_32 = arith.divsi %add3A_4, %div3A_31 : vector<16xi32>
    %sign3A_33 = arith.constant 0 : i32
    %sign3A_34 = vector.broadcast %sign3A_33 : i32 to vector<16xi32>
    %sign3A_35 = arith.cmpi sgt, %add3A_4, %sign3A_34 : vector<16xi32>
    %sign3A_36 = arith.extui %sign3A_35 : vector<16xi1> to vector<16xi32>
    %sign3A_37 = arith.constant 0 : i32
    %sign3A_38 = vector.broadcast %sign3A_37 : i32 to vector<16xi32>
    %sign3A_39 = arith.cmpi slt, %add3A_4, %sign3A_38 : vector<16xi32>
    %sign3A_40 = arith.extui %sign3A_39 : vector<16xi1> to vector<16xi32>
    %sign3A_41 = arith.subi %sign3A_36, %sign3A_40 : vector<16xi32>
    %sign3A_42 = arith.constant 0 : i32
    %sign3A_43 = arith.cmpi sgt, %jit3A_30, %sign3A_42 : i32
    %sign3A_44 = arith.extui %sign3A_43 : i1 to i32
    %sign3A_45 = arith.constant 0 : i32
    %sign3A_46 = arith.cmpi slt, %jit3A_30, %sign3A_45 : i32
    %sign3A_47 = arith.extui %sign3A_46 : i1 to i32
    %sign3A_48 = arith.subi %sign3A_44, %sign3A_47 : i32
    %ne3A_49 = vector.broadcast %sign3A_48 : i32 to vector<16xi32>
    %ne3A_50 = arith.cmpi ne, %sign3A_41, %ne3A_49 : vector<16xi32>
    %rem3A_51 = vector.broadcast %jit3A_30 : i32 to vector<16xi32>
    %rem3A_52 = arith.remsi %add3A_4, %rem3A_51 : vector<16xi32>
    %ne3A_53 = arith.constant 0 : i32
    %ne3A_54 = vector.broadcast %ne3A_53 : i32 to vector<16xi32>
    %ne3A_55 = arith.cmpi ne, %rem3A_52, %ne3A_54 : vector<16xi32>
    %and3A_56 = arith.andi %ne3A_50, %ne3A_55 : vector<16xi1>
    %sub3A_57 = arith.constant 1 : i32
    %sub3A_58 = vector.broadcast %sub3A_57 : i32 to vector<16xi32>
    %sub3A_59 = arith.subi %div3A_32, %sub3A_58 : vector<16xi32>
    %select_n3A_60 = arith.select %and3A_56, %sub3A_59, %div3A_32 : vector<16xi1>, vector<16xi32>
    %mul3A_61 = arith.constant 5 : i32
    %mul3A_62 = vector.broadcast %mul3A_61 : i32 to vector<16xi32>
    %mul3A_63 = arith.muli %mul3A_62, %select_n3A_60 : vector<16xi32>
    %sub3A_64 = arith.subi %add3A_4, %mul3A_63 : vector<16xi32>
    %broadcast_in_dim3A_65 = arith.constant 0.000000e+00 : f32
    %broadcast_in_dim3A_66 = vector.broadcast %broadcast_in_dim3A_65 : f32 to vector<16xf32>
    %add3A_67 = arith.constant 0 : i32
    %add3A_68 = vector.broadcast %add3A_67 : i32 to vector<16xi32>
    %add3A_69 = arith.addi %broadcast_in_dim3A_1, %add3A_68 : vector<16xi32>
    %gather3A = tpu.vector_load_idx %arg7[%min3A_29, %add3A_69] : memref<10x20xf32, #tpu.memory_space<vmem>>[vector<16xi32>, vector<16xi32>], vector<16xf32>,
    %gather3A_70 = tpu.vector_load_idx %arg8[%sub3A_64, %add3A_69] : memref<5x20xf32, #tpu.memory_space<vmem>>[vector<16xi32>, vector<16xi32>], vector<16xf32>,
    %mul3A_71 = arith.mulf %gather3A, %gather3A_70 : vector<16xf32>
    %add3A_72 = arith.addf %broadcast_in_dim3A_66, %mul3A_71 : vector<16xf32>
    %add3A_73 = arith.constant 1 : i32
    %add3A_74 = vector.broadcast %add3A_73 : i32 to vector<16xi32>
    %add3A_75 = arith.addi %broadcast_in_dim3A_1, %add3A_74 : vector<16xi32>
    %gather3A_76 = tpu.vector_load_idx %arg7[%min3A_29, %add3A_75] : memref<10x20xf32, #tpu.memory_space<vmem>>[vector<16xi32>, vector<16xi32>], vector<16xf32>,
    %gather3A_77 = tpu.vector_load_idx %arg8[%sub3A_64, %add3A_75] : memref<5x20xf32, #tpu.memory_space<vmem>>[vector<16xi32>, vector<16xi32>], vector<16xf32>,
    %mul3A_78 = arith.mulf %gather3A_76, %gather3A_77 : vector<16xf32>
    %add3A_79 = arith.addf %add3A_72, %mul3A_78 : vector<16xf32>
    %add3A_80 = arith.constant 2 : i32
    %add3A_81 = vector.broadcast %add3A_80 : i32 to vector<16xi32>
    %add3A_82 = arith.addi %broadcast_in_dim3A_1, %add3A_81 : vector<16xi32>
    %gather3A_83 = tpu.vector_load_idx %arg7[%min3A_29, %add3A_82] : memref<10x20xf32, #tpu.memory_space<vmem>>[vector<16xi32>, vector<16xi32>], vector<16xf32>,
    %gather3A_84 = tpu.vector_load_idx %arg8[%sub3A_64, %add3A_82] : memref<5x20xf32, #tpu.memory_space<vmem>>[vector<16xi32>, vector<16xi32>], vector<16xf32>,
    %mul3A_85 = arith.mulf %gather3A_83, %gather3A_84 : vector<16xf32>
    %add3A_86 = arith.addf %add3A_79, %mul3A_85 : vector<16xf32>
    %add3A_87 = arith.constant 3 : i32
    %add3A_88 = vector.broadcast %add3A_87 : i32 to vector<16xi32>
    %add3A_89 = arith.addi %broadcast_in_dim3A_1, %add3A_88 : vector<16xi32>
    %gather3A_90 = tpu.vector_load_idx %arg7[%min3A_29, %add3A_89] : memref<10x20xf32, #tpu.memory_space<vmem>>[vector<16xi32>, vector<16xi32>], vector<16xf32>,
    %gather3A_91 = tpu.vector_load_idx %arg8[%sub3A_64, %add3A_89] : memref<5x20xf32, #tpu.memory_space<vmem>>[vector<16xi32>, vector<16xi32>], vector<16xf32>,
    %mul3A_92 = arith.mulf %gather3A_90, %gather3A_91 : vector<16xf32>
    %add3A_93 = arith.addf %add3A_86, %mul3A_92 : vector<16xf32>
    %add3A_94 = arith.constant 4 : i32
    %add3A_95 = vector.broadcast %add3A_94 : i32 to vector<16xi32>
    %add3A_96 = arith.addi %broadcast_in_dim3A_1, %add3A_95 : vector<16xi32>
    %gather3A_97 = tpu.vector_load_idx %arg7[%min3A_29, %add3A_96] : memref<10x20xf32, #tpu.memory_space<vmem>>[vector<16xi32>, vector<16xi32>], vector<16xf32>,
    %gather3A_98 = tpu.vector_load_idx %arg8[%sub3A_64, %add3A_96] : memref<5x20xf32, #tpu.memory_space<vmem>>[vector<16xi32>, vector<16xi32>], vector<16xf32>,
    %mul3A_99 = arith.mulf %gather3A_97, %gather3A_98 : vector<16xf32>
    %add3A_100 = arith.addf %add3A_93, %mul3A_99 : vector<16xf32>
    %add3A_101 = arith.constant 5 : i32
    %add3A_102 = vector.broadcast %add3A_101 : i32 to vector<16xi32>
    %add3A_103 = arith.addi %broadcast_in_dim3A_1, %add3A_102 : vector<16xi32>
    %gather3A_104 = tpu.vector_load_idx %arg7[%min3A_29, %add3A_103] : memref<10x20xf32, #tpu.memory_space<vmem>>[vector<16xi32>, vector<16xi32>], vector<16xf32>,
    %gather3A_105 = tpu.vector_load_idx %arg8[%sub3A_64, %add3A_103] : memref<5x20xf32, #tpu.memory_space<vmem>>[vector<16xi32>, vector<16xi32>], vector<16xf32>,
    %mul3A_106 = arith.mulf %gather3A_104, %gather3A_105 : vector<16xf32>
    %add3A_107 = arith.addf %add3A_100, %mul3A_106 : vector<16xf32>
    %add3A_108 = arith.constant 6 : i32
    %add3A_109 = vector.broadcast %add3A_108 : i32 to vector<16xi32>
    %add3A_110 = arith.addi %broadcast_in_dim3A_1, %add3A_109 : vector<16xi32>
    %gather3A_111 = tpu.vector_load_idx %arg7[%min3A_29, %add3A_110] : memref<10x20xf32, #tpu.memory_space<vmem>>[vector<16xi32>, vector<16xi32>], vector<16xf32>,
    %gather3A_112 = tpu.vector_load_idx %arg8[%sub3A_64, %add3A_110] : memref<5x20xf32, #tpu.memory_space<vmem>>[vector<16xi32>, vector<16xi32>], vector<16xf32>,
    %mul3A_113 = arith.mulf %gather3A_111, %gather3A_112 : vector<16xf32>
    %add3A_114 = arith.addf %add3A_107, %mul3A_113 : vector<16xf32>
    %add3A_115 = arith.constant 7 : i32
    %add3A_116 = vector.broadcast %add3A_115 : i32 to vector<16xi32>
    %add3A_117 = arith.addi %broadcast_in_dim3A_1, %add3A_116 : vector<16xi32>
    %gather3A_118 = tpu.vector_load_idx %arg7[%min3A_29, %add3A_117] : memref<10x20xf32, #tpu.memory_space<vmem>>[vector<16xi32>, vector<16xi32>], vector<16xf32>,
    %gather3A_119 = tpu.vector_load_idx %arg8[%sub3A_64, %add3A_117] : memref<5x20xf32, #tpu.memory_space<vmem>>[vector<16xi32>, vector<16xi32>], vector<16xf32>,
    %mul3A_120 = arith.mulf %gather3A_118, %gather3A_119 : vector<16xf32>
    %add3A_121 = arith.addf %add3A_114, %mul3A_120 : vector<16xf32>
    %add3A_122 = arith.constant 8 : i32
    %add3A_123 = vector.broadcast %add3A_122 : i32 to vector<16xi32>
    %add3A_124 = arith.addi %broadcast_in_dim3A_1, %add3A_123 : vector<16xi32>
    %gather3A_125 = tpu.vector_load_idx %arg7[%min3A_29, %add3A_124] : memref<10x20xf32, #tpu.memory_space<vmem>>[vector<16xi32>, vector<16xi32>], vector<16xf32>,
    %gather3A_126 = tpu.vector_load_idx %arg8[%sub3A_64, %add3A_124] : memref<5x20xf32, #tpu.memory_space<vmem>>[vector<16xi32>, vector<16xi32>], vector<16xf32>,
    %mul3A_127 = arith.mulf %gather3A_125, %gather3A_126 : vector<16xf32>
    %add3A_128 = arith.addf %add3A_121, %mul3A_127 : vector<16xf32>
    %add3A_129 = arith.constant 9 : i32
    %add3A_130 = vector.broadcast %add3A_129 : i32 to vector<16xi32>
    %add3A_131 = arith.addi %broadcast_in_dim3A_1, %add3A_130 : vector<16xi32>
    %gather3A_132 = tpu.vector_load_idx %arg7[%min3A_29, %add3A_131] : memref<10x20xf32, #tpu.memory_space<vmem>>[vector<16xi32>, vector<16xi32>], vector<16xf32>,
    %gather3A_133 = tpu.vector_load_idx %arg8[%sub3A_64, %add3A_131] : memref<5x20xf32, #tpu.memory_space<vmem>>[vector<16xi32>, vector<16xi32>], vector<16xf32>,
    %mul3A_134 = arith.mulf %gather3A_132, %gather3A_133 : vector<16xf32>
    %add3A_135 = arith.addf %add3A_128, %mul3A_134 : vector<16xf32>
    %add3A_136 = arith.constant 10 : i32
    %add3A_137 = vector.broadcast %add3A_136 : i32 to vector<16xi32>
    %add3A_138 = arith.addi %broadcast_in_dim3A_1, %add3A_137 : vector<16xi32>
    %gather3A_139 = tpu.vector_load_idx %arg7[%min3A_29, %add3A_138] : memref<10x20xf32, #tpu.memory_space<vmem>>[vector<16xi32>, vector<16xi32>], vector<16xf32>,
    %gather3A_140 = tpu.vector_load_idx %arg8[%sub3A_64, %add3A_138] : memref<5x20xf32, #tpu.memory_space<vmem>>[vector<16xi32>, vector<16xi32>], vector<16xf32>,
    %mul3A_141 = arith.mulf %gather3A_139, %gather3A_140 : vector<16xf32>
    %add3A_142 = arith.addf %add3A_135, %mul3A_141 : vector<16xf32>
    %add3A_143 = arith.constant 11 : i32
    %add3A_144 = vector.broadcast %add3A_143 : i32 to vector<16xi32>
    %add3A_145 = arith.addi %broadcast_in_dim3A_1, %add3A_144 : vector<16xi32>
    %gather3A_146 = tpu.vector_load_idx %arg7[%min3A_29, %add3A_145] : memref<10x20xf32, #tpu.memory_space<vmem>>[vector<16xi32>, vector<16xi32>], vector<16xf32>,
    %gather3A_147 = tpu.vector_load_idx %arg8[%sub3A_64, %add3A_145] : memref<5x20xf32, #tpu.memory_space<vmem>>[vector<16xi32>, vector<16xi32>], vector<16xf32>,
    %mul3A_148 = arith.mulf %gather3A_146, %gather3A_147 : vector<16xf32>
    %add3A_149 = arith.addf %add3A_142, %mul3A_148 : vector<16xf32>
    %add3A_150 = arith.constant 12 : i32
    %add3A_151 = vector.broadcast %add3A_150 : i32 to vector<16xi32>
    %add3A_152 = arith.addi %broadcast_in_dim3A_1, %add3A_151 : vector<16xi32>
    %gather3A_153 = tpu.vector_load_idx %arg7[%min3A_29, %add3A_152] : memref<10x20xf32, #tpu.memory_space<vmem>>[vector<16xi32>, vector<16xi32>], vector<16xf32>,
    %gather3A_154 = tpu.vector_load_idx %arg8[%sub3A_64, %add3A_152] : memref<5x20xf32, #tpu.memory_space<vmem>>[vector<16xi32>, vector<16xi32>], vector<16xf32>,
    %mul3A_155 = arith.mulf %gather3A_153, %gather3A_154 : vector<16xf32>
    %add3A_156 = arith.addf %add3A_149, %mul3A_155 : vector<16xf32>
    %add3A_157 = arith.constant 13 : i32
    %add3A_158 = vector.broadcast %add3A_157 : i32 to vector<16xi32>
    %add3A_159 = arith.addi %broadcast_in_dim3A_1, %add3A_158 : vector<16xi32>
    %gather3A_160 = tpu.vector_load_idx %arg7[%min3A_29, %add3A_159] : memref<10x20xf32, #tpu.memory_space<vmem>>[vector<16xi32>, vector<16xi32>], vector<16xf32>,
    %gather3A_161 = tpu.vector_load_idx %arg8[%sub3A_64, %add3A_159] : memref<5x20xf32, #tpu.memory_space<vmem>>[vector<16xi32>, vector<16xi32>], vector<16xf32>,
    %mul3A_162 = arith.mulf %gather3A_160, %gather3A_161 : vector<16xf32>
    %add3A_163 = arith.addf %add3A_156, %mul3A_162 : vector<16xf32>
    %add3A_164 = arith.constant 14 : i32
    %add3A_165 = vector.broadcast %add3A_164 : i32 to vector<16xi32>
    %add3A_166 = arith.addi %broadcast_in_dim3A_1, %add3A_165 : vector<16xi32>
    %gather3A_167 = tpu.vector_load_idx %arg7[%min3A_29, %add3A_166] : memref<10x20xf32, #tpu.memory_space<vmem>>[vector<16xi32>, vector<16xi32>], vector<16xf32>,
    %gather3A_168 = tpu.vector_load_idx %arg8[%sub3A_64, %add3A_166] : memref<5x20xf32, #tpu.memory_space<vmem>>[vector<16xi32>, vector<16xi32>], vector<16xf32>,
    %mul3A_169 = arith.mulf %gather3A_167, %gather3A_168 : vector<16xf32>
    %add3A_170 = arith.addf %add3A_163, %mul3A_169 : vector<16xf32>
    %add3A_171 = arith.constant 15 : i32
    %add3A_172 = vector.broadcast %add3A_171 : i32 to vector<16xi32>
    %add3A_173 = arith.addi %broadcast_in_dim3A_1, %add3A_172 : vector<16xi32>
    %gather3A_174 = tpu.vector_load_idx %arg7[%min3A_29, %add3A_173] : memref<10x20xf32, #tpu.memory_space<vmem>>[vector<16xi32>, vector<16xi32>], vector<16xf32>,
    %gather3A_175 = tpu.vector_load_idx %arg8[%sub3A_64, %add3A_173] : memref<5x20xf32, #tpu.memory_space<vmem>>[vector<16xi32>, vector<16xi32>], vector<16xf32>,
    %mul3A_176 = arith.mulf %gather3A_174, %gather3A_175 : vector<16xf32>
    %add3A_177 = arith.addf %add3A_170, %mul3A_176 : vector<16xf32>
    %add3A_178 = arith.constant 16 : i32
    %add3A_179 = vector.broadcast %add3A_178 : i32 to vector<16xi32>
    %add3A_180 = arith.addi %broadcast_in_dim3A_1, %add3A_179 : vector<16xi32>
    %gather3A_181 = tpu.vector_load_idx %arg7[%min3A_29, %add3A_180] : memref<10x20xf32, #tpu.memory_space<vmem>>[vector<16xi32>, vector<16xi32>], vector<16xf32>,
    %gather3A_182 = tpu.vector_load_idx %arg8[%sub3A_64, %add3A_180] : memref<5x20xf32, #tpu.memory_space<vmem>>[vector<16xi32>, vector<16xi32>], vector<16xf32>,
    %mul3A_183 = arith.mulf %gather3A_181, %gather3A_182 : vector<16xf32>
    %add3A_184 = arith.addf %add3A_177, %mul3A_183 : vector<16xf32>
    %add3A_185 = arith.constant 17 : i32
    %add3A_186 = vector.broadcast %add3A_185 : i32 to vector<16xi32>
    %add3A_187 = arith.addi %broadcast_in_dim3A_1, %add3A_186 : vector<16xi32>
    %gather3A_188 = tpu.vector_load_idx %arg7[%min3A_29, %add3A_187] : memref<10x20xf32, #tpu.memory_space<vmem>>[vector<16xi32>, vector<16xi32>], vector<16xf32>,
    %gather3A_189 = tpu.vector_load_idx %arg8[%sub3A_64, %add3A_187] : memref<5x20xf32, #tpu.memory_space<vmem>>[vector<16xi32>, vector<16xi32>], vector<16xf32>,
    %mul3A_190 = arith.mulf %gather3A_188, %gather3A_189 : vector<16xf32>
    %add3A_191 = arith.addf %add3A_184, %mul3A_190 : vector<16xf32>
    %add3A_192 = arith.constant 18 : i32
    %add3A_193 = vector.broadcast %add3A_192 : i32 to vector<16xi32>
    %add3A_194 = arith.addi %broadcast_in_dim3A_1, %add3A_193 : vector<16xi32>
    %gather3A_195 = tpu.vector_load_idx %arg7[%min3A_29, %add3A_194] : memref<10x20xf32, #tpu.memory_space<vmem>>[vector<16xi32>, vector<16xi32>], vector<16xf32>,
    %gather3A_196 = tpu.vector_load_idx %arg8[%sub3A_64, %add3A_194] : memref<5x20xf32, #tpu.memory_space<vmem>>[vector<16xi32>, vector<16xi32>], vector<16xf32>,
    %mul3A_197 = arith.mulf %gather3A_195, %gather3A_196 : vector<16xf32>
    %add3A_198 = arith.addf %add3A_191, %mul3A_197 : vector<16xf32>
    %add3A_199 = arith.constant 19 : i32
    %add3A_200 = vector.broadcast %add3A_199 : i32 to vector<16xi32>
    %add3A_201 = arith.addi %broadcast_in_dim3A_1, %add3A_200 : vector<16xi32>
    %gather3A_202 = tpu.vector_load_idx %arg7[%min3A_29, %add3A_201] : memref<10x20xf32, #tpu.memory_space<vmem>>[vector<16xi32>, vector<16xi32>], vector<16xf32>,
    %gather3A_203 = tpu.vector_load_idx %arg8[%sub3A_64, %add3A_201] : memref<5x20xf32, #tpu.memory_space<vmem>>[vector<16xi32>, vector<16xi32>], vector<16xf32>,
    %mul3A_204 = arith.mulf %gather3A_202, %gather3A_203 : vector<16xf32>
    %add3A_205 = arith.addf %add3A_198, %mul3A_204 : vector<16xf32>
    %gather3A_206 = tpu.vector_load_idx %arg9[%broadcast_in_dim3A_1, %sub3A_64] : memref<1x5xf32, #tpu.memory_space<vmem>>[vector<16xi32>, vector<16xi32>], vector<16xf32>,
    %add3A_207 = arith.addf %add3A_205, %gather3A_206 : vector<16xf32>
    %swap3A = arith.constant 0 : index
    %swap3A_208 = tpu.vector_load %arg10[%swap3A] {strides = array<i32>} : memref<64xf32, #tpu.memory_space<vmem>>, vector<16xf32>,
    tpu.vector_store %arg10[%swap3A], %add3A_207 {strides = array<i32>} : memref<64xf32, #tpu.memory_space<vmem>>, vector<16xf32>,
    %add3A_209 = arith.constant 16 : i32
    %add3A_210 = vector.broadcast %add3A_209 : i32 to vector<16xi32>
    %add3A_211 = arith.addi %add3A_210, %iota3A : vector<16xi32>
    %jit3A_212 = arith.constant 5 : i32
    %div3A_213 = vector.broadcast %jit3A_212 : i32 to vector<16xi32>
    %div3A_214 = arith.divsi %add3A_211, %div3A_213 : vector<16xi32>
    %sign3A_215 = arith.constant 0 : i32
    %sign3A_216 = vector.broadcast %sign3A_215 : i32 to vector<16xi32>
    %sign3A_217 = arith.cmpi sgt, %add3A_211, %sign3A_216 : vector<16xi32>
    %sign3A_218 = arith.extui %sign3A_217 : vector<16xi1> to vector<16xi32>
    %sign3A_219 = arith.constant 0 : i32
    %sign3A_220 = vector.broadcast %sign3A_219 : i32 to vector<16xi32>
    %sign3A_221 = arith.cmpi slt, %add3A_211, %sign3A_220 : vector<16xi32>
    %sign3A_222 = arith.extui %sign3A_221 : vector<16xi1> to vector<16xi32>
    %sign3A_223 = arith.subi %sign3A_218, %sign3A_222 : vector<16xi32>
    %sign3A_224 = arith.constant 0 : i32
    %sign3A_225 = arith.cmpi sgt, %jit3A_212, %sign3A_224 : i32
    %sign3A_226 = arith.extui %sign3A_225 : i1 to i32
    %sign3A_227 = arith.constant 0 : i32
    %sign3A_228 = arith.cmpi slt, %jit3A_212, %sign3A_227 : i32
    %sign3A_229 = arith.extui %sign3A_228 : i1 to i32
    %sign3A_230 = arith.subi %sign3A_226, %sign3A_229 : i32
    %ne3A_231 = vector.broadcast %sign3A_230 : i32 to vector<16xi32>
    %ne3A_232 = arith.cmpi ne, %sign3A_223, %ne3A_231 : vector<16xi32>
    %rem3A_233 = vector.broadcast %jit3A_212 : i32 to vector<16xi32>
    %rem3A_234 = arith.remsi %add3A_211, %rem3A_233 : vector<16xi32>
    %ne3A_235 = arith.constant 0 : i32
    %ne3A_236 = vector.broadcast %ne3A_235 : i32 to vector<16xi32>
    %ne3A_237 = arith.cmpi ne, %rem3A_234, %ne3A_236 : vector<16xi32>
    %and3A_238 = arith.andi %ne3A_232, %ne3A_237 : vector<16xi1>
    %sub3A_239 = arith.constant 1 : i32
    %sub3A_240 = vector.broadcast %sub3A_239 : i32 to vector<16xi32>
    %sub3A_241 = arith.subi %div3A_214, %sub3A_240 : vector<16xi32>
    %select_n3A_242 = arith.select %and3A_238, %sub3A_241, %div3A_214 : vector<16xi1>, vector<16xi32>
    %min3A_243 = arith.constant 9 : i32
    %min3A_244 = vector.broadcast %min3A_243 : i32 to vector<16xi32>
    %min3A_245 = arith.minsi %select_n3A_242, %min3A_244 : vector<16xi32>
    %jit3A_246 = arith.constant 5 : i32
    %div3A_247 = vector.broadcast %jit3A_246 : i32 to vector<16xi32>
    %div3A_248 = arith.divsi %add3A_211, %div3A_247 : vector<16xi32>
    %sign3A_249 = arith.constant 0 : i32
    %sign3A_250 = vector.broadcast %sign3A_249 : i32 to vector<16xi32>
    %sign3A_251 = arith.cmpi sgt, %add3A_211, %sign3A_250 : vector<16xi32>
    %sign3A_252 = arith.extui %sign3A_251 : vector<16xi1> to vector<16xi32>
    %sign3A_253 = arith.constant 0 : i32
    %sign3A_254 = vector.broadcast %sign3A_253 : i32 to vector<16xi32>
    %sign3A_255 = arith.cmpi slt, %add3A_211, %sign3A_254 : vector<16xi32>
    %sign3A_256 = arith.extui %sign3A_255 : vector<16xi1> to vector<16xi32>
    %sign3A_257 = arith.subi %sign3A_252, %sign3A_256 : vector<16xi32>
    %sign3A_258 = arith.constant 0 : i32
    %sign3A_259 = arith.cmpi sgt, %jit3A_246, %sign3A_258 : i32
    %sign3A_260 = arith.extui %sign3A_259 : i1 to i32
    %sign3A_261 = arith.constant 0 : i32
    %sign3A_262 = arith.cmpi slt, %jit3A_246, %sign3A_261 : i32
    %sign3A_263 = arith.extui %sign3A_262 : i1 to i32
    %sign3A_264 = arith.subi %sign3A_260, %sign3A_263 : i32
    %ne3A_265 = vector.broadcast %sign3A_264 : i32 to vector<16xi32>
    %ne3A_266 = arith.cmpi ne, %sign3A_257, %ne3A_265 : vector<16xi32>
    %rem3A_267 = vector.broadcast %jit3A_246 : i32 to vector<16xi32>
    %rem3A_268 = arith.remsi %add3A_211, %rem3A_267 : vector<16xi32>
    %ne3A_269 = arith.constant 0 : i32
    %ne3A_270 = vector.broadcast %ne3A_269 : i32 to vector<16xi32>
    %ne3A_271 = arith.cmpi ne, %rem3A_268, %ne3A_270 : vector<16xi32>
    %and3A_272 = arith.andi %ne3A_266, %ne3A_271 : vector<16xi1>
    %sub3A_273 = arith.constant 1 : i32
    %sub3A_274 = vector.broadcast %sub3A_273 : i32 to vector<16xi32>
    %sub3A_275 = arith.subi %div3A_248, %sub3A_274 : vector<16xi32>
    %select_n3A_276 = arith.select %and3A_272, %sub3A_275, %div3A_248 : vector<16xi1>, vector<16xi32>
    %mul3A_277 = arith.constant 5 : i32
    %mul3A_278 = vector.broadcast %mul3A_277 : i32 to vector<16xi32>
    %mul3A_279 = arith.muli %mul3A_278, %select_n3A_276 : vector<16xi32>
    %sub3A_280 = arith.subi %add3A_211, %mul3A_279 : vector<16xi32>
    %broadcast_in_dim3A_281 = arith.constant 0.000000e+00 : f32
    %broadcast_in_dim3A_282 = vector.broadcast %broadcast_in_dim3A_281 : f32 to vector<16xf32>
    %add3A_283 = arith.constant 0 : i32
    %add3A_284 = vector.broadcast %add3A_283 : i32 to vector<16xi32>
    %add3A_285 = arith.addi %broadcast_in_dim3A_1, %add3A_284 : vector<16xi32>
    %gather3A_286 = tpu.vector_load_idx %arg7[%min3A_245, %add3A_285] : memref<10x20xf32, #tpu.memory_space<vmem>>[vector<16xi32>, vector<16xi32>], vector<16xf32>,
    %gather3A_287 = tpu.vector_load_idx %arg8[%sub3A_280, %add3A_285] : memref<5x20xf32, #tpu.memory_space<vmem>>[vector<16xi32>, vector<16xi32>], vector<16xf32>,
    %mul3A_288 = arith.mulf %gather3A_286, %gather3A_287 : vector<16xf32>
    %add3A_289 = arith.addf %broadcast_in_dim3A_282, %mul3A_288 : vector<16xf32>
    %add3A_290 = arith.constant 1 : i32
    %add3A_291 = vector.broadcast %add3A_290 : i32 to vector<16xi32>
    %add3A_292 = arith.addi %broadcast_in_dim3A_1, %add3A_291 : vector<16xi32>
    %gather3A_293 = tpu.vector_load_idx %arg7[%min3A_245, %add3A_292] : memref<10x20xf32, #tpu.memory_space<vmem>>[vector<16xi32>, vector<16xi32>], vector<16xf32>,
    %gather3A_294 = tpu.vector_load_idx %arg8[%sub3A_280, %add3A_292] : memref<5x20xf32, #tpu.memory_space<vmem>>[vector<16xi32>, vector<16xi32>], vector<16xf32>,
    %mul3A_295 = arith.mulf %gather3A_293, %gather3A_294 : vector<16xf32>
    %add3A_296 = arith.addf %add3A_289, %mul3A_295 : vector<16xf32>
    %add3A_297 = arith.constant 2 : i32
    %add3A_298 = vector.broadcast %add3A_297 : i32 to vector<16xi32>
    %add3A_299 = arith.addi %broadcast_in_dim3A_1, %add3A_298 : vector<16xi32>
    %gather3A_300 = tpu.vector_load_idx %arg7[%min3A_245, %add3A_299] : memref<10x20xf32, #tpu.memory_space<vmem>>[vector<16xi32>, vector<16xi32>], vector<16xf32>,
    %gather3A_301 = tpu.vector_load_idx %arg8[%sub3A_280, %add3A_299] : memref<5x20xf32, #tpu.memory_space<vmem>>[vector<16xi32>, vector<16xi32>], vector<16xf32>,
    %mul3A_302 = arith.mulf %gather3A_300, %gather3A_301 : vector<16xf32>
    %add3A_303 = arith.addf %add3A_296, %mul3A_302 : vector<16xf32>
    %add3A_304 = arith.constant 3 : i32
    %add3A_305 = vector.broadcast %add3A_304 : i32 to vector<16xi32>
    %add3A_306 = arith.addi %broadcast_in_dim3A_1, %add3A_305 : vector<16xi32>
    %gather3A_307 = tpu.vector_load_idx %arg7[%min3A_245, %add3A_306] : memref<10x20xf32, #tpu.memory_space<vmem>>[vector<16xi32>, vector<16xi32>], vector<16xf32>,
    %gather3A_308 = tpu.vector_load_idx %arg8[%sub3A_280, %add3A_306] : memref<5x20xf32, #tpu.memory_space<vmem>>[vector<16xi32>, vector<16xi32>], vector<16xf32>,
    %mul3A_309 = arith.mulf %gather3A_307, %gather3A_308 : vector<16xf32>
    %add3A_310 = arith.addf %add3A_303, %mul3A_309 : vector<16xf32>
    %add3A_311 = arith.constant 4 : i32
    %add3A_312 = vector.broadcast %add3A_311 : i32 to vector<16xi32>
    %add3A_313 = arith.addi %broadcast_in_dim3A_1, %add3A_312 : vector<16xi32>
    %gather3A_314 = tpu.vector_load_idx %arg7[%min3A_245, %add3A_313] : memref<10x20xf32, #tpu.memory_space<vmem>>[vector<16xi32>, vector<16xi32>], vector<16xf32>,
    %gather3A_315 = tpu.vector_load_idx %arg8[%sub3A_280, %add3A_313] : memref<5x20xf32, #tpu.memory_space<vmem>>[vector<16xi32>, vector<16xi32>], vector<16xf32>,
    %mul3A_316 = arith.mulf %gather3A_314, %gather3A_315 : vector<16xf32>
    %add3A_317 = arith.addf %add3A_310, %mul3A_316 : vector<16xf32>
    %add3A_318 = arith.constant 5 : i32
    %add3A_319 = vector.broadcast %add3A_318 : i32 to vector<16xi32>
    %add3A_320 = arith.addi %broadcast_in_dim3A_1, %add3A_319 : vector<16xi32>
    %gather3A_321 = tpu.vector_load_idx %arg7[%min3A_245, %add3A_320] : memref<10x20xf32, #tpu.memory_space<vmem>>[vector<16xi32>, vector<16xi32>], vector<16xf32>,
    %gather3A_322 = tpu.vector_load_idx %arg8[%sub3A_280, %add3A_320] : memref<5x20xf32, #tpu.memory_space<vmem>>[vector<16xi32>, vector<16xi32>], vector<16xf32>,
    %mul3A_323 = arith.mulf %gather3A_321, %gather3A_322 : vector<16xf32>
    %add3A_324 = arith.addf %add3A_317, %mul3A_323 : vector<16xf32>
    %add3A_325 = arith.constant 6 : i32
    %add3A_326 = vector.broadcast %add3A_325 : i32 to vector<16xi32>
    %add3A_327 = arith.addi %broadcast_in_dim3A_1, %add3A_326 : vector<16xi32>
    %gather3A_328 = tpu.vector_load_idx %arg7[%min3A_245, %add3A_327] : memref<10x20xf32, #tpu.memory_space<vmem>>[vector<16xi32>, vector<16xi32>], vector<16xf32>,
    %gather3A_329 = tpu.vector_load_idx %arg8[%sub3A_280, %add3A_327] : memref<5x20xf32, #tpu.memory_space<vmem>>[vector<16xi32>, vector<16xi32>], vector<16xf32>,
    %mul3A_330 = arith.mulf %gather3A_328, %gather3A_329 : vector<16xf32>
    %add3A_331 = arith.addf %add3A_324, %mul3A_330 : vector<16xf32>
    %add3A_332 = arith.constant 7 : i32
    %add3A_333 = vector.broadcast %add3A_332 : i32 to vector<16xi32>
    %add3A_334 = arith.addi %broadcast_in_dim3A_1, %add3A_333 : vector<16xi32>
    %gather3A_335 = tpu.vector_load_idx %arg7[%min3A_245, %add3A_334] : memref<10x20xf32, #tpu.memory_space<vmem>>[vector<16xi32>, vector<16xi32>], vector<16xf32>,
    %gather3A_336 = tpu.vector_load_idx %arg8[%sub3A_280, %add3A_334] : memref<5x20xf32, #tpu.memory_space<vmem>>[vector<16xi32>, vector<16xi32>], vector<16xf32>,
    %mul3A_337 = arith.mulf %gather3A_335, %gather3A_336 : vector<16xf32>
    %add3A_338 = arith.addf %add3A_331, %mul3A_337 : vector<16xf32>
    %add3A_339 = arith.constant 8 : i32
    %add3A_340 = vector.broadcast %add3A_339 : i32 to vector<16xi32>
    %add3A_341 = arith.addi %broadcast_in_dim3A_1, %add3A_340 : vector<16xi32>
    %gather3A_342 = tpu.vector_load_idx %arg7[%min3A_245, %add3A_341] : memref<10x20xf32, #tpu.memory_space<vmem>>[vector<16xi32>, vector<16xi32>], vector<16xf32>,
    %gather3A_343 = tpu.vector_load_idx %arg8[%sub3A_280, %add3A_341] : memref<5x20xf32, #tpu.memory_space<vmem>>[vector<16xi32>, vector<16xi32>], vector<16xf32>,
    %mul3A_344 = arith.mulf %gather3A_342, %gather3A_343 : vector<16xf32>
    %add3A_345 = arith.addf %add3A_338, %mul3A_344 : vector<16xf32>
    %add3A_346 = arith.constant 9 : i32
    %add3A_347 = vector.broadcast %add3A_346 : i32 to vector<16xi32>
    %add3A_348 = arith.addi %broadcast_in_dim3A_1, %add3A_347 : vector<16xi32>
    %gather3A_349 = tpu.vector_load_idx %arg7[%min3A_245, %add3A_348] : memref<10x20xf32, #tpu.memory_space<vmem>>[vector<16xi32>, vector<16xi32>], vector<16xf32>,
    %gather3A_350 = tpu.vector_load_idx %arg8[%sub3A_280, %add3A_348] : memref<5x20xf32, #tpu.memory_space<vmem>>[vector<16xi32>, vector<16xi32>], vector<16xf32>,
    %mul3A_351 = arith.mulf %gather3A_349, %gather3A_350 : vector<16xf32>
    %add3A_352 = arith.addf %add3A_345, %mul3A_351 : vector<16xf32>
    %add3A_353 = arith.constant 10 : i32
    %add3A_354 = vector.broadcast %add3A_353 : i32 to vector<16xi32>
    %add3A_355 = arith.addi %broadcast_in_dim3A_1, %add3A_354 : vector<16xi32>
    %gather3A_356 = tpu.vector_load_idx %arg7[%min3A_245, %add3A_355] : memref<10x20xf32, #tpu.memory_space<vmem>>[vector<16xi32>, vector<16xi32>], vector<16xf32>,
    %gather3A_357 = tpu.vector_load_idx %arg8[%sub3A_280, %add3A_355] : memref<5x20xf32, #tpu.memory_space<vmem>>[vector<16xi32>, vector<16xi32>], vector<16xf32>,
    %mul3A_358 = arith.mulf %gather3A_356, %gather3A_357 : vector<16xf32>
    %add3A_359 = arith.addf %add3A_352, %mul3A_358 : vector<16xf32>
    %add3A_360 = arith.constant 11 : i32
    %add3A_361 = vector.broadcast %add3A_360 : i32 to vector<16xi32>
    %add3A_362 = arith.addi %broadcast_in_dim3A_1, %add3A_361 : vector<16xi32>
    %gather3A_363 = tpu.vector_load_idx %arg7[%min3A_245, %add3A_362] : memref<10x20xf32, #tpu.memory_space<vmem>>[vector<16xi32>, vector<16xi32>], vector<16xf32>,
    %gather3A_364 = tpu.vector_load_idx %arg8[%sub3A_280, %add3A_362] : memref<5x20xf32, #tpu.memory_space<vmem>>[vector<16xi32>, vector<16xi32>], vector<16xf32>,
    %mul3A_365 = arith.mulf %gather3A_363, %gather3A_364 : vector<16xf32>
    %add3A_366 = arith.addf %add3A_359, %mul3A_365 : vector<16xf32>
    %add3A_367 = arith.constant 12 : i32
    %add3A_368 = vector.broadcast %add3A_367 : i32 to vector<16xi32>
    %add3A_369 = arith.addi %broadcast_in_dim3A_1, %add3A_368 : vector<16xi32>
    %gather3A_370 = tpu.vector_load_idx %arg7[%min3A_245, %add3A_369] : memref<10x20xf32, #tpu.memory_space<vmem>>[vector<16xi32>, vector<16xi32>], vector<16xf32>,
    %gather3A_371 = tpu.vector_load_idx %arg8[%sub3A_280, %add3A_369] : memref<5x20xf32, #tpu.memory_space<vmem>>[vector<16xi32>, vector<16xi32>], vector<16xf32>,
    %mul3A_372 = arith.mulf %gather3A_370, %gather3A_371 : vector<16xf32>
    %add3A_373 = arith.addf %add3A_366, %mul3A_372 : vector<16xf32>
    %add3A_374 = arith.constant 13 : i32
    %add3A_375 = vector.broadcast %add3A_374 : i32 to vector<16xi32>
    %add3A_376 = arith.addi %broadcast_in_dim3A_1, %add3A_375 : vector<16xi32>
    %gather3A_377 = tpu.vector_load_idx %arg7[%min3A_245, %add3A_376] : memref<10x20xf32, #tpu.memory_space<vmem>>[vector<16xi32>, vector<16xi32>], vector<16xf32>,
    %gather3A_378 = tpu.vector_load_idx %arg8[%sub3A_280, %add3A_376] : memref<5x20xf32, #tpu.memory_space<vmem>>[vector<16xi32>, vector<16xi32>], vector<16xf32>,
    %mul3A_379 = arith.mulf %gather3A_377, %gather3A_378 : vector<16xf32>
    %add3A_380 = arith.addf %add3A_373, %mul3A_379 : vector<16xf32>
    %add3A_381 = arith.constant 14 : i32
    %add3A_382 = vector.broadcast %add3A_381 : i32 to vector<16xi32>
    %add3A_383 = arith.addi %broadcast_in_dim3A_1, %add3A_382 : vector<16xi32>
    %gather3A_384 = tpu.vector_load_idx %arg7[%min3A_245, %add3A_383] : memref<10x20xf32, #tpu.memory_space<vmem>>[vector<16xi32>, vector<16xi32>], vector<16xf32>,
    %gather3A_385 = tpu.vector_load_idx %arg8[%sub3A_280, %add3A_383] : memref<5x20xf32, #tpu.memory_space<vmem>>[vector<16xi32>, vector<16xi32>], vector<16xf32>,
    %mul3A_386 = arith.mulf %gather3A_384, %gather3A_385 : vector<16xf32>
    %add3A_387 = arith.addf %add3A_380, %mul3A_386 : vector<16xf32>
    %add3A_388 = arith.constant 15 : i32
    %add3A_389 = vector.broadcast %add3A_388 : i32 to vector<16xi32>
    %add3A_390 = arith.addi %broadcast_in_dim3A_1, %add3A_389 : vector<16xi32>
    %gather3A_391 = tpu.vector_load_idx %arg7[%min3A_245, %add3A_390] : memref<10x20xf32, #tpu.memory_space<vmem>>[vector<16xi32>, vector<16xi32>], vector<16xf32>,
    %gather3A_392 = tpu.vector_load_idx %arg8[%sub3A_280, %add3A_390] : memref<5x20xf32, #tpu.memory_space<vmem>>[vector<16xi32>, vector<16xi32>], vector<16xf32>,
    %mul3A_393 = arith.mulf %gather3A_391, %gather3A_392 : vector<16xf32>
    %add3A_394 = arith.addf %add3A_387, %mul3A_393 : vector<16xf32>
    %add3A_395 = arith.constant 16 : i32
    %add3A_396 = vector.broadcast %add3A_395 : i32 to vector<16xi32>
    %add3A_397 = arith.addi %broadcast_in_dim3A_1, %add3A_396 : vector<16xi32>
    %gather3A_398 = tpu.vector_load_idx %arg7[%min3A_245, %add3A_397] : memref<10x20xf32, #tpu.memory_space<vmem>>[vector<16xi32>, vector<16xi32>], vector<16xf32>,
    %gather3A_399 = tpu.vector_load_idx %arg8[%sub3A_280, %add3A_397] : memref<5x20xf32, #tpu.memory_space<vmem>>[vector<16xi32>, vector<16xi32>], vector<16xf32>,
    %mul3A_400 = arith.mulf %gather3A_398, %gather3A_399 : vector<16xf32>
    %add3A_401 = arith.addf %add3A_394, %mul3A_400 : vector<16xf32>
    %add3A_402 = arith.constant 17 : i32
    %add3A_403 = vector.broadcast %add3A_402 : i32 to vector<16xi32>
    %add3A_404 = arith.addi %broadcast_in_dim3A_1, %add3A_403 : vector<16xi32>
    %gather3A_405 = tpu.vector_load_idx %arg7[%min3A_245, %add3A_404] : memref<10x20xf32, #tpu.memory_space<vmem>>[vector<16xi32>, vector<16xi32>], vector<16xf32>,
    %gather3A_406 = tpu.vector_load_idx %arg8[%sub3A_280, %add3A_404] : memref<5x20xf32, #tpu.memory_space<vmem>>[vector<16xi32>, vector<16xi32>], vector<16xf32>,
    %mul3A_407 = arith.mulf %gather3A_405, %gather3A_406 : vector<16xf32>
    %add3A_408 = arith.addf %add3A_401, %mul3A_407 : vector<16xf32>
    %add3A_409 = arith.constant 18 : i32
    %add3A_410 = vector.broadcast %add3A_409 : i32 to vector<16xi32>
    %add3A_411 = arith.addi %broadcast_in_dim3A_1, %add3A_410 : vector<16xi32>
    %gather3A_412 = tpu.vector_load_idx %arg7[%min3A_245, %add3A_411] : memref<10x20xf32, #tpu.memory_space<vmem>>[vector<16xi32>, vector<16xi32>], vector<16xf32>,
    %gather3A_413 = tpu.vector_load_idx %arg8[%sub3A_280, %add3A_411] : memref<5x20xf32, #tpu.memory_space<vmem>>[vector<16xi32>, vector<16xi32>], vector<16xf32>,
    %mul3A_414 = arith.mulf %gather3A_412, %gather3A_413 : vector<16xf32>
    %add3A_415 = arith.addf %add3A_408, %mul3A_414 : vector<16xf32>
    %add3A_416 = arith.constant 19 : i32
    %add3A_417 = vector.broadcast %add3A_416 : i32 to vector<16xi32>
    %add3A_418 = arith.addi %broadcast_in_dim3A_1, %add3A_417 : vector<16xi32>
    %gather3A_419 = tpu.vector_load_idx %arg7[%min3A_245, %add3A_418] : memref<10x20xf32, #tpu.memory_space<vmem>>[vector<16xi32>, vector<16xi32>], vector<16xf32>,
    %gather3A_420 = tpu.vector_load_idx %arg8[%sub3A_280, %add3A_418] : memref<5x20xf32, #tpu.memory_space<vmem>>[vector<16xi32>, vector<16xi32>], vector<16xf32>,
    %mul3A_421 = arith.mulf %gather3A_419, %gather3A_420 : vector<16xf32>
    %add3A_422 = arith.addf %add3A_415, %mul3A_421 : vector<16xf32>
    %gather3A_423 = tpu.vector_load_idx %arg9[%broadcast_in_dim3A_1, %sub3A_280] : memref<1x5xf32, #tpu.memory_space<vmem>>[vector<16xi32>, vector<16xi32>], vector<16xf32>,
    %add3A_424 = arith.addf %add3A_422, %gather3A_423 : vector<16xf32>
    %swap3A_425 = arith.constant 16 : index
    %swap3A_426 = tpu.vector_load %arg10[%swap3A_425] {strides = array<i32>} : memref<64xf32, #tpu.memory_space<vmem>>, vector<16xf32>,
    tpu.vector_store %arg10[%swap3A_425], %add3A_424 {strides = array<i32>} : memref<64xf32, #tpu.memory_space<vmem>>, vector<16xf32>,
    %add3A_427 = arith.constant 32 : i32
    %add3A_428 = vector.broadcast %add3A_427 : i32 to vector<16xi32>
    %add3A_429 = arith.addi %add3A_428, %iota3A : vector<16xi32>
    %jit3A_430 = arith.constant 5 : i32
    %div3A_431 = vector.broadcast %jit3A_430 : i32 to vector<16xi32>
    %div3A_432 = arith.divsi %add3A_429, %div3A_431 : vector<16xi32>
    %sign3A_433 = arith.constant 0 : i32
    %sign3A_434 = vector.broadcast %sign3A_433 : i32 to vector<16xi32>
    %sign3A_435 = arith.cmpi sgt, %add3A_429, %sign3A_434 : vector<16xi32>
    %sign3A_436 = arith.extui %sign3A_435 : vector<16xi1> to vector<16xi32>
    %sign3A_437 = arith.constant 0 : i32
    %sign3A_438 = vector.broadcast %sign3A_437 : i32 to vector<16xi32>
    %sign3A_439 = arith.cmpi slt, %add3A_429, %sign3A_438 : vector<16xi32>
    %sign3A_440 = arith.extui %sign3A_439 : vector<16xi1> to vector<16xi32>
    %sign3A_441 = arith.subi %sign3A_436, %sign3A_440 : vector<16xi32>
    %sign3A_442 = arith.constant 0 : i32
    %sign3A_443 = arith.cmpi sgt, %jit3A_430, %sign3A_442 : i32
    %sign3A_444 = arith.extui %sign3A_443 : i1 to i32
    %sign3A_445 = arith.constant 0 : i32
    %sign3A_446 = arith.cmpi slt, %jit3A_430, %sign3A_445 : i32
    %sign3A_447 = arith.extui %sign3A_446 : i1 to i32
    %sign3A_448 = arith.subi %sign3A_444, %sign3A_447 : i32
    %ne3A_449 = vector.broadcast %sign3A_448 : i32 to vector<16xi32>
    %ne3A_450 = arith.cmpi ne, %sign3A_441, %ne3A_449 : vector<16xi32>
    %rem3A_451 = vector.broadcast %jit3A_430 : i32 to vector<16xi32>
    %rem3A_452 = arith.remsi %add3A_429, %rem3A_451 : vector<16xi32>
    %ne3A_453 = arith.constant 0 : i32
    %ne3A_454 = vector.broadcast %ne3A_453 : i32 to vector<16xi32>
    %ne3A_455 = arith.cmpi ne, %rem3A_452, %ne3A_454 : vector<16xi32>
    %and3A_456 = arith.andi %ne3A_450, %ne3A_455 : vector<16xi1>
    %sub3A_457 = arith.constant 1 : i32
    %sub3A_458 = vector.broadcast %sub3A_457 : i32 to vector<16xi32>
    %sub3A_459 = arith.subi %div3A_432, %sub3A_458 : vector<16xi32>
    %select_n3A_460 = arith.select %and3A_456, %sub3A_459, %div3A_432 : vector<16xi1>, vector<16xi32>
    %min3A_461 = arith.constant 9 : i32
    %min3A_462 = vector.broadcast %min3A_461 : i32 to vector<16xi32>
    %min3A_463 = arith.minsi %select_n3A_460, %min3A_462 : vector<16xi32>
    %jit3A_464 = arith.constant 5 : i32
    %div3A_465 = vector.broadcast %jit3A_464 : i32 to vector<16xi32>
    %div3A_466 = arith.divsi %add3A_429, %div3A_465 : vector<16xi32>
    %sign3A_467 = arith.constant 0 : i32
    %sign3A_468 = vector.broadcast %sign3A_467 : i32 to vector<16xi32>
    %sign3A_469 = arith.cmpi sgt, %add3A_429, %sign3A_468 : vector<16xi32>
    %sign3A_470 = arith.extui %sign3A_469 : vector<16xi1> to vector<16xi32>
    %sign3A_471 = arith.constant 0 : i32
    %sign3A_472 = vector.broadcast %sign3A_471 : i32 to vector<16xi32>
    %sign3A_473 = arith.cmpi slt, %add3A_429, %sign3A_472 : vector<16xi32>
    %sign3A_474 = arith.extui %sign3A_473 : vector<16xi1> to vector<16xi32>
    %sign3A_475 = arith.subi %sign3A_470, %sign3A_474 : vector<16xi32>
    %sign3A_476 = arith.constant 0 : i32
    %sign3A_477 = arith.cmpi sgt, %jit3A_464, %sign3A_476 : i32
    %sign3A_478 = arith.extui %sign3A_477 : i1 to i32
    %sign3A_479 = arith.constant 0 : i32
    %sign3A_480 = arith.cmpi slt, %jit3A_464, %sign3A_479 : i32
    %sign3A_481 = arith.extui %sign3A_480 : i1 to i32
    %sign3A_482 = arith.subi %sign3A_478, %sign3A_481 : i32
    %ne3A_483 = vector.broadcast %sign3A_482 : i32 to vector<16xi32>
    %ne3A_484 = arith.cmpi ne, %sign3A_475, %ne3A_483 : vector<16xi32>
    %rem3A_485 = vector.broadcast %jit3A_464 : i32 to vector<16xi32>
    %rem3A_486 = arith.remsi %add3A_429, %rem3A_485 : vector<16xi32>
    %ne3A_487 = arith.constant 0 : i32
    %ne3A_488 = vector.broadcast %ne3A_487 : i32 to vector<16xi32>
    %ne3A_489 = arith.cmpi ne, %rem3A_486, %ne3A_488 : vector<16xi32>
    %and3A_490 = arith.andi %ne3A_484, %ne3A_489 : vector<16xi1>
    %sub3A_491 = arith.constant 1 : i32
    %sub3A_492 = vector.broadcast %sub3A_491 : i32 to vector<16xi32>
    %sub3A_493 = arith.subi %div3A_466, %sub3A_492 : vector<16xi32>
    %select_n3A_494 = arith.select %and3A_490, %sub3A_493, %div3A_466 : vector<16xi1>, vector<16xi32>
    %mul3A_495 = arith.constant 5 : i32
    %mul3A_496 = vector.broadcast %mul3A_495 : i32 to vector<16xi32>
    %mul3A_497 = arith.muli %mul3A_496, %select_n3A_494 : vector<16xi32>
    %sub3A_498 = arith.subi %add3A_429, %mul3A_497 : vector<16xi32>
    %broadcast_in_dim3A_499 = arith.constant 0.000000e+00 : f32
    %broadcast_in_dim3A_500 = vector.broadcast %broadcast_in_dim3A_499 : f32 to vector<16xf32>
    %add3A_501 = arith.constant 0 : i32
    %add3A_502 = vector.broadcast %add3A_501 : i32 to vector<16xi32>
    %add3A_503 = arith.addi %broadcast_in_dim3A_1, %add3A_502 : vector<16xi32>
    %gather3A_504 = tpu.vector_load_idx %arg7[%min3A_463, %add3A_503] : memref<10x20xf32, #tpu.memory_space<vmem>>[vector<16xi32>, vector<16xi32>], vector<16xf32>,
    %gather3A_505 = tpu.vector_load_idx %arg8[%sub3A_498, %add3A_503] : memref<5x20xf32, #tpu.memory_space<vmem>>[vector<16xi32>, vector<16xi32>], vector<16xf32>,
    %mul3A_506 = arith.mulf %gather3A_504, %gather3A_505 : vector<16xf32>
    %add3A_507 = arith.addf %broadcast_in_dim3A_500, %mul3A_506 : vector<16xf32>
    %add3A_508 = arith.constant 1 : i32
    %add3A_509 = vector.broadcast %add3A_508 : i32 to vector<16xi32>
    %add3A_510 = arith.addi %broadcast_in_dim3A_1, %add3A_509 : vector<16xi32>
    %gather3A_511 = tpu.vector_load_idx %arg7[%min3A_463, %add3A_510] : memref<10x20xf32, #tpu.memory_space<vmem>>[vector<16xi32>, vector<16xi32>], vector<16xf32>,
    %gather3A_512 = tpu.vector_load_idx %arg8[%sub3A_498, %add3A_510] : memref<5x20xf32, #tpu.memory_space<vmem>>[vector<16xi32>, vector<16xi32>], vector<16xf32>,
    %mul3A_513 = arith.mulf %gather3A_511, %gather3A_512 : vector<16xf32>
    %add3A_514 = arith.addf %add3A_507, %mul3A_513 : vector<16xf32>
    %add3A_515 = arith.constant 2 : i32
    %add3A_516 = vector.broadcast %add3A_515 : i32 to vector<16xi32>
    %add3A_517 = arith.addi %broadcast_in_dim3A_1, %add3A_516 : vector<16xi32>
    %gather3A_518 = tpu.vector_load_idx %arg7[%min3A_463, %add3A_517] : memref<10x20xf32, #tpu.memory_space<vmem>>[vector<16xi32>, vector<16xi32>], vector<16xf32>,
    %gather3A_519 = tpu.vector_load_idx %arg8[%sub3A_498, %add3A_517] : memref<5x20xf32, #tpu.memory_space<vmem>>[vector<16xi32>, vector<16xi32>], vector<16xf32>,
    %mul3A_520 = arith.mulf %gather3A_518, %gather3A_519 : vector<16xf32>
    %add3A_521 = arith.addf %add3A_514, %mul3A_520 : vector<16xf32>
    %add3A_522 = arith.constant 3 : i32
    %add3A_523 = vector.broadcast %add3A_522 : i32 to vector<16xi32>
    %add3A_524 = arith.addi %broadcast_in_dim3A_1, %add3A_523 : vector<16xi32>
    %gather3A_525 = tpu.vector_load_idx %arg7[%min3A_463, %add3A_524] : memref<10x20xf32, #tpu.memory_space<vmem>>[vector<16xi32>, vector<16xi32>], vector<16xf32>,
    %gather3A_526 = tpu.vector_load_idx %arg8[%sub3A_498, %add3A_524] : memref<5x20xf32, #tpu.memory_space<vmem>>[vector<16xi32>, vector<16xi32>], vector<16xf32>,
    %mul3A_527 = arith.mulf %gather3A_525, %gather3A_526 : vector<16xf32>
    %add3A_528 = arith.addf %add3A_521, %mul3A_527 : vector<16xf32>
    %add3A_529 = arith.constant 4 : i32
    %add3A_530 = vector.broadcast %add3A_529 : i32 to vector<16xi32>
    %add3A_531 = arith.addi %broadcast_in_dim3A_1, %add3A_530 : vector<16xi32>
    %gather3A_532 = tpu.vector_load_idx %arg7[%min3A_463, %add3A_531] : memref<10x20xf32, #tpu.memory_space<vmem>>[vector<16xi32>, vector<16xi32>], vector<16xf32>,
    %gather3A_533 = tpu.vector_load_idx %arg8[%sub3A_498, %add3A_531] : memref<5x20xf32, #tpu.memory_space<vmem>>[vector<16xi32>, vector<16xi32>], vector<16xf32>,
    %mul3A_534 = arith.mulf %gather3A_532, %gather3A_533 : vector<16xf32>
    %add3A_535 = arith.addf %add3A_528, %mul3A_534 : vector<16xf32>
    %add3A_536 = arith.constant 5 : i32
    %add3A_537 = vector.broadcast %add3A_536 : i32 to vector<16xi32>
    %add3A_538 = arith.addi %broadcast_in_dim3A_1, %add3A_537 : vector<16xi32>
    %gather3A_539 = tpu.vector_load_idx %arg7[%min3A_463, %add3A_538] : memref<10x20xf32, #tpu.memory_space<vmem>>[vector<16xi32>, vector<16xi32>], vector<16xf32>,
    %gather3A_540 = tpu.vector_load_idx %arg8[%sub3A_498, %add3A_538] : memref<5x20xf32, #tpu.memory_space<vmem>>[vector<16xi32>, vector<16xi32>], vector<16xf32>,
    %mul3A_541 = arith.mulf %gather3A_539, %gather3A_540 : vector<16xf32>
    %add3A_542 = arith.addf %add3A_535, %mul3A_541 : vector<16xf32>
    %add3A_543 = arith.constant 6 : i32
    %add3A_544 = vector.broadcast %add3A_543 : i32 to vector<16xi32>
    %add3A_545 = arith.addi %broadcast_in_dim3A_1, %add3A_544 : vector<16xi32>
    %gather3A_546 = tpu.vector_load_idx %arg7[%min3A_463, %add3A_545] : memref<10x20xf32, #tpu.memory_space<vmem>>[vector<16xi32>, vector<16xi32>], vector<16xf32>,
    %gather3A_547 = tpu.vector_load_idx %arg8[%sub3A_498, %add3A_545] : memref<5x20xf32, #tpu.memory_space<vmem>>[vector<16xi32>, vector<16xi32>], vector<16xf32>,
    %mul3A_548 = arith.mulf %gather3A_546, %gather3A_547 : vector<16xf32>
    %add3A_549 = arith.addf %add3A_542, %mul3A_548 : vector<16xf32>
    %add3A_550 = arith.constant 7 : i32
    %add3A_551 = vector.broadcast %add3A_550 : i32 to vector<16xi32>
    %add3A_552 = arith.addi %broadcast_in_dim3A_1, %add3A_551 : vector<16xi32>
    %gather3A_553 = tpu.vector_load_idx %arg7[%min3A_463, %add3A_552] : memref<10x20xf32, #tpu.memory_space<vmem>>[vector<16xi32>, vector<16xi32>], vector<16xf32>,
    %gather3A_554 = tpu.vector_load_idx %arg8[%sub3A_498, %add3A_552] : memref<5x20xf32, #tpu.memory_space<vmem>>[vector<16xi32>, vector<16xi32>], vector<16xf32>,
    %mul3A_555 = arith.mulf %gather3A_553, %gather3A_554 : vector<16xf32>
    %add3A_556 = arith.addf %add3A_549, %mul3A_555 : vector<16xf32>
    %add3A_557 = arith.constant 8 : i32
    %add3A_558 = vector.broadcast %add3A_557 : i32 to vector<16xi32>
    %add3A_559 = arith.addi %broadcast_in_dim3A_1, %add3A_558 : vector<16xi32>
    %gather3A_560 = tpu.vector_load_idx %arg7[%min3A_463, %add3A_559] : memref<10x20xf32, #tpu.memory_space<vmem>>[vector<16xi32>, vector<16xi32>], vector<16xf32>,
    %gather3A_561 = tpu.vector_load_idx %arg8[%sub3A_498, %add3A_559] : memref<5x20xf32, #tpu.memory_space<vmem>>[vector<16xi32>, vector<16xi32>], vector<16xf32>,
    %mul3A_562 = arith.mulf %gather3A_560, %gather3A_561 : vector<16xf32>
    %add3A_563 = arith.addf %add3A_556, %mul3A_562 : vector<16xf32>
    %add3A_564 = arith.constant 9 : i32
    %add3A_565 = vector.broadcast %add3A_564 : i32 to vector<16xi32>
    %add3A_566 = arith.addi %broadcast_in_dim3A_1, %add3A_565 : vector<16xi32>
    %gather3A_567 = tpu.vector_load_idx %arg7[%min3A_463, %add3A_566] : memref<10x20xf32, #tpu.memory_space<vmem>>[vector<16xi32>, vector<16xi32>], vector<16xf32>,
    %gather3A_568 = tpu.vector_load_idx %arg8[%sub3A_498, %add3A_566] : memref<5x20xf32, #tpu.memory_space<vmem>>[vector<16xi32>, vector<16xi32>], vector<16xf32>,
    %mul3A_569 = arith.mulf %gather3A_567, %gather3A_568 : vector<16xf32>
    %add3A_570 = arith.addf %add3A_563, %mul3A_569 : vector<16xf32>
    %add3A_571 = arith.constant 10 : i32
    %add3A_572 = vector.broadcast %add3A_571 : i32 to vector<16xi32>
    %add3A_573 = arith.addi %broadcast_in_dim3A_1, %add3A_572 : vector<16xi32>
    %gather3A_574 = tpu.vector_load_idx %arg7[%min3A_463, %add3A_573] : memref<10x20xf32, #tpu.memory_space<vmem>>[vector<16xi32>, vector<16xi32>], vector<16xf32>,
    %gather3A_575 = tpu.vector_load_idx %arg8[%sub3A_498, %add3A_573] : memref<5x20xf32, #tpu.memory_space<vmem>>[vector<16xi32>, vector<16xi32>], vector<16xf32>,
    %mul3A_576 = arith.mulf %gather3A_574, %gather3A_575 : vector<16xf32>
    %add3A_577 = arith.addf %add3A_570, %mul3A_576 : vector<16xf32>
    %add3A_578 = arith.constant 11 : i32
    %add3A_579 = vector.broadcast %add3A_578 : i32 to vector<16xi32>
    %add3A_580 = arith.addi %broadcast_in_dim3A_1, %add3A_579 : vector<16xi32>
    %gather3A_581 = tpu.vector_load_idx %arg7[%min3A_463, %add3A_580] : memref<10x20xf32, #tpu.memory_space<vmem>>[vector<16xi32>, vector<16xi32>], vector<16xf32>,
    %gather3A_582 = tpu.vector_load_idx %arg8[%sub3A_498, %add3A_580] : memref<5x20xf32, #tpu.memory_space<vmem>>[vector<16xi32>, vector<16xi32>], vector<16xf32>,
    %mul3A_583 = arith.mulf %gather3A_581, %gather3A_582 : vector<16xf32>
    %add3A_584 = arith.addf %add3A_577, %mul3A_583 : vector<16xf32>
    %add3A_585 = arith.constant 12 : i32
    %add3A_586 = vector.broadcast %add3A_585 : i32 to vector<16xi32>
    %add3A_587 = arith.addi %broadcast_in_dim3A_1, %add3A_586 : vector<16xi32>
    %gather3A_588 = tpu.vector_load_idx %arg7[%min3A_463, %add3A_587] : memref<10x20xf32, #tpu.memory_space<vmem>>[vector<16xi32>, vector<16xi32>], vector<16xf32>,
    %gather3A_589 = tpu.vector_load_idx %arg8[%sub3A_498, %add3A_587] : memref<5x20xf32, #tpu.memory_space<vmem>>[vector<16xi32>, vector<16xi32>], vector<16xf32>,
    %mul3A_590 = arith.mulf %gather3A_588, %gather3A_589 : vector<16xf32>
    %add3A_591 = arith.addf %add3A_584, %mul3A_590 : vector<16xf32>
    %add3A_592 = arith.constant 13 : i32
    %add3A_593 = vector.broadcast %add3A_592 : i32 to vector<16xi32>
    %add3A_594 = arith.addi %broadcast_in_dim3A_1, %add3A_593 : vector<16xi32>
    %gather3A_595 = tpu.vector_load_idx %arg7[%min3A_463, %add3A_594] : memref<10x20xf32, #tpu.memory_space<vmem>>[vector<16xi32>, vector<16xi32>], vector<16xf32>,
    %gather3A_596 = tpu.vector_load_idx %arg8[%sub3A_498, %add3A_594] : memref<5x20xf32, #tpu.memory_space<vmem>>[vector<16xi32>, vector<16xi32>], vector<16xf32>,
    %mul3A_597 = arith.mulf %gather3A_595, %gather3A_596 : vector<16xf32>
    %add3A_598 = arith.addf %add3A_591, %mul3A_597 : vector<16xf32>
    %add3A_599 = arith.constant 14 : i32
    %add3A_600 = vector.broadcast %add3A_599 : i32 to vector<16xi32>
    %add3A_601 = arith.addi %broadcast_in_dim3A_1, %add3A_600 : vector<16xi32>
    %gather3A_602 = tpu.vector_load_idx %arg7[%min3A_463, %add3A_601] : memref<10x20xf32, #tpu.memory_space<vmem>>[vector<16xi32>, vector<16xi32>], vector<16xf32>,
    %gather3A_603 = tpu.vector_load_idx %arg8[%sub3A_498, %add3A_601] : memref<5x20xf32, #tpu.memory_space<vmem>>[vector<16xi32>, vector<16xi32>], vector<16xf32>,
    %mul3A_604 = arith.mulf %gather3A_602, %gather3A_603 : vector<16xf32>
    %add3A_605 = arith.addf %add3A_598, %mul3A_604 : vector<16xf32>
    %add3A_606 = arith.constant 15 : i32
    %add3A_607 = vector.broadcast %add3A_606 : i32 to vector<16xi32>
    %add3A_608 = arith.addi %broadcast_in_dim3A_1, %add3A_607 : vector<16xi32>
    %gather3A_609 = tpu.vector_load_idx %arg7[%min3A_463, %add3A_608] : memref<10x20xf32, #tpu.memory_space<vmem>>[vector<16xi32>, vector<16xi32>], vector<16xf32>,
    %gather3A_610 = tpu.vector_load_idx %arg8[%sub3A_498, %add3A_608] : memref<5x20xf32, #tpu.memory_space<vmem>>[vector<16xi32>, vector<16xi32>], vector<16xf32>,
    %mul3A_611 = arith.mulf %gather3A_609, %gather3A_610 : vector<16xf32>
    %add3A_612 = arith.addf %add3A_605, %mul3A_611 : vector<16xf32>
    %add3A_613 = arith.constant 16 : i32
    %add3A_614 = vector.broadcast %add3A_613 : i32 to vector<16xi32>
    %add3A_615 = arith.addi %broadcast_in_dim3A_1, %add3A_614 : vector<16xi32>
    %gather3A_616 = tpu.vector_load_idx %arg7[%min3A_463, %add3A_615] : memref<10x20xf32, #tpu.memory_space<vmem>>[vector<16xi32>, vector<16xi32>], vector<16xf32>,
    %gather3A_617 = tpu.vector_load_idx %arg8[%sub3A_498, %add3A_615] : memref<5x20xf32, #tpu.memory_space<vmem>>[vector<16xi32>, vector<16xi32>], vector<16xf32>,
    %mul3A_618 = arith.mulf %gather3A_616, %gather3A_617 : vector<16xf32>
    %add3A_619 = arith.addf %add3A_612, %mul3A_618 : vector<16xf32>
    %add3A_620 = arith.constant 17 : i32
    %add3A_621 = vector.broadcast %add3A_620 : i32 to vector<16xi32>
    %add3A_622 = arith.addi %broadcast_in_dim3A_1, %add3A_621 : vector<16xi32>
    %gather3A_623 = tpu.vector_load_idx %arg7[%min3A_463, %add3A_622] : memref<10x20xf32, #tpu.memory_space<vmem>>[vector<16xi32>, vector<16xi32>], vector<16xf32>,
    %gather3A_624 = tpu.vector_load_idx %arg8[%sub3A_498, %add3A_622] : memref<5x20xf32, #tpu.memory_space<vmem>>[vector<16xi32>, vector<16xi32>], vector<16xf32>,
    %mul3A_625 = arith.mulf %gather3A_623, %gather3A_624 : vector<16xf32>
    %add3A_626 = arith.addf %add3A_619, %mul3A_625 : vector<16xf32>
    %add3A_627 = arith.constant 18 : i32
    %add3A_628 = vector.broadcast %add3A_627 : i32 to vector<16xi32>
    %add3A_629 = arith.addi %broadcast_in_dim3A_1, %add3A_628 : vector<16xi32>
    %gather3A_630 = tpu.vector_load_idx %arg7[%min3A_463, %add3A_629] : memref<10x20xf32, #tpu.memory_space<vmem>>[vector<16xi32>, vector<16xi32>], vector<16xf32>,
    %gather3A_631 = tpu.vector_load_idx %arg8[%sub3A_498, %add3A_629] : memref<5x20xf32, #tpu.memory_space<vmem>>[vector<16xi32>, vector<16xi32>], vector<16xf32>,
    %mul3A_632 = arith.mulf %gather3A_630, %gather3A_631 : vector<16xf32>
    %add3A_633 = arith.addf %add3A_626, %mul3A_632 : vector<16xf32>
    %add3A_634 = arith.constant 19 : i32
    %add3A_635 = vector.broadcast %add3A_634 : i32 to vector<16xi32>
    %add3A_636 = arith.addi %broadcast_in_dim3A_1, %add3A_635 : vector<16xi32>
    %gather3A_637 = tpu.vector_load_idx %arg7[%min3A_463, %add3A_636] : memref<10x20xf32, #tpu.memory_space<vmem>>[vector<16xi32>, vector<16xi32>], vector<16xf32>,
    %gather3A_638 = tpu.vector_load_idx %arg8[%sub3A_498, %add3A_636] : memref<5x20xf32, #tpu.memory_space<vmem>>[vector<16xi32>, vector<16xi32>], vector<16xf32>,
    %mul3A_639 = arith.mulf %gather3A_637, %gather3A_638 : vector<16xf32>
    %add3A_640 = arith.addf %add3A_633, %mul3A_639 : vector<16xf32>
    %gather3A_641 = tpu.vector_load_idx %arg9[%broadcast_in_dim3A_1, %sub3A_498] : memref<1x5xf32, #tpu.memory_space<vmem>>[vector<16xi32>, vector<16xi32>], vector<16xf32>,
    %add3A_642 = arith.addf %add3A_640, %gather3A_641 : vector<16xf32>
    %swap3A_643 = arith.constant 32 : index
    %swap3A_644 = tpu.vector_load %arg10[%swap3A_643] {strides = array<i32>} : memref<64xf32, #tpu.memory_space<vmem>>, vector<16xf32>,
    tpu.vector_store %arg10[%swap3A_643], %add3A_642 {strides = array<i32>} : memref<64xf32, #tpu.memory_space<vmem>>, vector<16xf32>,
    %add3A_645 = arith.constant 48 : i32
    %add3A_646 = vector.broadcast %add3A_645 : i32 to vector<16xi32>
    %add3A_647 = arith.addi %add3A_646, %iota3A : vector<16xi32>
    %jit3A_648 = arith.constant 5 : i32
    %div3A_649 = vector.broadcast %jit3A_648 : i32 to vector<16xi32>
    %div3A_650 = arith.divsi %add3A_647, %div3A_649 : vector<16xi32>
    %sign3A_651 = arith.constant 0 : i32
    %sign3A_652 = vector.broadcast %sign3A_651 : i32 to vector<16xi32>
    %sign3A_653 = arith.cmpi sgt, %add3A_647, %sign3A_652 : vector<16xi32>
    %sign3A_654 = arith.extui %sign3A_653 : vector<16xi1> to vector<16xi32>
    %sign3A_655 = arith.constant 0 : i32
    %sign3A_656 = vector.broadcast %sign3A_655 : i32 to vector<16xi32>
    %sign3A_657 = arith.cmpi slt, %add3A_647, %sign3A_656 : vector<16xi32>
    %sign3A_658 = arith.extui %sign3A_657 : vector<16xi1> to vector<16xi32>
    %sign3A_659 = arith.subi %sign3A_654, %sign3A_658 : vector<16xi32>
    %sign3A_660 = arith.constant 0 : i32
    %sign3A_661 = arith.cmpi sgt, %jit3A_648, %sign3A_660 : i32
    %sign3A_662 = arith.extui %sign3A_661 : i1 to i32
    %sign3A_663 = arith.constant 0 : i32
    %sign3A_664 = arith.cmpi slt, %jit3A_648, %sign3A_663 : i32
    %sign3A_665 = arith.extui %sign3A_664 : i1 to i32
    %sign3A_666 = arith.subi %sign3A_662, %sign3A_665 : i32
    %ne3A_667 = vector.broadcast %sign3A_666 : i32 to vector<16xi32>
    %ne3A_668 = arith.cmpi ne, %sign3A_659, %ne3A_667 : vector<16xi32>
    %rem3A_669 = vector.broadcast %jit3A_648 : i32 to vector<16xi32>
    %rem3A_670 = arith.remsi %add3A_647, %rem3A_669 : vector<16xi32>
    %ne3A_671 = arith.constant 0 : i32
    %ne3A_672 = vector.broadcast %ne3A_671 : i32 to vector<16xi32>
    %ne3A_673 = arith.cmpi ne, %rem3A_670, %ne3A_672 : vector<16xi32>
    %and3A_674 = arith.andi %ne3A_668, %ne3A_673 : vector<16xi1>
    %sub3A_675 = arith.constant 1 : i32
    %sub3A_676 = vector.broadcast %sub3A_675 : i32 to vector<16xi32>
    %sub3A_677 = arith.subi %div3A_650, %sub3A_676 : vector<16xi32>
    %select_n3A_678 = arith.select %and3A_674, %sub3A_677, %div3A_650 : vector<16xi1>, vector<16xi32>
    %min3A_679 = arith.constant 9 : i32
    %min3A_680 = vector.broadcast %min3A_679 : i32 to vector<16xi32>
    %min3A_681 = arith.minsi %select_n3A_678, %min3A_680 : vector<16xi32>
    %jit3A_682 = arith.constant 5 : i32
    %div3A_683 = vector.broadcast %jit3A_682 : i32 to vector<16xi32>
    %div3A_684 = arith.divsi %add3A_647, %div3A_683 : vector<16xi32>
    %sign3A_685 = arith.constant 0 : i32
    %sign3A_686 = vector.broadcast %sign3A_685 : i32 to vector<16xi32>
    %sign3A_687 = arith.cmpi sgt, %add3A_647, %sign3A_686 : vector<16xi32>
    %sign3A_688 = arith.extui %sign3A_687 : vector<16xi1> to vector<16xi32>
    %sign3A_689 = arith.constant 0 : i32
    %sign3A_690 = vector.broadcast %sign3A_689 : i32 to vector<16xi32>
    %sign3A_691 = arith.cmpi slt, %add3A_647, %sign3A_690 : vector<16xi32>
    %sign3A_692 = arith.extui %sign3A_691 : vector<16xi1> to vector<16xi32>
    %sign3A_693 = arith.subi %sign3A_688, %sign3A_692 : vector<16xi32>
    %sign3A_694 = arith.constant 0 : i32
    %sign3A_695 = arith.cmpi sgt, %jit3A_682, %sign3A_694 : i32
    %sign3A_696 = arith.extui %sign3A_695 : i1 to i32
    %sign3A_697 = arith.constant 0 : i32
    %sign3A_698 = arith.cmpi slt, %jit3A_682, %sign3A_697 : i32
    %sign3A_699 = arith.extui %sign3A_698 : i1 to i32
    %sign3A_700 = arith.subi %sign3A_696, %sign3A_699 : i32
    %ne3A_701 = vector.broadcast %sign3A_700 : i32 to vector<16xi32>
    %ne3A_702 = arith.cmpi ne, %sign3A_693, %ne3A_701 : vector<16xi32>
    %rem3A_703 = vector.broadcast %jit3A_682 : i32 to vector<16xi32>
    %rem3A_704 = arith.remsi %add3A_647, %rem3A_703 : vector<16xi32>
    %ne3A_705 = arith.constant 0 : i32
    %ne3A_706 = vector.broadcast %ne3A_705 : i32 to vector<16xi32>
    %ne3A_707 = arith.cmpi ne, %rem3A_704, %ne3A_706 : vector<16xi32>
    %and3A_708 = arith.andi %ne3A_702, %ne3A_707 : vector<16xi1>
    %sub3A_709 = arith.constant 1 : i32
    %sub3A_710 = vector.broadcast %sub3A_709 : i32 to vector<16xi32>
    %sub3A_711 = arith.subi %div3A_684, %sub3A_710 : vector<16xi32>
    %select_n3A_712 = arith.select %and3A_708, %sub3A_711, %div3A_684 : vector<16xi1>, vector<16xi32>
    %mul3A_713 = arith.constant 5 : i32
    %mul3A_714 = vector.broadcast %mul3A_713 : i32 to vector<16xi32>
    %mul3A_715 = arith.muli %mul3A_714, %select_n3A_712 : vector<16xi32>
    %sub3A_716 = arith.subi %add3A_647, %mul3A_715 : vector<16xi32>
    %broadcast_in_dim3A_717 = arith.constant 0.000000e+00 : f32
    %broadcast_in_dim3A_718 = vector.broadcast %broadcast_in_dim3A_717 : f32 to vector<16xf32>
    %add3A_719 = arith.constant 0 : i32
    %add3A_720 = vector.broadcast %add3A_719 : i32 to vector<16xi32>
    %add3A_721 = arith.addi %broadcast_in_dim3A_1, %add3A_720 : vector<16xi32>
    %gather3A_722 = tpu.vector_load_idx %arg7[%min3A_681, %add3A_721] : memref<10x20xf32, #tpu.memory_space<vmem>>[vector<16xi32>, vector<16xi32>], vector<16xf32>,
    %gather3A_723 = tpu.vector_load_idx %arg8[%sub3A_716, %add3A_721] : memref<5x20xf32, #tpu.memory_space<vmem>>[vector<16xi32>, vector<16xi32>], vector<16xf32>,
    %mul3A_724 = arith.mulf %gather3A_722, %gather3A_723 : vector<16xf32>
    %add3A_725 = arith.addf %broadcast_in_dim3A_718, %mul3A_724 : vector<16xf32>
    %add3A_726 = arith.constant 1 : i32
    %add3A_727 = vector.broadcast %add3A_726 : i32 to vector<16xi32>
    %add3A_728 = arith.addi %broadcast_in_dim3A_1, %add3A_727 : vector<16xi32>
    %gather3A_729 = tpu.vector_load_idx %arg7[%min3A_681, %add3A_728] : memref<10x20xf32, #tpu.memory_space<vmem>>[vector<16xi32>, vector<16xi32>], vector<16xf32>,
    %gather3A_730 = tpu.vector_load_idx %arg8[%sub3A_716, %add3A_728] : memref<5x20xf32, #tpu.memory_space<vmem>>[vector<16xi32>, vector<16xi32>], vector<16xf32>,
    %mul3A_731 = arith.mulf %gather3A_729, %gather3A_730 : vector<16xf32>
    %add3A_732 = arith.addf %add3A_725, %mul3A_731 : vector<16xf32>
    %add3A_733 = arith.constant 2 : i32
    %add3A_734 = vector.broadcast %add3A_733 : i32 to vector<16xi32>
    %add3A_735 = arith.addi %broadcast_in_dim3A_1, %add3A_734 : vector<16xi32>
    %gather3A_736 = tpu.vector_load_idx %arg7[%min3A_681, %add3A_735] : memref<10x20xf32, #tpu.memory_space<vmem>>[vector<16xi32>, vector<16xi32>], vector<16xf32>,
    %gather3A_737 = tpu.vector_load_idx %arg8[%sub3A_716, %add3A_735] : memref<5x20xf32, #tpu.memory_space<vmem>>[vector<16xi32>, vector<16xi32>], vector<16xf32>,
    %mul3A_738 = arith.mulf %gather3A_736, %gather3A_737 : vector<16xf32>
    %add3A_739 = arith.addf %add3A_732, %mul3A_738 : vector<16xf32>
    %add3A_740 = arith.constant 3 : i32
    %add3A_741 = vector.broadcast %add3A_740 : i32 to vector<16xi32>
    %add3A_742 = arith.addi %broadcast_in_dim3A_1, %add3A_741 : vector<16xi32>
    %gather3A_743 = tpu.vector_load_idx %arg7[%min3A_681, %add3A_742] : memref<10x20xf32, #tpu.memory_space<vmem>>[vector<16xi32>, vector<16xi32>], vector<16xf32>,
    %gather3A_744 = tpu.vector_load_idx %arg8[%sub3A_716, %add3A_742] : memref<5x20xf32, #tpu.memory_space<vmem>>[vector<16xi32>, vector<16xi32>], vector<16xf32>,
    %mul3A_745 = arith.mulf %gather3A_743, %gather3A_744 : vector<16xf32>
    %add3A_746 = arith.addf %add3A_739, %mul3A_745 : vector<16xf32>
    %add3A_747 = arith.constant 4 : i32
    %add3A_748 = vector.broadcast %add3A_747 : i32 to vector<16xi32>
    %add3A_749 = arith.addi %broadcast_in_dim3A_1, %add3A_748 : vector<16xi32>
    %gather3A_750 = tpu.vector_load_idx %arg7[%min3A_681, %add3A_749] : memref<10x20xf32, #tpu.memory_space<vmem>>[vector<16xi32>, vector<16xi32>], vector<16xf32>,
    %gather3A_751 = tpu.vector_load_idx %arg8[%sub3A_716, %add3A_749] : memref<5x20xf32, #tpu.memory_space<vmem>>[vector<16xi32>, vector<16xi32>], vector<16xf32>,
    %mul3A_752 = arith.mulf %gather3A_750, %gather3A_751 : vector<16xf32>
    %add3A_753 = arith.addf %add3A_746, %mul3A_752 : vector<16xf32>
    %add3A_754 = arith.constant 5 : i32
    %add3A_755 = vector.broadcast %add3A_754 : i32 to vector<16xi32>
    %add3A_756 = arith.addi %broadcast_in_dim3A_1, %add3A_755 : vector<16xi32>
    %gather3A_757 = tpu.vector_load_idx %arg7[%min3A_681, %add3A_756] : memref<10x20xf32, #tpu.memory_space<vmem>>[vector<16xi32>, vector<16xi32>], vector<16xf32>,
    %gather3A_758 = tpu.vector_load_idx %arg8[%sub3A_716, %add3A_756] : memref<5x20xf32, #tpu.memory_space<vmem>>[vector<16xi32>, vector<16xi32>], vector<16xf32>,
    %mul3A_759 = arith.mulf %gather3A_757, %gather3A_758 : vector<16xf32>
    %add3A_760 = arith.addf %add3A_753, %mul3A_759 : vector<16xf32>
    %add3A_761 = arith.constant 6 : i32
    %add3A_762 = vector.broadcast %add3A_761 : i32 to vector<16xi32>
    %add3A_763 = arith.addi %broadcast_in_dim3A_1, %add3A_762 : vector<16xi32>
    %gather3A_764 = tpu.vector_load_idx %arg7[%min3A_681, %add3A_763] : memref<10x20xf32, #tpu.memory_space<vmem>>[vector<16xi32>, vector<16xi32>], vector<16xf32>,
    %gather3A_765 = tpu.vector_load_idx %arg8[%sub3A_716, %add3A_763] : memref<5x20xf32, #tpu.memory_space<vmem>>[vector<16xi32>, vector<16xi32>], vector<16xf32>,
    %mul3A_766 = arith.mulf %gather3A_764, %gather3A_765 : vector<16xf32>
    %add3A_767 = arith.addf %add3A_760, %mul3A_766 : vector<16xf32>
    %add3A_768 = arith.constant 7 : i32
    %add3A_769 = vector.broadcast %add3A_768 : i32 to vector<16xi32>
    %add3A_770 = arith.addi %broadcast_in_dim3A_1, %add3A_769 : vector<16xi32>
    %gather3A_771 = tpu.vector_load_idx %arg7[%min3A_681, %add3A_770] : memref<10x20xf32, #tpu.memory_space<vmem>>[vector<16xi32>, vector<16xi32>], vector<16xf32>,
    %gather3A_772 = tpu.vector_load_idx %arg8[%sub3A_716, %add3A_770] : memref<5x20xf32, #tpu.memory_space<vmem>>[vector<16xi32>, vector<16xi32>], vector<16xf32>,
    %mul3A_773 = arith.mulf %gather3A_771, %gather3A_772 : vector<16xf32>
    %add3A_774 = arith.addf %add3A_767, %mul3A_773 : vector<16xf32>
    %add3A_775 = arith.constant 8 : i32
    %add3A_776 = vector.broadcast %add3A_775 : i32 to vector<16xi32>
    %add3A_777 = arith.addi %broadcast_in_dim3A_1, %add3A_776 : vector<16xi32>
    %gather3A_778 = tpu.vector_load_idx %arg7[%min3A_681, %add3A_777] : memref<10x20xf32, #tpu.memory_space<vmem>>[vector<16xi32>, vector<16xi32>], vector<16xf32>,
    %gather3A_779 = tpu.vector_load_idx %arg8[%sub3A_716, %add3A_777] : memref<5x20xf32, #tpu.memory_space<vmem>>[vector<16xi32>, vector<16xi32>], vector<16xf32>,
    %mul3A_780 = arith.mulf %gather3A_778, %gather3A_779 : vector<16xf32>
    %add3A_781 = arith.addf %add3A_774, %mul3A_780 : vector<16xf32>
    %add3A_782 = arith.constant 9 : i32
    %add3A_783 = vector.broadcast %add3A_782 : i32 to vector<16xi32>
    %add3A_784 = arith.addi %broadcast_in_dim3A_1, %add3A_783 : vector<16xi32>
    %gather3A_785 = tpu.vector_load_idx %arg7[%min3A_681, %add3A_784] : memref<10x20xf32, #tpu.memory_space<vmem>>[vector<16xi32>, vector<16xi32>], vector<16xf32>,
    %gather3A_786 = tpu.vector_load_idx %arg8[%sub3A_716, %add3A_784] : memref<5x20xf32, #tpu.memory_space<vmem>>[vector<16xi32>, vector<16xi32>], vector<16xf32>,
    %mul3A_787 = arith.mulf %gather3A_785, %gather3A_786 : vector<16xf32>
    %add3A_788 = arith.addf %add3A_781, %mul3A_787 : vector<16xf32>
    %add3A_789 = arith.constant 10 : i32
    %add3A_790 = vector.broadcast %add3A_789 : i32 to vector<16xi32>
    %add3A_791 = arith.addi %broadcast_in_dim3A_1, %add3A_790 : vector<16xi32>
    %gather3A_792 = tpu.vector_load_idx %arg7[%min3A_681, %add3A_791] : memref<10x20xf32, #tpu.memory_space<vmem>>[vector<16xi32>, vector<16xi32>], vector<16xf32>,
    %gather3A_793 = tpu.vector_load_idx %arg8[%sub3A_716, %add3A_791] : memref<5x20xf32, #tpu.memory_space<vmem>>[vector<16xi32>, vector<16xi32>], vector<16xf32>,
    %mul3A_794 = arith.mulf %gather3A_792, %gather3A_793 : vector<16xf32>
    %add3A_795 = arith.addf %add3A_788, %mul3A_794 : vector<16xf32>
    %add3A_796 = arith.constant 11 : i32
    %add3A_797 = vector.broadcast %add3A_796 : i32 to vector<16xi32>
    %add3A_798 = arith.addi %broadcast_in_dim3A_1, %add3A_797 : vector<16xi32>
    %gather3A_799 = tpu.vector_load_idx %arg7[%min3A_681, %add3A_798] : memref<10x20xf32, #tpu.memory_space<vmem>>[vector<16xi32>, vector<16xi32>], vector<16xf32>,
    %gather3A_800 = tpu.vector_load_idx %arg8[%sub3A_716, %add3A_798] : memref<5x20xf32, #tpu.memory_space<vmem>>[vector<16xi32>, vector<16xi32>], vector<16xf32>,
    %mul3A_801 = arith.mulf %gather3A_799, %gather3A_800 : vector<16xf32>
    %add3A_802 = arith.addf %add3A_795, %mul3A_801 : vector<16xf32>
    %add3A_803 = arith.constant 12 : i32
    %add3A_804 = vector.broadcast %add3A_803 : i32 to vector<16xi32>
    %add3A_805 = arith.addi %broadcast_in_dim3A_1, %add3A_804 : vector<16xi32>
    %gather3A_806 = tpu.vector_load_idx %arg7[%min3A_681, %add3A_805] : memref<10x20xf32, #tpu.memory_space<vmem>>[vector<16xi32>, vector<16xi32>], vector<16xf32>,
    %gather3A_807 = tpu.vector_load_idx %arg8[%sub3A_716, %add3A_805] : memref<5x20xf32, #tpu.memory_space<vmem>>[vector<16xi32>, vector<16xi32>], vector<16xf32>,
    %mul3A_808 = arith.mulf %gather3A_806, %gather3A_807 : vector<16xf32>
    %add3A_809 = arith.addf %add3A_802, %mul3A_808 : vector<16xf32>
    %add3A_810 = arith.constant 13 : i32
    %add3A_811 = vector.broadcast %add3A_810 : i32 to vector<16xi32>
    %add3A_812 = arith.addi %broadcast_in_dim3A_1, %add3A_811 : vector<16xi32>
    %gather3A_813 = tpu.vector_load_idx %arg7[%min3A_681, %add3A_812] : memref<10x20xf32, #tpu.memory_space<vmem>>[vector<16xi32>, vector<16xi32>], vector<16xf32>,
    %gather3A_814 = tpu.vector_load_idx %arg8[%sub3A_716, %add3A_812] : memref<5x20xf32, #tpu.memory_space<vmem>>[vector<16xi32>, vector<16xi32>], vector<16xf32>,
    %mul3A_815 = arith.mulf %gather3A_813, %gather3A_814 : vector<16xf32>
    %add3A_816 = arith.addf %add3A_809, %mul3A_815 : vector<16xf32>
    %add3A_817 = arith.constant 14 : i32
    %add3A_818 = vector.broadcast %add3A_817 : i32 to vector<16xi32>
    %add3A_819 = arith.addi %broadcast_in_dim3A_1, %add3A_818 : vector<16xi32>
    %gather3A_820 = tpu.vector_load_idx %arg7[%min3A_681, %add3A_819] : memref<10x20xf32, #tpu.memory_space<vmem>>[vector<16xi32>, vector<16xi32>], vector<16xf32>,
    %gather3A_821 = tpu.vector_load_idx %arg8[%sub3A_716, %add3A_819] : memref<5x20xf32, #tpu.memory_space<vmem>>[vector<16xi32>, vector<16xi32>], vector<16xf32>,
    %mul3A_822 = arith.mulf %gather3A_820, %gather3A_821 : vector<16xf32>
    %add3A_823 = arith.addf %add3A_816, %mul3A_822 : vector<16xf32>
    %add3A_824 = arith.constant 15 : i32
    %add3A_825 = vector.broadcast %add3A_824 : i32 to vector<16xi32>
    %add3A_826 = arith.addi %broadcast_in_dim3A_1, %add3A_825 : vector<16xi32>
    %gather3A_827 = tpu.vector_load_idx %arg7[%min3A_681, %add3A_826] : memref<10x20xf32, #tpu.memory_space<vmem>>[vector<16xi32>, vector<16xi32>], vector<16xf32>,
    %gather3A_828 = tpu.vector_load_idx %arg8[%sub3A_716, %add3A_826] : memref<5x20xf32, #tpu.memory_space<vmem>>[vector<16xi32>, vector<16xi32>], vector<16xf32>,
    %mul3A_829 = arith.mulf %gather3A_827, %gather3A_828 : vector<16xf32>
    %add3A_830 = arith.addf %add3A_823, %mul3A_829 : vector<16xf32>
    %add3A_831 = arith.constant 16 : i32
    %add3A_832 = vector.broadcast %add3A_831 : i32 to vector<16xi32>
    %add3A_833 = arith.addi %broadcast_in_dim3A_1, %add3A_832 : vector<16xi32>
    %gather3A_834 = tpu.vector_load_idx %arg7[%min3A_681, %add3A_833] : memref<10x20xf32, #tpu.memory_space<vmem>>[vector<16xi32>, vector<16xi32>], vector<16xf32>,
    %gather3A_835 = tpu.vector_load_idx %arg8[%sub3A_716, %add3A_833] : memref<5x20xf32, #tpu.memory_space<vmem>>[vector<16xi32>, vector<16xi32>], vector<16xf32>,
    %mul3A_836 = arith.mulf %gather3A_834, %gather3A_835 : vector<16xf32>
    %add3A_837 = arith.addf %add3A_830, %mul3A_836 : vector<16xf32>
    %add3A_838 = arith.constant 17 : i32
    %add3A_839 = vector.broadcast %add3A_838 : i32 to vector<16xi32>
    %add3A_840 = arith.addi %broadcast_in_dim3A_1, %add3A_839 : vector<16xi32>
    %gather3A_841 = tpu.vector_load_idx %arg7[%min3A_681, %add3A_840] : memref<10x20xf32, #tpu.memory_space<vmem>>[vector<16xi32>, vector<16xi32>], vector<16xf32>,
    %gather3A_842 = tpu.vector_load_idx %arg8[%sub3A_716, %add3A_840] : memref<5x20xf32, #tpu.memory_space<vmem>>[vector<16xi32>, vector<16xi32>], vector<16xf32>,
    %mul3A_843 = arith.mulf %gather3A_841, %gather3A_842 : vector<16xf32>
    %add3A_844 = arith.addf %add3A_837, %mul3A_843 : vector<16xf32>
    %add3A_845 = arith.constant 18 : i32
    %add3A_846 = vector.broadcast %add3A_845 : i32 to vector<16xi32>
    %add3A_847 = arith.addi %broadcast_in_dim3A_1, %add3A_846 : vector<16xi32>
    %gather3A_848 = tpu.vector_load_idx %arg7[%min3A_681, %add3A_847] : memref<10x20xf32, #tpu.memory_space<vmem>>[vector<16xi32>, vector<16xi32>], vector<16xf32>,
    %gather3A_849 = tpu.vector_load_idx %arg8[%sub3A_716, %add3A_847] : memref<5x20xf32, #tpu.memory_space<vmem>>[vector<16xi32>, vector<16xi32>], vector<16xf32>,
    %mul3A_850 = arith.mulf %gather3A_848, %gather3A_849 : vector<16xf32>
    %add3A_851 = arith.addf %add3A_844, %mul3A_850 : vector<16xf32>
    %add3A_852 = arith.constant 19 : i32
    %add3A_853 = vector.broadcast %add3A_852 : i32 to vector<16xi32>
    %add3A_854 = arith.addi %broadcast_in_dim3A_1, %add3A_853 : vector<16xi32>
    %gather3A_855 = tpu.vector_load_idx %arg7[%min3A_681, %add3A_854] : memref<10x20xf32, #tpu.memory_space<vmem>>[vector<16xi32>, vector<16xi32>], vector<16xf32>,
    %gather3A_856 = tpu.vector_load_idx %arg8[%sub3A_716, %add3A_854] : memref<5x20xf32, #tpu.memory_space<vmem>>[vector<16xi32>, vector<16xi32>], vector<16xf32>,
    %mul3A_857 = arith.mulf %gather3A_855, %gather3A_856 : vector<16xf32>
    %add3A_858 = arith.addf %add3A_851, %mul3A_857 : vector<16xf32>
    %gather3A_859 = tpu.vector_load_idx %arg9[%broadcast_in_dim3A_1, %sub3A_716] : memref<1x5xf32, #tpu.memory_space<vmem>>[vector<16xi32>, vector<16xi32>], vector<16xf32>,
    %add3A_860 = arith.addf %add3A_858, %gather3A_859 : vector<16xf32>
    %swap3A_861 = arith.constant 48 : index
    %swap3A_862 = tpu.vector_load %arg10[%swap3A_861] {strides = array<i32>} : memref<64xf32, #tpu.memory_space<vmem>>, vector<16xf32>,
    tpu.vector_store %arg10[%swap3A_861], %add3A_860 {strides = array<i32>} : memref<64xf32, #tpu.memory_space<vmem>>, vector<16xf32>,
    %scan3A = arith.constant 0 : i32
    %scan3A_863 = arith.constant 0 : i32
    %scan3A_864 = arith.constant 64 : i32
    %scan3A_865 = arith.addi %scan3A_863, %scan3A_864 : i32
    %scan3A_866 = arith.constant 1 : i32
    scf.for %scan3A_938 = %scan3A_863 to %scan3A_865 step %scan3A_866  : i32 {
      %mul3A_939 = arith.constant 16 : i32
      %mul3A_940 = arith.muli %scan3A_938, %mul3A_939 : i32
      %add3A_941 = vector.broadcast %mul3A_940 : i32 to vector<16xi32>
      %add3A_942 = arith.addi %add3A_941, %iota3A : vector<16xi32>
      %jit3A_943 = arith.constant 10 : i32
      %div3A_944 = vector.broadcast %jit3A_943 : i32 to vector<16xi32>
      %div3A_945 = arith.divsi %add3A_942, %div3A_944 : vector<16xi32>
      %sign3A_946 = arith.constant 0 : i32
      %sign3A_947 = vector.broadcast %sign3A_946 : i32 to vector<16xi32>
      %sign3A_948 = arith.cmpi sgt, %add3A_942, %sign3A_947 : vector<16xi32>
      %sign3A_949 = arith.extui %sign3A_948 : vector<16xi1> to vector<16xi32>
      %sign3A_950 = arith.constant 0 : i32
      %sign3A_951 = vector.broadcast %sign3A_950 : i32 to vector<16xi32>
      %sign3A_952 = arith.cmpi slt, %add3A_942, %sign3A_951 : vector<16xi32>
      %sign3A_953 = arith.extui %sign3A_952 : vector<16xi1> to vector<16xi32>
      %sign3A_954 = arith.subi %sign3A_949, %sign3A_953 : vector<16xi32>
      %sign3A_955 = arith.constant 0 : i32
      %sign3A_956 = arith.cmpi sgt, %jit3A_943, %sign3A_955 : i32
      %sign3A_957 = arith.extui %sign3A_956 : i1 to i32
      %sign3A_958 = arith.constant 0 : i32
      %sign3A_959 = arith.cmpi slt, %jit3A_943, %sign3A_958 : i32
      %sign3A_960 = arith.extui %sign3A_959 : i1 to i32
      %sign3A_961 = arith.subi %sign3A_957, %sign3A_960 : i32
      %ne3A_962 = vector.broadcast %sign3A_961 : i32 to vector<16xi32>
      %ne3A_963 = arith.cmpi ne, %sign3A_954, %ne3A_962 : vector<16xi32>
      %rem3A_964 = vector.broadcast %jit3A_943 : i32 to vector<16xi32>
      %rem3A_965 = arith.remsi %add3A_942, %rem3A_964 : vector<16xi32>
      %ne3A_966 = arith.constant 0 : i32
      %ne3A_967 = vector.broadcast %ne3A_966 : i32 to vector<16xi32>
      %ne3A_968 = arith.cmpi ne, %rem3A_965, %ne3A_967 : vector<16xi32>
      %and3A_969 = arith.andi %ne3A_963, %ne3A_968 : vector<16xi1>
      %sub3A_970 = arith.constant 1 : i32
      %sub3A_971 = vector.broadcast %sub3A_970 : i32 to vector<16xi32>
      %sub3A_972 = arith.subi %div3A_945, %sub3A_971 : vector<16xi32>
      %select_n3A_973 = arith.select %and3A_969, %sub3A_972, %div3A_945 : vector<16xi1>, vector<16xi32>
      %mul3A_974 = arith.constant 10 : i32
      %mul3A_975 = vector.broadcast %mul3A_974 : i32 to vector<16xi32>
      %mul3A_976 = arith.muli %mul3A_975, %select_n3A_973 : vector<16xi32>
      %sub3A_977 = arith.subi %add3A_942, %mul3A_976 : vector<16xi32>
      %jit3A_978 = arith.constant 10 : i32
      %div3A_979 = vector.broadcast %jit3A_978 : i32 to vector<16xi32>
      %div3A_980 = arith.divsi %select_n3A_973, %div3A_979 : vector<16xi32>
      %sign3A_981 = arith.constant 0 : i32
      %sign3A_982 = vector.broadcast %sign3A_981 : i32 to vector<16xi32>
      %sign3A_983 = arith.cmpi sgt, %select_n3A_973, %sign3A_982 : vector<16xi32>
      %sign3A_984 = arith.extui %sign3A_983 : vector<16xi1> to vector<16xi32>
      %sign3A_985 = arith.constant 0 : i32
      %sign3A_986 = vector.broadcast %sign3A_985 : i32 to vector<16xi32>
      %sign3A_987 = arith.cmpi slt, %select_n3A_973, %sign3A_986 : vector<16xi32>
      %sign3A_988 = arith.extui %sign3A_987 : vector<16xi1> to vector<16xi32>
      %sign3A_989 = arith.subi %sign3A_984, %sign3A_988 : vector<16xi32>
      %sign3A_990 = arith.constant 0 : i32
      %sign3A_991 = arith.cmpi sgt, %jit3A_978, %sign3A_990 : i32
      %sign3A_992 = arith.extui %sign3A_991 : i1 to i32
      %sign3A_993 = arith.constant 0 : i32
      %sign3A_994 = arith.cmpi slt, %jit3A_978, %sign3A_993 : i32
      %sign3A_995 = arith.extui %sign3A_994 : i1 to i32
      %sign3A_996 = arith.subi %sign3A_992, %sign3A_995 : i32
      %ne3A_997 = vector.broadcast %sign3A_996 : i32 to vector<16xi32>
      %ne3A_998 = arith.cmpi ne, %sign3A_989, %ne3A_997 : vector<16xi32>
      %rem3A_999 = vector.broadcast %jit3A_978 : i32 to vector<16xi32>
      %rem3A_1000 = arith.remsi %select_n3A_973, %rem3A_999 : vector<16xi32>
      %ne3A_1001 = arith.constant 0 : i32
      %ne3A_1002 = vector.broadcast %ne3A_1001 : i32 to vector<16xi32>
      %ne3A_1003 = arith.cmpi ne, %rem3A_1000, %ne3A_1002 : vector<16xi32>
      %and3A_1004 = arith.andi %ne3A_998, %ne3A_1003 : vector<16xi1>
      %sub3A_1005 = arith.constant 1 : i32
      %sub3A_1006 = vector.broadcast %sub3A_1005 : i32 to vector<16xi32>
      %sub3A_1007 = arith.subi %div3A_980, %sub3A_1006 : vector<16xi32>
      %select_n3A_1008 = arith.select %and3A_1004, %sub3A_1007, %div3A_980 : vector<16xi1>, vector<16xi32>
      %min3A_1009 = arith.constant 9 : i32
      %min3A_1010 = vector.broadcast %min3A_1009 : i32 to vector<16xi32>
      %min3A_1011 = arith.minsi %select_n3A_1008, %min3A_1010 : vector<16xi32>
      %jit3A_1012 = arith.constant 10 : i32
      %div3A_1013 = vector.broadcast %jit3A_1012 : i32 to vector<16xi32>
      %div3A_1014 = arith.divsi %select_n3A_973, %div3A_1013 : vector<16xi32>
      %sign3A_1015 = arith.constant 0 : i32
      %sign3A_1016 = vector.broadcast %sign3A_1015 : i32 to vector<16xi32>
      %sign3A_1017 = arith.cmpi sgt, %select_n3A_973, %sign3A_1016 : vector<16xi32>
      %sign3A_1018 = arith.extui %sign3A_1017 : vector<16xi1> to vector<16xi32>
      %sign3A_1019 = arith.constant 0 : i32
      %sign3A_1020 = vector.broadcast %sign3A_1019 : i32 to vector<16xi32>
      %sign3A_1021 = arith.cmpi slt, %select_n3A_973, %sign3A_1020 : vector<16xi32>
      %sign3A_1022 = arith.extui %sign3A_1021 : vector<16xi1> to vector<16xi32>
      %sign3A_1023 = arith.subi %sign3A_1018, %sign3A_1022 : vector<16xi32>
      %sign3A_1024 = arith.constant 0 : i32
      %sign3A_1025 = arith.cmpi sgt, %jit3A_1012, %sign3A_1024 : i32
      %sign3A_1026 = arith.extui %sign3A_1025 : i1 to i32
      %sign3A_1027 = arith.constant 0 : i32
      %sign3A_1028 = arith.cmpi slt, %jit3A_1012, %sign3A_1027 : i32
      %sign3A_1029 = arith.extui %sign3A_1028 : i1 to i32
      %sign3A_1030 = arith.subi %sign3A_1026, %sign3A_1029 : i32
      %ne3A_1031 = vector.broadcast %sign3A_1030 : i32 to vector<16xi32>
      %ne3A_1032 = arith.cmpi ne, %sign3A_1023, %ne3A_1031 : vector<16xi32>
      %rem3A_1033 = vector.broadcast %jit3A_1012 : i32 to vector<16xi32>
      %rem3A_1034 = arith.remsi %select_n3A_973, %rem3A_1033 : vector<16xi32>
      %ne3A_1035 = arith.constant 0 : i32
      %ne3A_1036 = vector.broadcast %ne3A_1035 : i32 to vector<16xi32>
      %ne3A_1037 = arith.cmpi ne, %rem3A_1034, %ne3A_1036 : vector<16xi32>
      %and3A_1038 = arith.andi %ne3A_1032, %ne3A_1037 : vector<16xi1>
      %sub3A_1039 = arith.constant 1 : i32
      %sub3A_1040 = vector.broadcast %sub3A_1039 : i32 to vector<16xi32>
      %sub3A_1041 = arith.subi %div3A_1014, %sub3A_1040 : vector<16xi32>
      %select_n3A_1042 = arith.select %and3A_1038, %sub3A_1041, %div3A_1014 : vector<16xi1>, vector<16xi32>
      %mul3A_1043 = arith.constant 10 : i32
      %mul3A_1044 = vector.broadcast %mul3A_1043 : i32 to vector<16xi32>
      %mul3A_1045 = arith.muli %mul3A_1044, %select_n3A_1042 : vector<16xi32>
      %sub3A_1046 = arith.subi %select_n3A_973, %mul3A_1045 : vector<16xi32>
      %lt3A = arith.constant 5 : i32
      %lt3A_1047 = vector.broadcast %lt3A : i32 to vector<16xi32>
      %lt3A_1048 = arith.cmpi slt, %sub3A_977, %lt3A_1047 : vector<16xi32>
      %mul3A_1049 = arith.constant 5 : i32
      %mul3A_1050 = vector.broadcast %mul3A_1049 : i32 to vector<16xi32>
      %mul3A_1051 = arith.muli %min3A_1011, %mul3A_1050 : vector<16xi32>
      %add3A_1052 = arith.addi %mul3A_1051, %sub3A_977 : vector<16xi32>
      %mul3A_1053 = arith.constant 5 : i32
      %mul3A_1054 = vector.broadcast %mul3A_1053 : i32 to vector<16xi32>
      %mul3A_1055 = arith.muli %sub3A_1046, %mul3A_1054 : vector<16xi32>
      %sub3A_1056 = arith.constant 5 : i32
      %sub3A_1057 = vector.broadcast %sub3A_1056 : i32 to vector<16xi32>
      %sub3A_1058 = arith.subi %sub3A_977, %sub3A_1057 : vector<16xi32>
      %add3A_1059 = arith.addi %mul3A_1055, %sub3A_1058 : vector<16xi32>
      %select_n3A_1060 = arith.select %lt3A_1048, %add3A_1052, %add3A_1059 : vector<16xi1>, vector<16xi32>
      %gather3A_1061 = tpu.vector_load_idx %arg10[%select_n3A_1060] : memref<64xf32, #tpu.memory_space<vmem>>[vector<16xi32>], vector<16xf32>,
      tpu.vector_store_idx %arg11[%add3A_942], %gather3A_1061 : memref<1024xf32, #tpu.memory_space<vmem>>[vector<16xi32>], vector<16xf32>,
    }
    %scan3A_867 = arith.constant 64 : i32
    %mul3A_868 = arith.constant 102400 : i32
    %mul3A_869 = arith.muli %add3A, %mul3A_868 : i32
    %add3A_870 = arith.constant 0 : i32
    %add3A_871 = arith.addi %mul3A_869, %add3A_870 : i32
    %dma_start3A = tpu.memref_slice %arg2[%add3A_871] : memref<3276800xi32, #tpu.memory_space<hbm>> -> memref<6400xi32, #tpu.memory_space<hbm>>
    %dma_start3A_872 = tpu.memref_slice %arg2[%add3A_871] : memref<3276800xi32, #tpu.memory_space<hbm>> -> memref<6400xi32, #tpu.memory_space<hbm>>
    tpu.enqueue_dma source(%dma_start3A_872 : memref<6400xi32, #tpu.memory_space<hbm>>) target(%arg12 : memref<6400xi32, #tpu.memory_space<vmem>>) target_semaphore(%arg24 : memref<!tpu.dma_semaphore, #tpu.memory_space<semaphore_mem>>)
    %scan3A_873 = arith.constant 0 : i32
    %scan3A_874 = arith.constant 0 : i32
    %scan3A_875 = arith.constant 8 : i32
    %scan3A_876 = arith.addi %scan3A_874, %scan3A_875 : i32
    %scan3A_877 = arith.constant 1 : i32
    scf.for %scan3A_938 = %scan3A_874 to %scan3A_876 step %scan3A_877  : i32 {
      %mul3A_939 = arith.constant 2 : i32
      %mul3A_940 = arith.muli %mul3A_939, %scan3A_938 : i32
      %add3A_941 = arith.constant 1 : i32
      %add3A_942 = arith.addi %mul3A_940, %add3A_941 : i32
      %mul3A_943 = arith.constant 6400 : i32
      %mul3A_944 = arith.muli %add3A_942, %mul3A_943 : i32
      %add3A_945 = arith.addi %mul3A_869, %mul3A_944 : i32
      %dma_start3A_946 = tpu.memref_slice %arg2[%add3A_945] : memref<3276800xi32, #tpu.memory_space<hbm>> -> memref<6400xi32, #tpu.memory_space<hbm>>
      %dma_start3A_947 = tpu.memref_slice %arg2[%add3A_945] : memref<3276800xi32, #tpu.memory_space<hbm>> -> memref<6400xi32, #tpu.memory_space<hbm>>
      tpu.enqueue_dma source(%dma_start3A_947 : memref<6400xi32, #tpu.memory_space<hbm>>) target(%arg13 : memref<6400xi32, #tpu.memory_space<vmem>>) target_semaphore(%arg25 : memref<!tpu.dma_semaphore, #tpu.memory_space<semaphore_mem>>)
      %mul3A_948 = arith.constant 6400 : i32
      %mul3A_949 = arith.muli %mul3A_940, %mul3A_948 : i32
      %add3A_950 = arith.addi %mul3A_869, %mul3A_949 : i32
      %dma_wait3A_951 = tpu.memref_slice %arg2[%add3A_950] : memref<3276800xi32, #tpu.memory_space<hbm>> -> memref<6400xi32, #tpu.memory_space<hbm>>
      %dma_wait3A_952 = tpu.memref_slice %arg2[%add3A_950] : memref<3276800xi32, #tpu.memory_space<hbm>> -> memref<6400xi32, #tpu.memory_space<hbm>>
      tpu.wait_dma2 semaphore(%arg24 : memref<!tpu.dma_semaphore, #tpu.memory_space<semaphore_mem>>) src(%dma_wait3A_952 : memref<6400xi32, #tpu.memory_space<hbm>>) dst(%arg12 : memref<6400xi32, #tpu.memory_space<vmem>>)
      %gt3A = arith.constant 0 : i32
      %gt3A_953 = arith.cmpi sgt, %scan3A_938, %gt3A : i32
      %convert_element_type3A = arith.extui %gt3A_953 : i1 to i32
      %cond3A = arith.constant 0 : i32
      %cond3A_954 = arith.cmpi ne, %convert_element_type3A, %cond3A : i32
      scf.if %cond3A_954 {
        %sub3A_1050 = arith.constant 2 : i32
        %sub3A_1051 = arith.subi %mul3A_940, %sub3A_1050 : i32
        %add3A_1052 = arith.constant 0 : i32
        %add3A_1053 = arith.addi %add3A_1052, %mul3A_869 : i32
        %mul3A_1054 = arith.constant 6400 : i32
        %mul3A_1055 = arith.muli %sub3A_1051, %mul3A_1054 : i32
        %add3A_1056 = arith.addi %add3A_1053, %mul3A_1055 : i32
        %add3A_1057 = arith.constant 3276800 : i32
        %add3A_1058 = arith.addi %add3A_1057, %mul3A_869 : i32
        %mul3A_1059 = arith.constant 6400 : i32
        %mul3A_1060 = arith.muli %sub3A_1051, %mul3A_1059 : i32
        %add3A_1061 = arith.addi %add3A_1058, %mul3A_1060 : i32
        %add3A_1062 = arith.constant 6553600 : i32
        %add3A_1063 = arith.addi %add3A_1062, %mul3A_869 : i32
        %mul3A_1064 = arith.constant 6400 : i32
        %mul3A_1065 = arith.muli %sub3A_1051, %mul3A_1064 : i32
        %add3A_1066 = arith.addi %add3A_1063, %mul3A_1065 : i32
        %add3A_1067 = arith.constant 9830400 : i32
        %add3A_1068 = arith.addi %add3A_1067, %mul3A_869 : i32
        %mul3A_1069 = arith.constant 6400 : i32
        %mul3A_1070 = arith.muli %sub3A_1051, %mul3A_1069 : i32
        %add3A_1071 = arith.addi %add3A_1068, %mul3A_1070 : i32
        %add3A_1072 = arith.constant 13107200 : i32
        %add3A_1073 = arith.addi %add3A_1072, %mul3A_869 : i32
        %mul3A_1074 = arith.constant 6400 : i32
        %mul3A_1075 = arith.muli %sub3A_1051, %mul3A_1074 : i32
        %add3A_1076 = arith.addi %add3A_1073, %mul3A_1075 : i32
        %dma_wait3A_1077 = tpu.memref_slice %arg6[%add3A_1056] : memref<16384000xf32, #tpu.memory_space<hbm>> -> memref<6400xf32, #tpu.memory_space<hbm>>
        %dma_wait3A_1078 = tpu.memref_slice %arg6[%add3A_1056] : memref<16384000xf32, #tpu.memory_space<hbm>> -> memref<6400xf32, #tpu.memory_space<hbm>>
        tpu.wait_dma2 semaphore(%arg26 : memref<!tpu.dma_semaphore, #tpu.memory_space<semaphore_mem>>) src(%arg14 : memref<6400xf32, #tpu.memory_space<vmem>>) dst(%dma_wait3A_1078 : memref<6400xf32, #tpu.memory_space<hbm>>)
        %dma_wait3A_1079 = tpu.memref_slice %arg6[%add3A_1061] : memref<16384000xf32, #tpu.memory_space<hbm>> -> memref<6400xf32, #tpu.memory_space<hbm>>
        %dma_wait3A_1080 = tpu.memref_slice %arg6[%add3A_1061] : memref<16384000xf32, #tpu.memory_space<hbm>> -> memref<6400xf32, #tpu.memory_space<hbm>>
        tpu.wait_dma2 semaphore(%arg26 : memref<!tpu.dma_semaphore, #tpu.memory_space<semaphore_mem>>) src(%arg15 : memref<6400xf32, #tpu.memory_space<vmem>>) dst(%dma_wait3A_1080 : memref<6400xf32, #tpu.memory_space<hbm>>)
        %dma_wait3A_1081 = tpu.memref_slice %arg6[%add3A_1066] : memref<16384000xf32, #tpu.memory_space<hbm>> -> memref<6400xf32, #tpu.memory_space<hbm>>
        %dma_wait3A_1082 = tpu.memref_slice %arg6[%add3A_1066] : memref<16384000xf32, #tpu.memory_space<hbm>> -> memref<6400xf32, #tpu.memory_space<hbm>>
        tpu.wait_dma2 semaphore(%arg26 : memref<!tpu.dma_semaphore, #tpu.memory_space<semaphore_mem>>) src(%arg16 : memref<6400xf32, #tpu.memory_space<vmem>>) dst(%dma_wait3A_1082 : memref<6400xf32, #tpu.memory_space<hbm>>)
        %dma_wait3A_1083 = tpu.memref_slice %arg6[%add3A_1071] : memref<16384000xf32, #tpu.memory_space<hbm>> -> memref<6400xf32, #tpu.memory_space<hbm>>
        %dma_wait3A_1084 = tpu.memref_slice %arg6[%add3A_1071] : memref<16384000xf32, #tpu.memory_space<hbm>> -> memref<6400xf32, #tpu.memory_space<hbm>>
        tpu.wait_dma2 semaphore(%arg26 : memref<!tpu.dma_semaphore, #tpu.memory_space<semaphore_mem>>) src(%arg17 : memref<6400xf32, #tpu.memory_space<vmem>>) dst(%dma_wait3A_1084 : memref<6400xf32, #tpu.memory_space<hbm>>)
        %dma_wait3A_1085 = tpu.memref_slice %arg6[%add3A_1076] : memref<16384000xf32, #tpu.memory_space<hbm>> -> memref<6400xf32, #tpu.memory_space<hbm>>
        %dma_wait3A_1086 = tpu.memref_slice %arg6[%add3A_1076] : memref<16384000xf32, #tpu.memory_space<hbm>> -> memref<6400xf32, #tpu.memory_space<hbm>>
        tpu.wait_dma2 semaphore(%arg26 : memref<!tpu.dma_semaphore, #tpu.memory_space<semaphore_mem>>) src(%arg18 : memref<6400xf32, #tpu.memory_space<vmem>>) dst(%dma_wait3A_1086 : memref<6400xf32, #tpu.memory_space<hbm>>)
      } else {
      }
      %parallel_loop3A = arith.constant 0 : i32
      %parallel_loop3A_955 = arith.constant 200 : i32
      %parallel_loop3A_956 = arith.constant 1 : i32
      scf.for %parallel_loop3A_1050 = %parallel_loop3A to %parallel_loop3A_955 step %parallel_loop3A_956  : i32 {
        %parallel_loop3A_1051 = arith.constant 32 : i32
        %parallel_loop3A_1052 = arith.muli %parallel_loop3A_1050, %parallel_loop3A_1051 : i32
        %parallel_loop3A_1053 = arith.index_cast %parallel_loop3A_1052 : i32 to index
        %parallel_loop3A_1054 = tpu.vector_load %arg12[%parallel_loop3A_1053] {strides = array<i32>} : memref<6400xi32, #tpu.memory_space<vmem>>, vector<16xi32>,
        %parallel_loop3A_1055 = arith.constant 32 : i32
        %parallel_loop3A_1056 = arith.muli %parallel_loop3A_1050, %parallel_loop3A_1055 : i32
        %parallel_loop3A_1057 = arith.constant 16 : i32
        %parallel_loop3A_1058 = arith.addi %parallel_loop3A_1056, %parallel_loop3A_1057 : i32
        %parallel_loop3A_1059 = arith.index_cast %parallel_loop3A_1058 : i32 to index
        %parallel_loop3A_1060 = tpu.vector_load %arg12[%parallel_loop3A_1059] {strides = array<i32>} : memref<6400xi32, #tpu.memory_space<vmem>>, vector<16xi32>,
        %parallel_loop3A_1061 = arith.constant 100 : i32
        %parallel_loop3A_1062 = vector.broadcast %parallel_loop3A_1061 : i32 to vector<16xi32>
        %parallel_loop3A_1063 = arith.muli %parallel_loop3A_1054, %parallel_loop3A_1062 : vector<16xi32>
        %parallel_loop3A_1064 = arith.constant 10 : i32
        %parallel_loop3A_1065 = vector.broadcast %parallel_loop3A_1064 : i32 to vector<16xi32>
        %parallel_loop3A_1066 = arith.muli %parallel_loop3A_1060, %parallel_loop3A_1065 : vector<16xi32>
        %parallel_loop3A_1067 = arith.addi %parallel_loop3A_1063, %parallel_loop3A_1066 : vector<16xi32>
        %parallel_loop3A_1068 = arith.constant 32 : i32
        %parallel_loop3A_1069 = arith.muli %parallel_loop3A_1050, %parallel_loop3A_1068 : i32
        %parallel_loop3A_1070 = vector.broadcast %parallel_loop3A_1069 : i32 to vector<16xi32>
        %parallel_loop3A_1071 = arith.addi %parallel_loop3A_1070, %iota3A : vector<16xi32>
        %parallel_loop3A_1072 = arith.constant 16 : i32
        %parallel_loop3A_1073 = vector.broadcast %parallel_loop3A_1072 : i32 to vector<16xi32>
        %parallel_loop3A_1074 = arith.addi %parallel_loop3A_1071, %parallel_loop3A_1073 : vector<16xi32>
        %parallel_loop3A_1075 = arith.constant 0 : i32
        %parallel_loop3A_1076 = vector.broadcast %parallel_loop3A_1075 : i32 to vector<16xi32>
        %parallel_loop3A_1077 = arith.addi %parallel_loop3A_1067, %parallel_loop3A_1076 : vector<16xi32>
        %parallel_loop3A_1078 = tpu.vector_load_idx %arg11[%parallel_loop3A_1077] : memref<1024xf32, #tpu.memory_space<vmem>>[vector<16xi32>], vector<16xf32>,
        tpu.vector_store_idx %arg14[%parallel_loop3A_1071], %parallel_loop3A_1078 : memref<6400xf32, #tpu.memory_space<vmem>>[vector<16xi32>], vector<16xf32>,
        %parallel_loop3A_1079 = arith.constant 5 : i32
        %parallel_loop3A_1080 = vector.broadcast %parallel_loop3A_1079 : i32 to vector<16xi32>
        %parallel_loop3A_1081 = arith.addi %parallel_loop3A_1067, %parallel_loop3A_1080 : vector<16xi32>
        %parallel_loop3A_1082 = tpu.vector_load_idx %arg11[%parallel_loop3A_1081] : memref<1024xf32, #tpu.memory_space<vmem>>[vector<16xi32>], vector<16xf32>,
        tpu.vector_store_idx %arg14[%parallel_loop3A_1074], %parallel_loop3A_1082 : memref<6400xf32, #tpu.memory_space<vmem>>[vector<16xi32>], vector<16xf32>,
        %parallel_loop3A_1083 = arith.constant 1 : i32
        %parallel_loop3A_1084 = vector.broadcast %parallel_loop3A_1083 : i32 to vector<16xi32>
        %parallel_loop3A_1085 = arith.addi %parallel_loop3A_1067, %parallel_loop3A_1084 : vector<16xi32>
        %parallel_loop3A_1086 = tpu.vector_load_idx %arg11[%parallel_loop3A_1085] : memref<1024xf32, #tpu.memory_space<vmem>>[vector<16xi32>], vector<16xf32>,
        tpu.vector_store_idx %arg15[%parallel_loop3A_1071], %parallel_loop3A_1086 : memref<6400xf32, #tpu.memory_space<vmem>>[vector<16xi32>], vector<16xf32>,
        %parallel_loop3A_1087 = arith.constant 6 : i32
        %parallel_loop3A_1088 = vector.broadcast %parallel_loop3A_1087 : i32 to vector<16xi32>
        %parallel_loop3A_1089 = arith.addi %parallel_loop3A_1067, %parallel_loop3A_1088 : vector<16xi32>
        %parallel_loop3A_1090 = tpu.vector_load_idx %arg11[%parallel_loop3A_1089] : memref<1024xf32, #tpu.memory_space<vmem>>[vector<16xi32>], vector<16xf32>,
        tpu.vector_store_idx %arg15[%parallel_loop3A_1074], %parallel_loop3A_1090 : memref<6400xf32, #tpu.memory_space<vmem>>[vector<16xi32>], vector<16xf32>,
        %parallel_loop3A_1091 = arith.constant 2 : i32
        %parallel_loop3A_1092 = vector.broadcast %parallel_loop3A_1091 : i32 to vector<16xi32>
        %parallel_loop3A_1093 = arith.addi %parallel_loop3A_1067, %parallel_loop3A_1092 : vector<16xi32>
        %parallel_loop3A_1094 = tpu.vector_load_idx %arg11[%parallel_loop3A_1093] : memref<1024xf32, #tpu.memory_space<vmem>>[vector<16xi32>], vector<16xf32>,
        tpu.vector_store_idx %arg16[%parallel_loop3A_1071], %parallel_loop3A_1094 : memref<6400xf32, #tpu.memory_space<vmem>>[vector<16xi32>], vector<16xf32>,
        %parallel_loop3A_1095 = arith.constant 7 : i32
        %parallel_loop3A_1096 = vector.broadcast %parallel_loop3A_1095 : i32 to vector<16xi32>
        %parallel_loop3A_1097 = arith.addi %parallel_loop3A_1067, %parallel_loop3A_1096 : vector<16xi32>
        %parallel_loop3A_1098 = tpu.vector_load_idx %arg11[%parallel_loop3A_1097] : memref<1024xf32, #tpu.memory_space<vmem>>[vector<16xi32>], vector<16xf32>,
        tpu.vector_store_idx %arg16[%parallel_loop3A_1074], %parallel_loop3A_1098 : memref<6400xf32, #tpu.memory_space<vmem>>[vector<16xi32>], vector<16xf32>,
        %parallel_loop3A_1099 = arith.constant 3 : i32
        %parallel_loop3A_1100 = vector.broadcast %parallel_loop3A_1099 : i32 to vector<16xi32>
        %parallel_loop3A_1101 = arith.addi %parallel_loop3A_1067, %parallel_loop3A_1100 : vector<16xi32>
        %parallel_loop3A_1102 = tpu.vector_load_idx %arg11[%parallel_loop3A_1101] : memref<1024xf32, #tpu.memory_space<vmem>>[vector<16xi32>], vector<16xf32>,
        tpu.vector_store_idx %arg17[%parallel_loop3A_1071], %parallel_loop3A_1102 : memref<6400xf32, #tpu.memory_space<vmem>>[vector<16xi32>], vector<16xf32>,
        %parallel_loop3A_1103 = arith.constant 8 : i32
        %parallel_loop3A_1104 = vector.broadcast %parallel_loop3A_1103 : i32 to vector<16xi32>
        %parallel_loop3A_1105 = arith.addi %parallel_loop3A_1067, %parallel_loop3A_1104 : vector<16xi32>
        %parallel_loop3A_1106 = tpu.vector_load_idx %arg11[%parallel_loop3A_1105] : memref<1024xf32, #tpu.memory_space<vmem>>[vector<16xi32>], vector<16xf32>,
        tpu.vector_store_idx %arg17[%parallel_loop3A_1074], %parallel_loop3A_1106 : memref<6400xf32, #tpu.memory_space<vmem>>[vector<16xi32>], vector<16xf32>,
        %parallel_loop3A_1107 = arith.constant 4 : i32
        %parallel_loop3A_1108 = vector.broadcast %parallel_loop3A_1107 : i32 to vector<16xi32>
        %parallel_loop3A_1109 = arith.addi %parallel_loop3A_1067, %parallel_loop3A_1108 : vector<16xi32>
        %parallel_loop3A_1110 = tpu.vector_load_idx %arg11[%parallel_loop3A_1109] : memref<1024xf32, #tpu.memory_space<vmem>>[vector<16xi32>], vector<16xf32>,
        tpu.vector_store_idx %arg18[%parallel_loop3A_1071], %parallel_loop3A_1110 : memref<6400xf32, #tpu.memory_space<vmem>>[vector<16xi32>], vector<16xf32>,
        %parallel_loop3A_1111 = arith.constant 9 : i32
        %parallel_loop3A_1112 = vector.broadcast %parallel_loop3A_1111 : i32 to vector<16xi32>
        %parallel_loop3A_1113 = arith.addi %parallel_loop3A_1067, %parallel_loop3A_1112 : vector<16xi32>
        %parallel_loop3A_1114 = tpu.vector_load_idx %arg11[%parallel_loop3A_1113] : memref<1024xf32, #tpu.memory_space<vmem>>[vector<16xi32>], vector<16xf32>,
        tpu.vector_store_idx %arg18[%parallel_loop3A_1074], %parallel_loop3A_1114 : memref<6400xf32, #tpu.memory_space<vmem>>[vector<16xi32>], vector<16xf32>,
      } {sc.loop_unroll_factor = 1 : i64, sc.parallel_access}
      %add3A_957 = arith.constant 0 : i32
      %add3A_958 = arith.addi %add3A_957, %mul3A_869 : i32
      %mul3A_959 = arith.constant 6400 : i32
      %mul3A_960 = arith.muli %mul3A_940, %mul3A_959 : i32
      %add3A_961 = arith.addi %add3A_958, %mul3A_960 : i32
      %add3A_962 = arith.constant 3276800 : i32
      %add3A_963 = arith.addi %add3A_962, %mul3A_869 : i32
      %mul3A_964 = arith.constant 6400 : i32
      %mul3A_965 = arith.muli %mul3A_940, %mul3A_964 : i32
      %add3A_966 = arith.addi %add3A_963, %mul3A_965 : i32
      %add3A_967 = arith.constant 6553600 : i32
      %add3A_968 = arith.addi %add3A_967, %mul3A_869 : i32
      %mul3A_969 = arith.constant 6400 : i32
      %mul3A_970 = arith.muli %mul3A_940, %mul3A_969 : i32
      %add3A_971 = arith.addi %add3A_968, %mul3A_970 : i32
      %add3A_972 = arith.constant 9830400 : i32
      %add3A_973 = arith.addi %add3A_972, %mul3A_869 : i32
      %mul3A_974 = arith.constant 6400 : i32
      %mul3A_975 = arith.muli %mul3A_940, %mul3A_974 : i32
      %add3A_976 = arith.addi %add3A_973, %mul3A_975 : i32
      %add3A_977 = arith.constant 13107200 : i32
      %add3A_978 = arith.addi %add3A_977, %mul3A_869 : i32
      %mul3A_979 = arith.constant 6400 : i32
      %mul3A_980 = arith.muli %mul3A_940, %mul3A_979 : i32
      %add3A_981 = arith.addi %add3A_978, %mul3A_980 : i32
      %dma_start3A_982 = tpu.memref_slice %arg6[%add3A_961] : memref<16384000xf32, #tpu.memory_space<hbm>> -> memref<6400xf32, #tpu.memory_space<hbm>>
      %dma_start3A_983 = tpu.memref_slice %arg6[%add3A_961] : memref<16384000xf32, #tpu.memory_space<hbm>> -> memref<6400xf32, #tpu.memory_space<hbm>>
      tpu.enqueue_dma source(%arg14 : memref<6400xf32, #tpu.memory_space<vmem>>) target(%dma_start3A_983 : memref<6400xf32, #tpu.memory_space<hbm>>) target_semaphore(%arg26 : memref<!tpu.dma_semaphore, #tpu.memory_space<semaphore_mem>>)
      %dma_start3A_984 = tpu.memref_slice %arg6[%add3A_966] : memref<16384000xf32, #tpu.memory_space<hbm>> -> memref<6400xf32, #tpu.memory_space<hbm>>
      %dma_start3A_985 = tpu.memref_slice %arg6[%add3A_966] : memref<16384000xf32, #tpu.memory_space<hbm>> -> memref<6400xf32, #tpu.memory_space<hbm>>
      tpu.enqueue_dma source(%arg15 : memref<6400xf32, #tpu.memory_space<vmem>>) target(%dma_start3A_985 : memref<6400xf32, #tpu.memory_space<hbm>>) target_semaphore(%arg26 : memref<!tpu.dma_semaphore, #tpu.memory_space<semaphore_mem>>)
      %dma_start3A_986 = tpu.memref_slice %arg6[%add3A_971] : memref<16384000xf32, #tpu.memory_space<hbm>> -> memref<6400xf32, #tpu.memory_space<hbm>>
      %dma_start3A_987 = tpu.memref_slice %arg6[%add3A_971] : memref<16384000xf32, #tpu.memory_space<hbm>> -> memref<6400xf32, #tpu.memory_space<hbm>>
      tpu.enqueue_dma source(%arg16 : memref<6400xf32, #tpu.memory_space<vmem>>) target(%dma_start3A_987 : memref<6400xf32, #tpu.memory_space<hbm>>) target_semaphore(%arg26 : memref<!tpu.dma_semaphore, #tpu.memory_space<semaphore_mem>>)
      %dma_start3A_988 = tpu.memref_slice %arg6[%add3A_976] : memref<16384000xf32, #tpu.memory_space<hbm>> -> memref<6400xf32, #tpu.memory_space<hbm>>
      %dma_start3A_989 = tpu.memref_slice %arg6[%add3A_976] : memref<16384000xf32, #tpu.memory_space<hbm>> -> memref<6400xf32, #tpu.memory_space<hbm>>
      tpu.enqueue_dma source(%arg17 : memref<6400xf32, #tpu.memory_space<vmem>>) target(%dma_start3A_989 : memref<6400xf32, #tpu.memory_space<hbm>>) target_semaphore(%arg26 : memref<!tpu.dma_semaphore, #tpu.memory_space<semaphore_mem>>)
      %dma_start3A_990 = tpu.memref_slice %arg6[%add3A_981] : memref<16384000xf32, #tpu.memory_space<hbm>> -> memref<6400xf32, #tpu.memory_space<hbm>>
      %dma_start3A_991 = tpu.memref_slice %arg6[%add3A_981] : memref<16384000xf32, #tpu.memory_space<hbm>> -> memref<6400xf32, #tpu.memory_space<hbm>>
      tpu.enqueue_dma source(%arg18 : memref<6400xf32, #tpu.memory_space<vmem>>) target(%dma_start3A_991 : memref<6400xf32, #tpu.memory_space<hbm>>) target_semaphore(%arg26 : memref<!tpu.dma_semaphore, #tpu.memory_space<semaphore_mem>>)
      %add3A_992 = arith.constant 2 : i32
      %add3A_993 = arith.addi %mul3A_940, %add3A_992 : i32
      %lt3A = arith.constant 16 : i32
      %lt3A_994 = arith.cmpi slt, %add3A_993, %lt3A : i32
      %convert_element_type3A_995 = arith.extui %lt3A_994 : i1 to i32
      %cond3A_996 = arith.constant 0 : i32
      %cond3A_997 = arith.cmpi ne, %convert_element_type3A_995, %cond3A_996 : i32
      scf.if %cond3A_997 {
        %add3A_1050 = arith.constant 2 : i32
        %add3A_1051 = arith.addi %mul3A_940, %add3A_1050 : i32
        %mul3A_1052 = arith.constant 6400 : i32
        %mul3A_1053 = arith.muli %add3A_1051, %mul3A_1052 : i32
        %add3A_1054 = arith.addi %mul3A_869, %mul3A_1053 : i32
        %dma_start3A_1055 = tpu.memref_slice %arg2[%add3A_1054] : memref<3276800xi32, #tpu.memory_space<hbm>> -> memref<6400xi32, #tpu.memory_space<hbm>>
        %dma_start3A_1056 = tpu.memref_slice %arg2[%add3A_1054] : memref<3276800xi32, #tpu.memory_space<hbm>> -> memref<6400xi32, #tpu.memory_space<hbm>>
        tpu.enqueue_dma source(%dma_start3A_1056 : memref<6400xi32, #tpu.memory_space<hbm>>) target(%arg12 : memref<6400xi32, #tpu.memory_space<vmem>>) target_semaphore(%arg24 : memref<!tpu.dma_semaphore, #tpu.memory_space<semaphore_mem>>)
      } else {
      }
      %add3A_998 = arith.constant 1 : i32
      %add3A_999 = arith.addi %mul3A_940, %add3A_998 : i32
      %mul3A_1000 = arith.constant 6400 : i32
      %mul3A_1001 = arith.muli %add3A_999, %mul3A_1000 : i32
      %add3A_1002 = arith.addi %mul3A_869, %mul3A_1001 : i32
      %dma_wait3A_1003 = tpu.memref_slice %arg2[%add3A_1002] : memref<3276800xi32, #tpu.memory_space<hbm>> -> memref<6400xi32, #tpu.memory_space<hbm>>
      %dma_wait3A_1004 = tpu.memref_slice %arg2[%add3A_1002] : memref<3276800xi32, #tpu.memory_space<hbm>> -> memref<6400xi32, #tpu.memory_space<hbm>>
      tpu.wait_dma2 semaphore(%arg25 : memref<!tpu.dma_semaphore, #tpu.memory_space<semaphore_mem>>) src(%dma_wait3A_1004 : memref<6400xi32, #tpu.memory_space<hbm>>) dst(%arg13 : memref<6400xi32, #tpu.memory_space<vmem>>)
      %gt3A_1005 = arith.constant 0 : i32
      %gt3A_1006 = arith.cmpi sgt, %scan3A_938, %gt3A_1005 : i32
      %convert_element_type3A_1007 = arith.extui %gt3A_1006 : i1 to i32
      %cond3A_1008 = arith.constant 0 : i32
      %cond3A_1009 = arith.cmpi ne, %convert_element_type3A_1007, %cond3A_1008 : i32
      scf.if %cond3A_1009 {
        %sub3A_1050 = arith.constant 1 : i32
        %sub3A_1051 = arith.subi %mul3A_940, %sub3A_1050 : i32
        %add3A_1052 = arith.constant 0 : i32
        %add3A_1053 = arith.addi %add3A_1052, %mul3A_869 : i32
        %mul3A_1054 = arith.constant 6400 : i32
        %mul3A_1055 = arith.muli %sub3A_1051, %mul3A_1054 : i32
        %add3A_1056 = arith.addi %add3A_1053, %mul3A_1055 : i32
        %add3A_1057 = arith.constant 3276800 : i32
        %add3A_1058 = arith.addi %add3A_1057, %mul3A_869 : i32
        %mul3A_1059 = arith.constant 6400 : i32
        %mul3A_1060 = arith.muli %sub3A_1051, %mul3A_1059 : i32
        %add3A_1061 = arith.addi %add3A_1058, %mul3A_1060 : i32
        %add3A_1062 = arith.constant 6553600 : i32
        %add3A_1063 = arith.addi %add3A_1062, %mul3A_869 : i32
        %mul3A_1064 = arith.constant 6400 : i32
        %mul3A_1065 = arith.muli %sub3A_1051, %mul3A_1064 : i32
        %add3A_1066 = arith.addi %add3A_1063, %mul3A_1065 : i32
        %add3A_1067 = arith.constant 9830400 : i32
        %add3A_1068 = arith.addi %add3A_1067, %mul3A_869 : i32
        %mul3A_1069 = arith.constant 6400 : i32
        %mul3A_1070 = arith.muli %sub3A_1051, %mul3A_1069 : i32
        %add3A_1071 = arith.addi %add3A_1068, %mul3A_1070 : i32
        %add3A_1072 = arith.constant 13107200 : i32
        %add3A_1073 = arith.addi %add3A_1072, %mul3A_869 : i32
        %mul3A_1074 = arith.constant 6400 : i32
        %mul3A_1075 = arith.muli %sub3A_1051, %mul3A_1074 : i32
        %add3A_1076 = arith.addi %add3A_1073, %mul3A_1075 : i32
        %dma_wait3A_1077 = tpu.memref_slice %arg6[%add3A_1056] : memref<16384000xf32, #tpu.memory_space<hbm>> -> memref<6400xf32, #tpu.memory_space<hbm>>
        %dma_wait3A_1078 = tpu.memref_slice %arg6[%add3A_1056] : memref<16384000xf32, #tpu.memory_space<hbm>> -> memref<6400xf32, #tpu.memory_space<hbm>>
        tpu.wait_dma2 semaphore(%arg27 : memref<!tpu.dma_semaphore, #tpu.memory_space<semaphore_mem>>) src(%arg19 : memref<6400xf32, #tpu.memory_space<vmem>>) dst(%dma_wait3A_1078 : memref<6400xf32, #tpu.memory_space<hbm>>)
        %dma_wait3A_1079 = tpu.memref_slice %arg6[%add3A_1061] : memref<16384000xf32, #tpu.memory_space<hbm>> -> memref<6400xf32, #tpu.memory_space<hbm>>
        %dma_wait3A_1080 = tpu.memref_slice %arg6[%add3A_1061] : memref<16384000xf32, #tpu.memory_space<hbm>> -> memref<6400xf32, #tpu.memory_space<hbm>>
        tpu.wait_dma2 semaphore(%arg27 : memref<!tpu.dma_semaphore, #tpu.memory_space<semaphore_mem>>) src(%arg20 : memref<6400xf32, #tpu.memory_space<vmem>>) dst(%dma_wait3A_1080 : memref<6400xf32, #tpu.memory_space<hbm>>)
        %dma_wait3A_1081 = tpu.memref_slice %arg6[%add3A_1066] : memref<16384000xf32, #tpu.memory_space<hbm>> -> memref<6400xf32, #tpu.memory_space<hbm>>
        %dma_wait3A_1082 = tpu.memref_slice %arg6[%add3A_1066] : memref<16384000xf32, #tpu.memory_space<hbm>> -> memref<6400xf32, #tpu.memory_space<hbm>>
        tpu.wait_dma2 semaphore(%arg27 : memref<!tpu.dma_semaphore, #tpu.memory_space<semaphore_mem>>) src(%arg21 : memref<6400xf32, #tpu.memory_space<vmem>>) dst(%dma_wait3A_1082 : memref<6400xf32, #tpu.memory_space<hbm>>)
        %dma_wait3A_1083 = tpu.memref_slice %arg6[%add3A_1071] : memref<16384000xf32, #tpu.memory_space<hbm>> -> memref<6400xf32, #tpu.memory_space<hbm>>
        %dma_wait3A_1084 = tpu.memref_slice %arg6[%add3A_1071] : memref<16384000xf32, #tpu.memory_space<hbm>> -> memref<6400xf32, #tpu.memory_space<hbm>>
        tpu.wait_dma2 semaphore(%arg27 : memref<!tpu.dma_semaphore, #tpu.memory_space<semaphore_mem>>) src(%arg22 : memref<6400xf32, #tpu.memory_space<vmem>>) dst(%dma_wait3A_1084 : memref<6400xf32, #tpu.memory_space<hbm>>)
        %dma_wait3A_1085 = tpu.memref_slice %arg6[%add3A_1076] : memref<16384000xf32, #tpu.memory_space<hbm>> -> memref<6400xf32, #tpu.memory_space<hbm>>
        %dma_wait3A_1086 = tpu.memref_slice %arg6[%add3A_1076] : memref<16384000xf32, #tpu.memory_space<hbm>> -> memref<6400xf32, #tpu.memory_space<hbm>>
        tpu.wait_dma2 semaphore(%arg27 : memref<!tpu.dma_semaphore, #tpu.memory_space<semaphore_mem>>) src(%arg23 : memref<6400xf32, #tpu.memory_space<vmem>>) dst(%dma_wait3A_1086 : memref<6400xf32, #tpu.memory_space<hbm>>)
      } else {
      }
      %parallel_loop3A_1010 = arith.constant 0 : i32
      %parallel_loop3A_1011 = arith.constant 200 : i32
      %parallel_loop3A_1012 = arith.constant 1 : i32
      scf.for %parallel_loop3A_1050 = %parallel_loop3A_1010 to %parallel_loop3A_1011 step %parallel_loop3A_1012  : i32 {
        %parallel_loop3A_1051 = arith.constant 32 : i32
        %parallel_loop3A_1052 = arith.muli %parallel_loop3A_1050, %parallel_loop3A_1051 : i32
        %parallel_loop3A_1053 = arith.index_cast %parallel_loop3A_1052 : i32 to index
        %parallel_loop3A_1054 = tpu.vector_load %arg13[%parallel_loop3A_1053] {strides = array<i32>} : memref<6400xi32, #tpu.memory_space<vmem>>, vector<16xi32>,
        %parallel_loop3A_1055 = arith.constant 32 : i32
        %parallel_loop3A_1056 = arith.muli %parallel_loop3A_1050, %parallel_loop3A_1055 : i32
        %parallel_loop3A_1057 = arith.constant 16 : i32
        %parallel_loop3A_1058 = arith.addi %parallel_loop3A_1056, %parallel_loop3A_1057 : i32
        %parallel_loop3A_1059 = arith.index_cast %parallel_loop3A_1058 : i32 to index
        %parallel_loop3A_1060 = tpu.vector_load %arg13[%parallel_loop3A_1059] {strides = array<i32>} : memref<6400xi32, #tpu.memory_space<vmem>>, vector<16xi32>,
        %parallel_loop3A_1061 = arith.constant 100 : i32
        %parallel_loop3A_1062 = vector.broadcast %parallel_loop3A_1061 : i32 to vector<16xi32>
        %parallel_loop3A_1063 = arith.muli %parallel_loop3A_1054, %parallel_loop3A_1062 : vector<16xi32>
        %parallel_loop3A_1064 = arith.constant 10 : i32
        %parallel_loop3A_1065 = vector.broadcast %parallel_loop3A_1064 : i32 to vector<16xi32>
        %parallel_loop3A_1066 = arith.muli %parallel_loop3A_1060, %parallel_loop3A_1065 : vector<16xi32>
        %parallel_loop3A_1067 = arith.addi %parallel_loop3A_1063, %parallel_loop3A_1066 : vector<16xi32>
        %parallel_loop3A_1068 = arith.constant 32 : i32
        %parallel_loop3A_1069 = arith.muli %parallel_loop3A_1050, %parallel_loop3A_1068 : i32
        %parallel_loop3A_1070 = vector.broadcast %parallel_loop3A_1069 : i32 to vector<16xi32>
        %parallel_loop3A_1071 = arith.addi %parallel_loop3A_1070, %iota3A : vector<16xi32>
        %parallel_loop3A_1072 = arith.constant 16 : i32
        %parallel_loop3A_1073 = vector.broadcast %parallel_loop3A_1072 : i32 to vector<16xi32>
        %parallel_loop3A_1074 = arith.addi %parallel_loop3A_1071, %parallel_loop3A_1073 : vector<16xi32>
        %parallel_loop3A_1075 = arith.constant 0 : i32
        %parallel_loop3A_1076 = vector.broadcast %parallel_loop3A_1075 : i32 to vector<16xi32>
        %parallel_loop3A_1077 = arith.addi %parallel_loop3A_1067, %parallel_loop3A_1076 : vector<16xi32>
        %parallel_loop3A_1078 = tpu.vector_load_idx %arg11[%parallel_loop3A_1077] : memref<1024xf32, #tpu.memory_space<vmem>>[vector<16xi32>], vector<16xf32>,
        tpu.vector_store_idx %arg19[%parallel_loop3A_1071], %parallel_loop3A_1078 : memref<6400xf32, #tpu.memory_space<vmem>>[vector<16xi32>], vector<16xf32>,
        %parallel_loop3A_1079 = arith.constant 5 : i32
        %parallel_loop3A_1080 = vector.broadcast %parallel_loop3A_1079 : i32 to vector<16xi32>
        %parallel_loop3A_1081 = arith.addi %parallel_loop3A_1067, %parallel_loop3A_1080 : vector<16xi32>
        %parallel_loop3A_1082 = tpu.vector_load_idx %arg11[%parallel_loop3A_1081] : memref<1024xf32, #tpu.memory_space<vmem>>[vector<16xi32>], vector<16xf32>,
        tpu.vector_store_idx %arg19[%parallel_loop3A_1074], %parallel_loop3A_1082 : memref<6400xf32, #tpu.memory_space<vmem>>[vector<16xi32>], vector<16xf32>,
        %parallel_loop3A_1083 = arith.constant 1 : i32
        %parallel_loop3A_1084 = vector.broadcast %parallel_loop3A_1083 : i32 to vector<16xi32>
        %parallel_loop3A_1085 = arith.addi %parallel_loop3A_1067, %parallel_loop3A_1084 : vector<16xi32>
        %parallel_loop3A_1086 = tpu.vector_load_idx %arg11[%parallel_loop3A_1085] : memref<1024xf32, #tpu.memory_space<vmem>>[vector<16xi32>], vector<16xf32>,
        tpu.vector_store_idx %arg20[%parallel_loop3A_1071], %parallel_loop3A_1086 : memref<6400xf32, #tpu.memory_space<vmem>>[vector<16xi32>], vector<16xf32>,
        %parallel_loop3A_1087 = arith.constant 6 : i32
        %parallel_loop3A_1088 = vector.broadcast %parallel_loop3A_1087 : i32 to vector<16xi32>
        %parallel_loop3A_1089 = arith.addi %parallel_loop3A_1067, %parallel_loop3A_1088 : vector<16xi32>
        %parallel_loop3A_1090 = tpu.vector_load_idx %arg11[%parallel_loop3A_1089] : memref<1024xf32, #tpu.memory_space<vmem>>[vector<16xi32>], vector<16xf32>,
        tpu.vector_store_idx %arg20[%parallel_loop3A_1074], %parallel_loop3A_1090 : memref<6400xf32, #tpu.memory_space<vmem>>[vector<16xi32>], vector<16xf32>,
        %parallel_loop3A_1091 = arith.constant 2 : i32
        %parallel_loop3A_1092 = vector.broadcast %parallel_loop3A_1091 : i32 to vector<16xi32>
        %parallel_loop3A_1093 = arith.addi %parallel_loop3A_1067, %parallel_loop3A_1092 : vector<16xi32>
        %parallel_loop3A_1094 = tpu.vector_load_idx %arg11[%parallel_loop3A_1093] : memref<1024xf32, #tpu.memory_space<vmem>>[vector<16xi32>], vector<16xf32>,
        tpu.vector_store_idx %arg21[%parallel_loop3A_1071], %parallel_loop3A_1094 : memref<6400xf32, #tpu.memory_space<vmem>>[vector<16xi32>], vector<16xf32>,
        %parallel_loop3A_1095 = arith.constant 7 : i32
        %parallel_loop3A_1096 = vector.broadcast %parallel_loop3A_1095 : i32 to vector<16xi32>
        %parallel_loop3A_1097 = arith.addi %parallel_loop3A_1067, %parallel_loop3A_1096 : vector<16xi32>
        %parallel_loop3A_1098 = tpu.vector_load_idx %arg11[%parallel_loop3A_1097] : memref<1024xf32, #tpu.memory_space<vmem>>[vector<16xi32>], vector<16xf32>,
        tpu.vector_store_idx %arg21[%parallel_loop3A_1074], %parallel_loop3A_1098 : memref<6400xf32, #tpu.memory_space<vmem>>[vector<16xi32>], vector<16xf32>,
        %parallel_loop3A_1099 = arith.constant 3 : i32
        %parallel_loop3A_1100 = vector.broadcast %parallel_loop3A_1099 : i32 to vector<16xi32>
        %parallel_loop3A_1101 = arith.addi %parallel_loop3A_1067, %parallel_loop3A_1100 : vector<16xi32>
        %parallel_loop3A_1102 = tpu.vector_load_idx %arg11[%parallel_loop3A_1101] : memref<1024xf32, #tpu.memory_space<vmem>>[vector<16xi32>], vector<16xf32>,
        tpu.vector_store_idx %arg22[%parallel_loop3A_1071], %parallel_loop3A_1102 : memref<6400xf32, #tpu.memory_space<vmem>>[vector<16xi32>], vector<16xf32>,
        %parallel_loop3A_1103 = arith.constant 8 : i32
        %parallel_loop3A_1104 = vector.broadcast %parallel_loop3A_1103 : i32 to vector<16xi32>
        %parallel_loop3A_1105 = arith.addi %parallel_loop3A_1067, %parallel_loop3A_1104 : vector<16xi32>
        %parallel_loop3A_1106 = tpu.vector_load_idx %arg11[%parallel_loop3A_1105] : memref<1024xf32, #tpu.memory_space<vmem>>[vector<16xi32>], vector<16xf32>,
        tpu.vector_store_idx %arg22[%parallel_loop3A_1074], %parallel_loop3A_1106 : memref<6400xf32, #tpu.memory_space<vmem>>[vector<16xi32>], vector<16xf32>,
        %parallel_loop3A_1107 = arith.constant 4 : i32
        %parallel_loop3A_1108 = vector.broadcast %parallel_loop3A_1107 : i32 to vector<16xi32>
        %parallel_loop3A_1109 = arith.addi %parallel_loop3A_1067, %parallel_loop3A_1108 : vector<16xi32>
        %parallel_loop3A_1110 = tpu.vector_load_idx %arg11[%parallel_loop3A_1109] : memref<1024xf32, #tpu.memory_space<vmem>>[vector<16xi32>], vector<16xf32>,
        tpu.vector_store_idx %arg23[%parallel_loop3A_1071], %parallel_loop3A_1110 : memref<6400xf32, #tpu.memory_space<vmem>>[vector<16xi32>], vector<16xf32>,
        %parallel_loop3A_1111 = arith.constant 9 : i32
        %parallel_loop3A_1112 = vector.broadcast %parallel_loop3A_1111 : i32 to vector<16xi32>
        %parallel_loop3A_1113 = arith.addi %parallel_loop3A_1067, %parallel_loop3A_1112 : vector<16xi32>
        %parallel_loop3A_1114 = tpu.vector_load_idx %arg11[%parallel_loop3A_1113] : memref<1024xf32, #tpu.memory_space<vmem>>[vector<16xi32>], vector<16xf32>,
        tpu.vector_store_idx %arg23[%parallel_loop3A_1074], %parallel_loop3A_1114 : memref<6400xf32, #tpu.memory_space<vmem>>[vector<16xi32>], vector<16xf32>,
      } {sc.loop_unroll_factor = 1 : i64, sc.parallel_access}
      %add3A_1013 = arith.constant 1 : i32
      %add3A_1014 = arith.addi %mul3A_940, %add3A_1013 : i32
      %add3A_1015 = arith.constant 0 : i32
      %add3A_1016 = arith.addi %add3A_1015, %mul3A_869 : i32
      %mul3A_1017 = arith.constant 6400 : i32
      %mul3A_1018 = arith.muli %add3A_1014, %mul3A_1017 : i32
      %add3A_1019 = arith.addi %add3A_1016, %mul3A_1018 : i32
      %add3A_1020 = arith.constant 3276800 : i32
      %add3A_1021 = arith.addi %add3A_1020, %mul3A_869 : i32
      %mul3A_1022 = arith.constant 6400 : i32
      %mul3A_1023 = arith.muli %add3A_1014, %mul3A_1022 : i32
      %add3A_1024 = arith.addi %add3A_1021, %mul3A_1023 : i32
      %add3A_1025 = arith.constant 6553600 : i32
      %add3A_1026 = arith.addi %add3A_1025, %mul3A_869 : i32
      %mul3A_1027 = arith.constant 6400 : i32
      %mul3A_1028 = arith.muli %add3A_1014, %mul3A_1027 : i32
      %add3A_1029 = arith.addi %add3A_1026, %mul3A_1028 : i32
      %add3A_1030 = arith.constant 9830400 : i32
      %add3A_1031 = arith.addi %add3A_1030, %mul3A_869 : i32
      %mul3A_1032 = arith.constant 6400 : i32
      %mul3A_1033 = arith.muli %add3A_1014, %mul3A_1032 : i32
      %add3A_1034 = arith.addi %add3A_1031, %mul3A_1033 : i32
      %add3A_1035 = arith.constant 13107200 : i32
      %add3A_1036 = arith.addi %add3A_1035, %mul3A_869 : i32
      %mul3A_1037 = arith.constant 6400 : i32
      %mul3A_1038 = arith.muli %add3A_1014, %mul3A_1037 : i32
      %add3A_1039 = arith.addi %add3A_1036, %mul3A_1038 : i32
      %dma_start3A_1040 = tpu.memref_slice %arg6[%add3A_1019] : memref<16384000xf32, #tpu.memory_space<hbm>> -> memref<6400xf32, #tpu.memory_space<hbm>>
      %dma_start3A_1041 = tpu.memref_slice %arg6[%add3A_1019] : memref<16384000xf32, #tpu.memory_space<hbm>> -> memref<6400xf32, #tpu.memory_space<hbm>>
      tpu.enqueue_dma source(%arg19 : memref<6400xf32, #tpu.memory_space<vmem>>) target(%dma_start3A_1041 : memref<6400xf32, #tpu.memory_space<hbm>>) target_semaphore(%arg27 : memref<!tpu.dma_semaphore, #tpu.memory_space<semaphore_mem>>)
      %dma_start3A_1042 = tpu.memref_slice %arg6[%add3A_1024] : memref<16384000xf32, #tpu.memory_space<hbm>> -> memref<6400xf32, #tpu.memory_space<hbm>>
      %dma_start3A_1043 = tpu.memref_slice %arg6[%add3A_1024] : memref<16384000xf32, #tpu.memory_space<hbm>> -> memref<6400xf32, #tpu.memory_space<hbm>>
      tpu.enqueue_dma source(%arg20 : memref<6400xf32, #tpu.memory_space<vmem>>) target(%dma_start3A_1043 : memref<6400xf32, #tpu.memory_space<hbm>>) target_semaphore(%arg27 : memref<!tpu.dma_semaphore, #tpu.memory_space<semaphore_mem>>)
      %dma_start3A_1044 = tpu.memref_slice %arg6[%add3A_1029] : memref<16384000xf32, #tpu.memory_space<hbm>> -> memref<6400xf32, #tpu.memory_space<hbm>>
      %dma_start3A_1045 = tpu.memref_slice %arg6[%add3A_1029] : memref<16384000xf32, #tpu.memory_space<hbm>> -> memref<6400xf32, #tpu.memory_space<hbm>>
      tpu.enqueue_dma source(%arg21 : memref<6400xf32, #tpu.memory_space<vmem>>) target(%dma_start3A_1045 : memref<6400xf32, #tpu.memory_space<hbm>>) target_semaphore(%arg27 : memref<!tpu.dma_semaphore, #tpu.memory_space<semaphore_mem>>)
      %dma_start3A_1046 = tpu.memref_slice %arg6[%add3A_1034] : memref<16384000xf32, #tpu.memory_space<hbm>> -> memref<6400xf32, #tpu.memory_space<hbm>>
      %dma_start3A_1047 = tpu.memref_slice %arg6[%add3A_1034] : memref<16384000xf32, #tpu.memory_space<hbm>> -> memref<6400xf32, #tpu.memory_space<hbm>>
      tpu.enqueue_dma source(%arg22 : memref<6400xf32, #tpu.memory_space<vmem>>) target(%dma_start3A_1047 : memref<6400xf32, #tpu.memory_space<hbm>>) target_semaphore(%arg27 : memref<!tpu.dma_semaphore, #tpu.memory_space<semaphore_mem>>)
      %dma_start3A_1048 = tpu.memref_slice %arg6[%add3A_1039] : memref<16384000xf32, #tpu.memory_space<hbm>> -> memref<6400xf32, #tpu.memory_space<hbm>>
      %dma_start3A_1049 = tpu.memref_slice %arg6[%add3A_1039] : memref<16384000xf32, #tpu.memory_space<hbm>> -> memref<6400xf32, #tpu.memory_space<hbm>>
      tpu.enqueue_dma source(%arg23 : memref<6400xf32, #tpu.memory_space<vmem>>) target(%dma_start3A_1049 : memref<6400xf32, #tpu.memory_space<hbm>>) target_semaphore(%arg27 : memref<!tpu.dma_semaphore, #tpu.memory_space<semaphore_mem>>)
    }
    %scan3A_878 = arith.constant 8 : i32
    %add3A_879 = arith.constant 0 : i32
    %add3A_880 = arith.addi %add3A_879, %mul3A_869 : i32
    %add3A_881 = arith.constant 89600 : i32
    %add3A_882 = arith.addi %add3A_880, %add3A_881 : i32
    %add3A_883 = arith.constant 3276800 : i32
    %add3A_884 = arith.addi %add3A_883, %mul3A_869 : i32
    %add3A_885 = arith.constant 89600 : i32
    %add3A_886 = arith.addi %add3A_884, %add3A_885 : i32
    %add3A_887 = arith.constant 6553600 : i32
    %add3A_888 = arith.addi %add3A_887, %mul3A_869 : i32
    %add3A_889 = arith.constant 89600 : i32
    %add3A_890 = arith.addi %add3A_888, %add3A_889 : i32
    %add3A_891 = arith.constant 9830400 : i32
    %add3A_892 = arith.addi %add3A_891, %mul3A_869 : i32
    %add3A_893 = arith.constant 89600 : i32
    %add3A_894 = arith.addi %add3A_892, %add3A_893 : i32
    %add3A_895 = arith.constant 13107200 : i32
    %add3A_896 = arith.addi %add3A_895, %mul3A_869 : i32
    %add3A_897 = arith.constant 89600 : i32
    %add3A_898 = arith.addi %add3A_896, %add3A_897 : i32
    %dma_wait3A = tpu.memref_slice %arg6[%add3A_882] : memref<16384000xf32, #tpu.memory_space<hbm>> -> memref<6400xf32, #tpu.memory_space<hbm>>
    %dma_wait3A_899 = tpu.memref_slice %arg6[%add3A_882] : memref<16384000xf32, #tpu.memory_space<hbm>> -> memref<6400xf32, #tpu.memory_space<hbm>>
    tpu.wait_dma2 semaphore(%arg26 : memref<!tpu.dma_semaphore, #tpu.memory_space<semaphore_mem>>) src(%arg14 : memref<6400xf32, #tpu.memory_space<vmem>>) dst(%dma_wait3A_899 : memref<6400xf32, #tpu.memory_space<hbm>>)
    %dma_wait3A_900 = tpu.memref_slice %arg6[%add3A_886] : memref<16384000xf32, #tpu.memory_space<hbm>> -> memref<6400xf32, #tpu.memory_space<hbm>>
    %dma_wait3A_901 = tpu.memref_slice %arg6[%add3A_886] : memref<16384000xf32, #tpu.memory_space<hbm>> -> memref<6400xf32, #tpu.memory_space<hbm>>
    tpu.wait_dma2 semaphore(%arg26 : memref<!tpu.dma_semaphore, #tpu.memory_space<semaphore_mem>>) src(%arg15 : memref<6400xf32, #tpu.memory_space<vmem>>) dst(%dma_wait3A_901 : memref<6400xf32, #tpu.memory_space<hbm>>)
    %dma_wait3A_902 = tpu.memref_slice %arg6[%add3A_890] : memref<16384000xf32, #tpu.memory_space<hbm>> -> memref<6400xf32, #tpu.memory_space<hbm>>
    %dma_wait3A_903 = tpu.memref_slice %arg6[%add3A_890] : memref<16384000xf32, #tpu.memory_space<hbm>> -> memref<6400xf32, #tpu.memory_space<hbm>>
    tpu.wait_dma2 semaphore(%arg26 : memref<!tpu.dma_semaphore, #tpu.memory_space<semaphore_mem>>) src(%arg16 : memref<6400xf32, #tpu.memory_space<vmem>>) dst(%dma_wait3A_903 : memref<6400xf32, #tpu.memory_space<hbm>>)
    %dma_wait3A_904 = tpu.memref_slice %arg6[%add3A_894] : memref<16384000xf32, #tpu.memory_space<hbm>> -> memref<6400xf32, #tpu.memory_space<hbm>>
    %dma_wait3A_905 = tpu.memref_slice %arg6[%add3A_894] : memref<16384000xf32, #tpu.memory_space<hbm>> -> memref<6400xf32, #tpu.memory_space<hbm>>
    tpu.wait_dma2 semaphore(%arg26 : memref<!tpu.dma_semaphore, #tpu.memory_space<semaphore_mem>>) src(%arg17 : memref<6400xf32, #tpu.memory_space<vmem>>) dst(%dma_wait3A_905 : memref<6400xf32, #tpu.memory_space<hbm>>)
    %dma_wait3A_906 = tpu.memref_slice %arg6[%add3A_898] : memref<16384000xf32, #tpu.memory_space<hbm>> -> memref<6400xf32, #tpu.memory_space<hbm>>
    %dma_wait3A_907 = tpu.memref_slice %arg6[%add3A_898] : memref<16384000xf32, #tpu.memory_space<hbm>> -> memref<6400xf32, #tpu.memory_space<hbm>>
    tpu.wait_dma2 semaphore(%arg26 : memref<!tpu.dma_semaphore, #tpu.memory_space<semaphore_mem>>) src(%arg18 : memref<6400xf32, #tpu.memory_space<vmem>>) dst(%dma_wait3A_907 : memref<6400xf32, #tpu.memory_space<hbm>>)
    %add3A_908 = arith.constant 0 : i32
    %add3A_909 = arith.addi %add3A_908, %mul3A_869 : i32
    %add3A_910 = arith.constant 96000 : i32
    %add3A_911 = arith.addi %add3A_909, %add3A_910 : i32
    %add3A_912 = arith.constant 3276800 : i32
    %add3A_913 = arith.addi %add3A_912, %mul3A_869 : i32
    %add3A_914 = arith.constant 96000 : i32
    %add3A_915 = arith.addi %add3A_913, %add3A_914 : i32
    %add3A_916 = arith.constant 6553600 : i32
    %add3A_917 = arith.addi %add3A_916, %mul3A_869 : i32
    %add3A_918 = arith.constant 96000 : i32
    %add3A_919 = arith.addi %add3A_917, %add3A_918 : i32
    %add3A_920 = arith.constant 9830400 : i32
    %add3A_921 = arith.addi %add3A_920, %mul3A_869 : i32
    %add3A_922 = arith.constant 96000 : i32
    %add3A_923 = arith.addi %add3A_921, %add3A_922 : i32
    %add3A_924 = arith.constant 13107200 : i32
    %add3A_925 = arith.addi %add3A_924, %mul3A_869 : i32
    %add3A_926 = arith.constant 96000 : i32
    %add3A_927 = arith.addi %add3A_925, %add3A_926 : i32
    %dma_wait3A_928 = tpu.memref_slice %arg6[%add3A_911] : memref<16384000xf32, #tpu.memory_space<hbm>> -> memref<6400xf32, #tpu.memory_space<hbm>>
    %dma_wait3A_929 = tpu.memref_slice %arg6[%add3A_911] : memref<16384000xf32, #tpu.memory_space<hbm>> -> memref<6400xf32, #tpu.memory_space<hbm>>
    tpu.wait_dma2 semaphore(%arg27 : memref<!tpu.dma_semaphore, #tpu.memory_space<semaphore_mem>>) src(%arg19 : memref<6400xf32, #tpu.memory_space<vmem>>) dst(%dma_wait3A_929 : memref<6400xf32, #tpu.memory_space<hbm>>)
    %dma_wait3A_930 = tpu.memref_slice %arg6[%add3A_915] : memref<16384000xf32, #tpu.memory_space<hbm>> -> memref<6400xf32, #tpu.memory_space<hbm>>
    %dma_wait3A_931 = tpu.memref_slice %arg6[%add3A_915] : memref<16384000xf32, #tpu.memory_space<hbm>> -> memref<6400xf32, #tpu.memory_space<hbm>>
    tpu.wait_dma2 semaphore(%arg27 : memref<!tpu.dma_semaphore, #tpu.memory_space<semaphore_mem>>) src(%arg20 : memref<6400xf32, #tpu.memory_space<vmem>>) dst(%dma_wait3A_931 : memref<6400xf32, #tpu.memory_space<hbm>>)
    %dma_wait3A_932 = tpu.memref_slice %arg6[%add3A_919] : memref<16384000xf32, #tpu.memory_space<hbm>> -> memref<6400xf32, #tpu.memory_space<hbm>>
    %dma_wait3A_933 = tpu.memref_slice %arg6[%add3A_919] : memref<16384000xf32, #tpu.memory_space<hbm>> -> memref<6400xf32, #tpu.memory_space<hbm>>
    tpu.wait_dma2 semaphore(%arg27 : memref<!tpu.dma_semaphore, #tpu.memory_space<semaphore_mem>>) src(%arg21 : memref<6400xf32, #tpu.memory_space<vmem>>) dst(%dma_wait3A_933 : memref<6400xf32, #tpu.memory_space<hbm>>)
    %dma_wait3A_934 = tpu.memref_slice %arg6[%add3A_923] : memref<16384000xf32, #tpu.memory_space<hbm>> -> memref<6400xf32, #tpu.memory_space<hbm>>
    %dma_wait3A_935 = tpu.memref_slice %arg6[%add3A_923] : memref<16384000xf32, #tpu.memory_space<hbm>> -> memref<6400xf32, #tpu.memory_space<hbm>>
    tpu.wait_dma2 semaphore(%arg27 : memref<!tpu.dma_semaphore, #tpu.memory_space<semaphore_mem>>) src(%arg22 : memref<6400xf32, #tpu.memory_space<vmem>>) dst(%dma_wait3A_935 : memref<6400xf32, #tpu.memory_space<hbm>>)
    %dma_wait3A_936 = tpu.memref_slice %arg6[%add3A_927] : memref<16384000xf32, #tpu.memory_space<hbm>> -> memref<6400xf32, #tpu.memory_space<hbm>>
    %dma_wait3A_937 = tpu.memref_slice %arg6[%add3A_927] : memref<16384000xf32, #tpu.memory_space<hbm>> -> memref<6400xf32, #tpu.memory_space<hbm>>
    tpu.wait_dma2 semaphore(%arg27 : memref<!tpu.dma_semaphore, #tpu.memory_space<semaphore_mem>>) src(%arg23 : memref<6400xf32, #tpu.memory_space<vmem>>) dst(%dma_wait3A_937 : memref<6400xf32, #tpu.memory_space<hbm>>)
    return
  }
}

</mosaic_0001>

<sc_bundles>
// kernel: kernel.3.cloned.1.call-start
scs
__scs_entry_jumppad:
0x0: {  	(pc) =	sbr.rel $0x88, $3  }
0x1: {  	(tag) =	ssettag $0x0;
	lr =	simm.s32 $0x1  }
0x2: {  	[smem:$0x3F9D] =	sst lr;
	_ =	strace $0xD0000000  }
0x3: {  	_ = 	snop  }
0x4: {  	_ = 	snop  }
0x5: {  	_ = 	snop  }
0x6: {  	_ = 	snop  }
0x7: {  	_ = 	snop  }
__scs_overlays_trampoline_lowered:
0x8: {  	[smem:$0x3FAC] =	sst s0  }
0x9: {  	[smem:$0x3FAD] =	sst s1  }
0xa: {  	[smem:$0x3FAE] =	sst s2  }
0xb: {  	[smem:$0x3FAF] =	sst s3  }
0xc: {  	[smem:$0x3FB0] =	sst s4  }
0xd: {  	[smem:$0x3FB1] =	sst s5  }
0xe: {  	[smem:$0x3FB2] =	sst s6  }
0xf: {  	[smem:$0x3FB3] =	sst s7  }
0x10: {  	[smem:$0x3FB4] =	sst s8  }
0x11: {  	[smem:$0x3FB5] =	sst s9;
	s0 =	simm.s32 @!p0 $0x0  }
0x12: {  	s1 =	sld [smem:$0x3F9B];
	s0 =	simm.s32 @p0 $0x1  }
0x13: {  	[smem:$0x3FB6] =	sst s0;
	s0 =	simm.s32 @!p1 $0x0  }
0x14: {  	s2 =	sld [smem:$0x3F9A];
	s0 =	simm.s32 @p1 $0x1  }
0x15: {  	[smem:$0x3FB7] =	sst s0;
	s0 =	simm.s32 @!p2 $0x0  }
0x16: {  	s3 =	sld [smem:$0x3FDB];
	s0 =	simm.s32 @p2 $0x1  }
0x17: {  	s4 =	simm.s32 $0x1BF5;
	[smem:$0x3FB9] =	sst s0  }
0x18: {  	s0 =	sld [smem:$0x3F9C];
	_ =	swait.ge [sflag:s4], $0x0  }
0x19: {  	s7 =	sld [smem:$0x3F9D]  }
0x1a: {  	s8 =	sadd.s32 $0xFFFFE003, lr  }
0x1b: {  	s9 =	sadd.s32 $0xFFFFFEF7, lr;
	s5 =	simm.s32 $0xFFFFFFFF;
	p2 =	slt.u32 s8, $0xFFFFF086  }
0x1c: {  	p1 =	slt.u32 s9, $0xF7A;
	s5 =	simm.s32 @!p2 $0x0  }
0x1d: {  	s5 =	simm.s32 @p1 $0x1;
	p0 =	seq.s32 s7, s2  }
0x1e: {  	s7 =	smul.u32 @!p0 $0xF7A, s2;
	p2 =	seq.s32 @!p0 s5, $0x0  }
0x1f: {  	s9 =	smul.u32 $0xF7A, s1;
	s8 =	simm.s32 @!p0 $0x1BF5;
	p2 =	por !p2, p0  }
0x20: {  	[sflag:s8] =	ssyncset.s32 @!p0 $0xFFFFF086;
	s6 =	sadd.s32 @!p0 s3, s7;
	s7 =	simm.s32 @!p0 $0x108  }
0x21: {  	s3 =	sadd.s32 s3, s9;
	s6 =	sadd.s32 @!p0 $0x88, s6;
	s7 =	simm.s32 @p2 $0x1082  }
0x22: {  	[simem:s7], [sflag:s8] =	dma.local @!p0 [hbm:s6], $0xF7A  }
0x23: {  	s9 =	sor.u32 $0xD0000000, s2;
	s6 =	simm.s32 $0x108;
	_ =	swait.ge @!p0 [sflag:s8], $0x0  }
0x24: {  	s3 =	sadd.s32 $0x88, s3;
	s6 =	simm.s32 @!p1 $0x1082;
	[sflag:s4] =	ssyncset.s32 $0xFFFFF086  }
0x25: {  	[simem:s6], [sflag:s4] =	dma.local [hbm:s3], $0xF7A  }
0x26: {  	[smem:$0x3F9D] =	sst s1;
	(tag) =	ssettag s2;
	_ =	strace s9  }
0x27: {  	s1 =	sld [smem:$0x3FAD]  }
0x28: {  	s2 =	sld [smem:$0x3FAE]  }
0x29: {  	s4 =	sld [smem:$0x3FB0]  }
0x2a: {  	p0 =	seq.s32 s5, $0x0;
	s5 =	sld [smem:$0x3FB1]  }
0x2b: {  	s6 =	sld [smem:$0x3FB2]  }
0x2c: {  	s7 =	sld [smem:$0x3FB3]  }
0x2d: {  	s3 =	simm.s32 $0x108;
	s8 =	sld [smem:$0x3FB4]  }
0x2e: {  	s3 =	simm.s32 @!p0 $0x1082;
	s9 =	sld [smem:$0x3FB5]  }
0x2f: {  	lr =	sadd.s32 s0, s3;
	s0 =	sld [smem:$0x3FAC]  }
0x30: {  	s3 =	sld [smem:$0x3FAF]  }
0x31: {  	[smem:$0x3FB8] =	sst s10  }
0x32: {  	s10 =	sld [smem:$0x3FB6];
	_ =	sdelay $0x3  }
0x33: {  	p0 =	seq.s32 s10, $0x1;
	s10 =	sld [smem:$0x3FB8];
	_ =	sdelay $0x3  }
0x34: {  	[smem:$0x3FB8] =	sst s10  }
0x35: {  	s10 =	sld [smem:$0x3FB7];
	_ =	sdelay $0x3  }
0x36: {  	p1 =	seq.s32 s10, $0x1;
	s10 =	sld [smem:$0x3FB8];
	_ =	sdelay $0x3  }
0x37: {  	[smem:$0x3FB8] =	sst s10  }
0x38: {  	s10 =	sld [smem:$0x3FB9]  }
0x39: {  	_ = 	snop;
	(pc) =	sbr.ind lr, $3  }
0x3a: {  	_ = 	snop  }
0x3b: {  	_ = 	snop  }
0x3c: {  	p2 =	seq.s32 s10, $0x1;
	s10 =	sld [smem:$0x3FB8]  }
0x3d: {  	_ =	shalt  }
0x3e: {  	_ =	shalt  }
0x3f: {  	_ =	shalt  }
0x40: {  	_ =	shalt  }
0x41: {  	_ =	shalt  }
0x42: {  	_ =	shalt  }
0x43: {  	_ =	shalt  }
0x44: {  	_ =	shalt  }
0x45: {  	_ =	shalt  }
0x46: {  	_ =	shalt  }
0x47: {  	_ =	shalt  }
0x48: {  	_ =	shalt  }
0x49: {  	_ =	shalt  }
0x4a: {  	_ =	shalt  }
0x4b: {  	_ =	shalt  }
0x4c: {  	_ =	shalt  }
0x4d: {  	_ =	shalt  }
0x4e: {  	_ =	shalt  }
0x4f: {  	_ =	shalt  }
0x50: {  	_ =	shalt  }
0x51: {  	_ =	shalt  }
0x52: {  	_ =	shalt  }
0x53: {  	_ =	shalt  }
0x54: {  	_ =	shalt  }
0x55: {  	_ =	shalt  }
0x56: {  	_ =	shalt  }
0x57: {  	_ =	shalt  }
0x58: {  	_ =	shalt  }
0x59: {  	_ =	shalt  }
0x5a: {  	_ =	shalt  }
0x5b: {  	_ =	shalt  }
0x5c: {  	_ =	shalt  }
0x5d: {  	_ =	shalt  }
0x5e: {  	_ =	shalt  }
0x5f: {  	_ =	shalt  }
0x60: {  	_ =	shalt  }
0x61: {  	_ =	shalt  }
0x62: {  	_ =	shalt  }
0x63: {  	_ =	shalt  }
0x64: {  	_ =	shalt  }
0x65: {  	_ =	shalt  }
0x66: {  	_ =	shalt  }
0x67: {  	_ =	shalt  }
0x68: {  	_ =	shalt  }
0x69: {  	_ =	shalt  }
0x6a: {  	_ =	shalt  }
0x6b: {  	_ =	shalt  }
0x6c: {  	_ =	shalt  }
0x6d: {  	_ =	shalt  }
0x6e: {  	_ =	shalt  }
0x6f: {  	_ =	shalt  }
0x70: {  	_ =	shalt  }
0x71: {  	_ =	shalt  }
0x72: {  	_ =	shalt  }
0x73: {  	_ =	shalt  }
0x74: {  	_ =	shalt  }
0x75: {  	_ =	shalt  }
0x76: {  	_ =	shalt  }
0x77: {  	_ =	shalt  }
0x78: {  	_ =	shalt  }
0x79: {  	_ =	shalt  }
0x7a: {  	_ =	shalt  }
0x7b: {  	_ =	shalt  }
0x7c: {  	_ =	shalt  }
0x7d: {  	_ =	shalt  }
0x7e: {  	_ =	shalt  }
0x7f: {  	_ =	shalt  }
0x80: {  	_ =	shalt  }
0x81: {  	_ =	shalt  }
0x82: {  	_ =	shalt  }
0x83: {  	_ =	shalt  }
0x84: {  	_ =	shalt  }
0x85: {  	_ =	shalt  }
0x86: {  	_ =	shalt  }
0x87: {  	_ =	shalt  }
.Lfunc_end0:
.L_simem_size_0:
called_computation_lowered:
.L_overlay_start_0:
0x88: {  	s2 =	sld [smem:$0x3FD9]  }
0x89: {  	s3 =	sld [smem:$0x3FFE];
	_ =	sdelay $0x1  }
0x8a: {  	s1 =	srdreg.scid  }
0x8b: {  	s0 =	sand.u32 $0x1, s1  }
0x8c: {  	s18 =	sshll.u32 s0, $0xA;
	s2 =	sadd.s32 s3, s2  }
0x8d: {  	s2 =	sadd.s32 s2, s18  }
0x8e: {  	[smem:$0x3FC4] =	sst s2  }
0x8f: {  	_ = 	snop  }
0x90: {  	s2 =	sld [smem:$0x3FC9]  }
0x91: {  	s19 =	sld [smem:$0x3FC8]  }
0x92: {  	s4 =	sld [smem:$0x3FC7]  }
0x93: {  	s5 =	sld [smem:$0x3FC6]  }
0x94: {  	s6 =	sld [smem:$0x3FD0];
	(tm) =	ssettm $0x1  }
0x95: {  	s7 =	sld [smem:$0x3FFB];
	_ =	sdelay $0x3  }
0x96: {  	_ =	strace s7  }
0x97: {  	s7 =	sld [smem:$0x3FFC];
	_ =	sdelay $0x3  }
0x98: {  	_ =	strace s7  }
0x99: {  	s7 =	sld [smem:$0x3FFD];
	_ =	sdelay $0x3  }
0x9a: {  	_ =	strace s7  }
0x9b: {  	_ =	strace $0x8FFFFFFF  }
0x9c: {  	s20 =	sld [smem:$0x3FDB];
	_ =	sdelay $0x1  }
0x9d: {  	s8 =	simm.s32 $_scs_section_size  }
0x9e: {  	s9 =	simm.s32 $_size__tile_overlayer_lowered;
	s10 =	simm.s32 $_tile_overlayer_lowered  }
0x9f: {  	s23 =	simm.s32 $0x1BFF;
	s22 =	sshll.u32 s10, $0x1;
	s7 =	sadd.s32 s8, s20  }
0xa0: {  	s11 =	simm.s32 $0x0;
	s21 =	sshll.u32 s9, $0x1;
	s9 =	sadd.s32 s22, s7  }
0xa1: {  	[timem:s11], [sflag:s23] =	dma.local [hbm:s9], s21  }
0xa2: {  	_ =	swait.ge [sflag:s23], s21  }
0xa3: {  	s8 =	ssub.s32 $0x0, s21;
	[sflag:s23] =	ssyncset.done $0x0  }
0xa4: {  	[sflag:s23] =	ssyncadd.s32 s8;
	_ =	sdelay $0x1  }
0xa5: {  	s24 =	simm.s32 $0x1B8B  }
0xa6: {  	_ =	swait.ge [sflag:s24], $0x1  }
0xa7: {  	[sflag:s24] =	ssyncset.done $0x0  }
0xa8: {  	s25 =	simm.s32 $0x1B8E;
	[sflag:s24] =	ssyncadd.s32 $0xFFFFFFFF  }
0xa9: {  	s26 =	simm.s32 $execute0_lowered;
	[smem:$0x3FD2] =	sst s25  }
0xaa: {  	s8 =	sshll.u32 s26, $0x1;
	_ =	strace $0x80000046;
	[dreg:$0x1] =	wrdreg $0xFFFFFFFF  }
0xab: {  	s28 =	simm.s32 $_size_execute0_lowered;
	s7 =	sadd.s32 s7, s8;
	[dreg:$0x0] =	wrdreg $0x0  }
0xac: {  	s8 =	sshll.u32 s28, $0x1;
	[dreg:$0x2] =	wrdreg s7  }
0xad: {  	[dreg:$0x3] =	wrdreg s8  }
0xae: {  	[dreg:$0x4] =	wrdreg $0xC0  }
0xaf: {  	_ =	task [dreg:s11], $0x5FFFF  }
0xb0: {  	[dreg:$0x1] =	wrdreg $0xFFFFFFFF  }
0xb1: {  	[dreg:$0x0] =	wrdreg $0x60  }
0xb2: {  	[dreg:$0x2] =	wrdreg s2  }
0xb3: {  	[dreg:$0x3] =	wrdreg s19  }
0xb4: {  	[dreg:$0x4] =	wrdreg s4  }
0xb5: {  	[dreg:$0x5] =	wrdreg s5  }
0xb6: {  	[dreg:$0x6] =	wrdreg s6  }
0xb7: {  	[dreg:$0x7] =	wrdreg $0x9  }
0xb8: {  	_ =	task.clear_ibuf [dreg:s11], $0x8FFFF;
	_ =	strace $0x90000046  }
0xb9: {  	s29 =	simm.s32 $0x9;
	_ =	strace $0x80000048  }
0xba: {  	_ =	swait.ge [sflag:s29], $0x1  }
0xbb: {  	[sflag:s29] =	ssyncadd.s32 $0xFFFFFFFF  }
0xbc: {  	_ =	strace $0x90000048  }
0xbd: {  	_ =	sfence  }
0xbe: {  	s30 =	sld [smem:$0x0];
	_ =	sdelay $0x2  }
0xbf: {  	s31 =	sshll.u32 s1, $0xD;
	s1 =	sshrl.u32 s1, $0x2  }
0xc0: {  	s3 =	sand.u32 $0x4000, s31;
	s1 =	sadd.s32 s1, s30  }
0xc1: {  	s0 =	sor.u32 s3, s0;
	s1 =	sshll.u32 s1, $0x11  }
0xc2: {  	s0 =	sor.u32 s1, s0  }
0xc3: {  	s0 =	sadd.s32 $0x8F2B, s0  }
0xc4: {  	[sflag:s0] =	ssyncadd.remote.s32 $0x1  }
0xc5: {  	_ =	sfence.sel $0xFFFF  }
0xc6: {  	[dreg:$0x0] =	wrdreg $0xFFFFFFFF;
	(pc) =	sbr.abs _section_cstart, $3  }
0xc7: {  	[dreg:$0x1] =	wrdreg $0xFFFFFFFF  }
0xc8: {  	_ =	task.clear_ibuf [dreg:s11], $0x2FFFF;
	_ =	strace $0x9FFFFFFF  }
0xc9: {  	(tm) =	ssettm $0x7FFFFFFF  }
tec
execute0_lowered:
.L_overlay_start_1:
0x0: {  	(tag) =	ssettag $0x1  }
0x1: {  	vm14 =	vcmask $0x1300;
	v0 =	vimm.s32 $0x180;
	vm2 =	vcmask $0x704  }
0x2: {  	v1 =	vimm.s32 $0x0;
	vm12 =	vcmask $0x2714;
	vm1 =	vcmask $0xB08  }
0x3: {  	vm5 =	vcmask $0xF0C;
	v0 =	vsel vm14, $0x0, v0;
	v2 =	vsel vm2, $0x80, v1  }
0x4: {  	vm13 =	vcmask $0x3B28;
	v0 =	vsel vm12, $0x80, v0;
	v2 =	vsel vm1, $0x100, v2  }
0x5: {  	vm3 =	vcmask $0x1310;
	v2 =	vsel vm5, $0x180, v2;
	v0 =	vsel vm13, $0x100, v0  }
0x6: {  	vm4 =	vcmask $0x1B18;
	[tilespmem:$0x1F9E0] =	vst v0;
	v0 =	vsel vm3, $0x200, v2  }
0x7: {  	vm7 =	vcmask $0x1F1C;
	v2 =	vimm.s32 $0x1;
	v0 =	vsel vm4, $0x80, v0  }
0x8: {  	vm0 =	vcmask $0x2320;
	v2 =	vsel vm2, $0x81, v2;
	v0 =	vsel vm7, $0x100, v0  }
0x9: {  	vm8 =	vcmask $0x2724;
	v2 =	vsel vm1, $0x101, v2;
	v0 =	vsel vm0, $0x180, v0  }
0xa: {  	vm10 =	vcmask $0x2F2C;
	v2 =	vsel vm5, $0x181, v2;
	v0 =	vsel vm8, $0x200, v0  }
0xb: {  	vm9 =	vcmask $0x3330;
	v2 =	vsel vm3, $0x201, v2;
	v0 =	vsel vm10, $0x80, v0  }
0xc: {  	vm6 =	vcmask $0x3734;
	v2 =	vsel vm4, $0x81, v2;
	v0 =	vsel vm9, $0x100, v0  }
0xd: {  	vm11 =	vcmask $0x3B38;
	v2 =	vsel vm7, $0x101, v2;
	v0 =	vsel vm6, $0x180, v0  }
0xe: {  	v3 =	vimm.s32 $0x2;
	v2 =	vsel vm0, $0x181, v2;
	v0 =	vsel vm11, $0x200, v0  }
0xf: {  	v3 =	vsel vm2, $0x82, v3;
	[tilespmem:$0x1F9F0] =	vst v0;
	v0 =	vsel vm8, $0x201, v2  }
0x10: {  	v2 =	vsel vm1, $0x102, v3;
	v0 =	vsel vm10, $0x81, v0  }
0x11: {  	v2 =	vsel vm5, $0x182, v2;
	v0 =	vsel vm9, $0x101, v0  }
0x12: {  	v3 =	vimm.s32 $0x181;
	v2 =	vsel vm3, $0x202, v2;
	v0 =	vsel vm6, $0x181, v0  }
0x13: {  	v3 =	vsel vm14, $0x1, v3;
	v2 =	vsel vm4, $0x82, v2;
	v0 =	vsel vm11, $0x201, v0  }
0x14: {  	v3 =	vsel vm12, $0x81, v3;
	[tilespmem:$0x1FA10] =	vst v0;
	v0 =	vsel vm7, $0x102, v2  }
0x15: {  	v3 =	vsel vm13, $0x101, v3;
	v0 =	vsel vm0, $0x182, v0  }
0x16: {  	[tilespmem:$0x1FA00] =	vst v3;
	v3 =	vimm.s32 $0x182;
	v2 =	vimm.s32 $0x3;
	v0 =	vsel vm8, $0x202, v0  }
0x17: {  	v3 =	vsel vm14, $0x2, v3;
	v2 =	vsel vm2, $0x83, v2;
	v0 =	vsel vm10, $0x82, v0  }
0x18: {  	v3 =	vsel vm12, $0x82, v3;
	v2 =	vsel vm1, $0x103, v2;
	v0 =	vsel vm9, $0x102, v0  }
0x19: {  	v3 =	vsel vm13, $0x102, v3;
	v2 =	vsel vm5, $0x183, v2;
	v0 =	vsel vm6, $0x182, v0  }
0x1a: {  	[tilespmem:$0x1FA20] =	vst v3;
	v2 =	vsel vm3, $0x203, v2;
	v0 =	vsel vm11, $0x202, v0  }
0x1b: {  	v3 =	vimm.s32 $0x4;
	[tilespmem:$0x1FA30] =	vst v0;
	v0 =	vsel vm4, $0x83, v2  }
0x1c: {  	v2 =	vsel vm2, $0x84, v3;
	v0 =	vsel vm7, $0x103, v0  }
0x1d: {  	v2 =	vsel vm1, $0x104, v2;
	v0 =	vsel vm0, $0x183, v0  }
0x1e: {  	v3 =	vimm.s32 $0x183;
	v2 =	vsel vm5, $0x184, v2;
	v0 =	vsel vm8, $0x203, v0  }
0x1f: {  	v3 =	vsel vm14, $0x3, v3;
	v2 =	vsel vm3, $0x204, v2;
	v0 =	vsel vm10, $0x83, v0  }
0x20: {  	v3 =	vsel vm12, $0x83, v3;
	v2 =	vsel vm4, $0x84, v2;
	v0 =	vsel vm9, $0x103, v0  }
0x21: {  	v3 =	vsel vm13, $0x103, v3;
	v2 =	vsel vm7, $0x104, v2;
	v0 =	vsel vm6, $0x183, v0  }
0x22: {  	[tilespmem:$0x1FA40] =	vst v3;
	v3 =	vimm.s32 $0x5;
	v2 =	vsel vm0, $0x184, v2;
	v0 =	vsel vm11, $0x203, v0  }
0x23: {  	v3 =	vsel vm2, $0x85, v3;
	[tilespmem:$0x1FA50] =	vst v0;
	v0 =	vsel vm8, $0x204, v2  }
0x24: {  	v2 =	vsel vm1, $0x105, v3;
	v0 =	vsel vm10, $0x84, v0  }
0x25: {  	v2 =	vsel vm5, $0x185, v2;
	v0 =	vsel vm9, $0x104, v0  }
0x26: {  	v3 =	vimm.s32 $0x184;
	v2 =	vsel vm3, $0x205, v2;
	v0 =	vsel vm6, $0x184, v0  }
0x27: {  	v3 =	vsel vm14, $0x4, v3;
	v2 =	vsel vm4, $0x85, v2;
	v0 =	vsel vm11, $0x204, v0  }
0x28: {  	v3 =	vsel vm12, $0x84, v3;
	[tilespmem:$0x1FA70] =	vst v0;
	v0 =	vsel vm7, $0x105, v2  }
0x29: {  	v3 =	vsel vm13, $0x104, v3;
	v0 =	vsel vm0, $0x185, v0  }
0x2a: {  	[tilespmem:$0x1FA60] =	vst v3;
	v3 =	vimm.s32 $0x185;
	v2 =	vimm.s32 $0x6;
	v0 =	vsel vm8, $0x205, v0  }
0x2b: {  	v3 =	vsel vm14, $0x5, v3;
	v2 =	vsel vm2, $0x86, v2;
	v0 =	vsel vm10, $0x85, v0  }
0x2c: {  	v3 =	vsel vm12, $0x85, v3;
	v2 =	vsel vm1, $0x106, v2;
	v0 =	vsel vm9, $0x105, v0  }
0x2d: {  	v3 =	vsel vm13, $0x105, v3;
	v2 =	vsel vm5, $0x186, v2;
	v0 =	vsel vm6, $0x185, v0  }
0x2e: {  	[tilespmem:$0x1FA80] =	vst v3;
	v2 =	vsel vm3, $0x206, v2;
	v0 =	vsel vm11, $0x205, v0  }
0x2f: {  	v3 =	vimm.s32 $0x7;
	[tilespmem:$0x1FA90] =	vst v0;
	v0 =	vsel vm4, $0x86, v2  }
0x30: {  	v2 =	vsel vm2, $0x87, v3;
	v0 =	vsel vm7, $0x106, v0  }
0x31: {  	v2 =	vsel vm1, $0x107, v2;
	v0 =	vsel vm0, $0x186, v0  }
0x32: {  	v3 =	vimm.s32 $0x186;
	v2 =	vsel vm5, $0x187, v2;
	v0 =	vsel vm8, $0x206, v0  }
0x33: {  	v3 =	vsel vm14, $0x6, v3;
	v2 =	vsel vm3, $0x207, v2;
	v0 =	vsel vm10, $0x86, v0  }
0x34: {  	v3 =	vsel vm12, $0x86, v3;
	v2 =	vsel vm4, $0x87, v2;
	v0 =	vsel vm9, $0x106, v0  }
0x35: {  	v3 =	vsel vm13, $0x106, v3;
	v2 =	vsel vm7, $0x107, v2;
	v0 =	vsel vm6, $0x186, v0  }
0x36: {  	[tilespmem:$0x1FAA0] =	vst v3;
	v3 =	vimm.s32 $0x8;
	v2 =	vsel vm0, $0x187, v2;
	v0 =	vsel vm11, $0x206, v0  }
0x37: {  	v3 =	vsel vm2, $0x88, v3;
	[tilespmem:$0x1FAB0] =	vst v0;
	v0 =	vsel vm8, $0x207, v2  }
0x38: {  	v2 =	vsel vm1, $0x108, v3;
	v0 =	vsel vm10, $0x87, v0  }
0x39: {  	v2 =	vsel vm5, $0x188, v2;
	v0 =	vsel vm9, $0x107, v0  }
0x3a: {  	v3 =	vimm.s32 $0x187;
	v2 =	vsel vm3, $0x208, v2;
	v0 =	vsel vm6, $0x187, v0  }
0x3b: {  	v3 =	vsel vm14, $0x7, v3;
	v2 =	vsel vm4, $0x88, v2;
	v0 =	vsel vm11, $0x207, v0  }
0x3c: {  	v3 =	vsel vm12, $0x87, v3;
	[tilespmem:$0x1FAD0] =	vst v0;
	v0 =	vsel vm7, $0x108, v2  }
0x3d: {  	v3 =	vsel vm13, $0x107, v3;
	v0 =	vsel vm0, $0x188, v0  }
0x3e: {  	[tilespmem:$0x1FAC0] =	vst v3;
	v3 =	vimm.s32 $0x188;
	v2 =	vimm.s32 $0x9;
	v0 =	vsel vm8, $0x208, v0  }
0x3f: {  	v3 =	vsel vm14, $0x8, v3;
	v2 =	vsel vm2, $0x89, v2;
	v0 =	vsel vm10, $0x88, v0  }
0x40: {  	v3 =	vsel vm12, $0x88, v3;
	v2 =	vsel vm1, $0x109, v2;
	v0 =	vsel vm9, $0x108, v0  }
0x41: {  	v3 =	vsel vm13, $0x108, v3;
	v2 =	vsel vm5, $0x189, v2;
	v0 =	vsel vm6, $0x188, v0  }
0x42: {  	[tilespmem:$0x1FAE0] =	vst v3;
	v2 =	vsel vm3, $0x209, v2;
	v0 =	vsel vm11, $0x208, v0  }
0x43: {  	v3 =	vimm.s32 $0xA;
	[tilespmem:$0x1FAF0] =	vst v0;
	v0 =	vsel vm4, $0x89, v2  }
0x44: {  	v4 =	vimm.s32 $0x21043213;
	v2 =	vsel vm2, $0x8A, v3;
	v0 =	vsel vm7, $0x109, v0  }
0x45: {  	v5 =	vimm.s32 $0x4321040;
	v2 =	vsel vm1, $0x10A, v2;
	v0 =	vsel vm0, $0x189, v0  }
0x46: {  	v3 =	vimm.s32 $0x189;
	v2 =	vsel vm5, $0x18A, v2;
	v0 =	vsel vm8, $0x209, v0  }
0x47: {  	v3 =	vsel vm14, $0x9, v3;
	v2 =	vsel vm3, $0x20A, v2;
	v0 =	vsel vm10, $0x89, v0  }
0x48: {  	v3 =	vsel vm12, $0x89, v3;
	v2 =	vsel vm4, $0x8A, v2;
	v0 =	vsel vm9, $0x109, v0  }
0x49: {  	v3 =	vsel vm13, $0x109, v3;
	v2 =	vsel vm7, $0x10A, v2;
	v0 =	vsel vm6, $0x189, v0  }
0x4a: {  	[tilespmem:$0x1FB00] =	vst v3;
	v3 =	vimm.s32 $0xB;
	v2 =	vsel vm0, $0x18A, v2;
	v0 =	vsel vm11, $0x209, v0  }
0x4b: {  	v6 =	vimm.s32 $0x192;
	v3 =	vsel vm2, $0x8B, v3;
	[tilespmem:$0x1FB10] =	vst v0;
	v0 =	vsel vm8, $0x20A, v2  }
0x4c: {  	v7 =	vimm.s32 $0x193;
	v2 =	vsel vm1, $0x10B, v3;
	v0 =	vsel vm10, $0x8A, v0  }
0x4d: {  	vm15 =	vcmask $0x2304;
	v2 =	vsel vm5, $0x18B, v2;
	v0 =	vsel vm9, $0x10A, v0  }
0x4e: {  	v3 =	vimm.s32 $0x18A;
	v2 =	vsel vm3, $0x20B, v2;
	v0 =	vsel vm6, $0x18A, v0  }
0x4f: {  	v3 =	vsel vm14, $0xA, v3;
	v2 =	vsel vm4, $0x8B, v2;
	v0 =	vsel vm11, $0x20A, v0  }
0x50: {  	v8 =	vimm.s32 $0x43210430;
	v3 =	vsel vm12, $0x8A, v3;
	[tilespmem:$0x1FB30] =	vst v0;
	v0 =	vsel vm7, $0x10B, v2  }
0x51: {  	v9 =	vimm.s32 $0x21043210;
	v3 =	vsel vm13, $0x10A, v3;
	v0 =	vsel vm0, $0x18B, v0  }
0x52: {  	[tilespmem:$0x1FB20] =	vst v3;
	v3 =	vimm.s32 $0x18B;
	v2 =	vimm.s32 $0xC;
	v0 =	vsel vm8, $0x20B, v0  }
0x53: {  	v3 =	vsel vm14, $0xB, v3;
	v2 =	vsel vm2, $0x8C, v2;
	v0 =	vsel vm10, $0x8B, v0  }
0x54: {  	v3 =	vsel vm12, $0x8B, v3;
	v2 =	vsel vm1, $0x10C, v2;
	v0 =	vsel vm9, $0x10B, v0  }
0x55: {  	v3 =	vsel vm13, $0x10B, v3;
	v2 =	vsel vm5, $0x18C, v2;
	v0 =	vsel vm6, $0x18B, v0  }
0x56: {  	v10 =	vimm.s32 $0x307;
	[tilespmem:$0x1FB40] =	vst v3;
	v2 =	vsel vm3, $0x20C, v2;
	v0 =	vsel vm11, $0x20B, v0  }
0x57: {  	v11 =	vimm.s32 $0x308;
	v3 =	vimm.s32 $0xD;
	[tilespmem:$0x1FB50] =	vst v0;
	v0 =	vsel vm4, $0x8C, v2  }
0x58: {  	v12 =	vimm.s32 $0x309;
	v2 =	vsel vm2, $0x8D, v3;
	v0 =	vsel vm7, $0x10C, v0  }
0x59: {  	v13 =	vimm.s32 $0x30A;
	v2 =	vsel vm1, $0x10D, v2;
	v0 =	vsel vm0, $0x18C, v0  }
0x5a: {  	v3 =	vimm.s32 $0x18C;
	v2 =	vsel vm5, $0x18D, v2;
	v0 =	vsel vm8, $0x20C, v0  }
0x5b: {  	v3 =	vsel vm14, $0xC, v3;
	v2 =	vsel vm3, $0x20D, v2;
	v0 =	vsel vm10, $0x8C, v0  }
0x5c: {  	v3 =	vsel vm12, $0x8C, v3;
	v2 =	vsel vm4, $0x8D, v2;
	v0 =	vsel vm9, $0x10C, v0  }
0x5d: {  	v3 =	vsel vm13, $0x10C, v3;
	v2 =	vsel vm7, $0x10D, v2;
	v0 =	vsel vm6, $0x18C, v0  }
0x5e: {  	[tilespmem:$0x1FB60] =	vst v3;
	v3 =	vimm.s32 $0xE;
	v2 =	vsel vm0, $0x18D, v2;
	v0 =	vsel vm11, $0x20C, v0  }
0x5f: {  	v14 =	vimm.s32 $0x30B;
	v3 =	vsel vm2, $0x8E, v3;
	[tilespmem:$0x1FB70] =	vst v0;
	v0 =	vsel vm8, $0x20D, v2  }
0x60: {  	v15 =	vimm.s32 $0x30C;
	v2 =	vsel vm1, $0x10E, v3;
	v0 =	vsel vm10, $0x8D, v0  }
0x61: {  	v16 =	vimm.s32 $0x30D;
	v2 =	vsel vm5, $0x18E, v2;
	v0 =	vsel vm9, $0x10D, v0  }
0x62: {  	v17 =	vimm.s32 $0x30E;
	v2 =	vsel vm3, $0x20E, v2;
	v0 =	vsel vm6, $0x18D, v0  }
0x63: {  	v18 =	vimm.s32 $0x30F;
	v2 =	vsel vm4, $0x8E, v2;
	v0 =	vsel vm11, $0x20D, v0  }
0x64: {  	v19 =	vimm.s32 $0x310;
	v3 =	vimm.s32 $0x18D;
	[tilespmem:$0x1FB90] =	vst v0;
	v0 =	vsel vm7, $0x10E, v2  }
0x65: {  	v4 =	vunpack.c.l.s4.s8 v4;
	v3 =	vsel vm14, $0xD, v3;
	v0 =	vsel vm0, $0x18E, v0  }
0x66: {  	v3 =	vsel vm12, $0x8D, v3;
	v2 =	vimm.s32 $0xF;
	v0 =	vsel vm8, $0x20E, v0  }
0x67: {  	v3 =	vsel vm13, $0x10D, v3;
	v2 =	vsel vm2, $0x8F, v2;
	v0 =	vsel vm10, $0x8E, v0  }
0x68: {  	[tilespmem:$0x1FB80] =	vst v3;
	v3 =	vimm.s32 $0x18E;
	v2 =	vsel vm1, $0x10F, v2;
	v0 =	vsel vm9, $0x10E, v0  }
0x69: {  	v3 =	vsel vm14, $0xE, v3;
	v2 =	vsel vm5, $0x18F, v2;
	v0 =	vsel vm6, $0x18E, v0  }
0x6a: {  	v3 =	vsel vm12, $0x8E, v3;
	v2 =	vsel vm3, $0x20F, v2;
	v0 =	vsel vm11, $0x20E, v0  }
0x6b: {  	v5 =	vunpack.c.l.s4.s8 v5;
	v3 =	vsel vm13, $0x10E, v3;
	[tilespmem:$0x1FBB0] =	vst v0;
	v0 =	vsel vm4, $0x8F, v2  }
0x6c: {  	v6 =	vsel vm14, $0x12, v6;
	[tilespmem:$0x1FBA0] =	vst v3;
	v3 =	vimm.s32 $0x10;
	v0 =	vsel vm7, $0x10F, v0  }
0x6d: {  	v2 =	vsel vm2, $0x90, v3;
	v3 =	vimm.s32 $0x18F;
	v0 =	vsel vm0, $0x18F, v0  }
0x6e: {  	v2 =	vsel vm1, $0x110, v2;
	v3 =	vsel vm14, $0xF, v3;
	v0 =	vsel vm8, $0x20F, v0  }
0x6f: {  	v2 =	vsel vm5, $0x190, v2;
	v3 =	vsel vm12, $0x8F, v3;
	v0 =	vsel vm10, $0x8F, v0  }
0x70: {  	v2 =	vsel vm3, $0x210, v2;
	v3 =	vsel vm13, $0x10F, v3;
	v0 =	vsel vm9, $0x10F, v0  }
0x71: {  	[tilespmem:$0x1FBC0] =	vst v3;
	v2 =	vsel vm4, $0x90, v2;
	v3 =	vimm.s32 $0x190;
	v0 =	vsel vm6, $0x18F, v0  }
0x72: {  	v2 =	vsel vm7, $0x110, v2;
	v3 =	vsel vm14, $0x10, v3;
	v0 =	vsel vm11, $0x20F, v0  }
0x73: {  	v7 =	vsel vm14, $0x13, v7;
	v2 =	vsel vm0, $0x190, v2;
	[tilespmem:$0x1FBD0] =	vst v0;
	v0 =	vsel vm12, $0x90, v3  }
0x74: {  	v4 =	vunpack.c.0.s8.s32 v4;
	v2 =	vsel vm8, $0x210, v2;
	v0 =	vsel vm13, $0x110, v0  }
0x75: {  	v5 =	vunpack.c.0.s8.s32 v5;
	[tilespmem:$0x1FBE0] =	vst v0;
	v0 =	vsel vm10, $0x90, v2;
	v2 =	vimm.s32 $0x191  }
0x76: {  	v4 =	vnsel vm15, $0x0, v4;
	v2 =	vsel vm14, $0x11, v2;
	vm14 =	vcmask $0x3F24  }
0x77: {  	v20 =	vimm.s32 $0x311;
	v21 =	vimm.s32 $0x312;
	v4 =	vsel vm14, v5, v4  }
0x78: {  	v22 =	vimm.s32 $0x313;
	v3 =	vimm.s32 $0x11;
	[tilespmem:$0x1FBF0] =	vst v4;
	v4 =	vimm.s32 $0x32104324  }
0x79: {  	v3 =	vsel vm2, $0x91, v3;
	v5 =	vimm.s32 $0x10432100;
	v4 =	vunpack.c.l.s4.s8 v4  }
0x7a: {  	v8 =	vunpack.c.l.s4.s8 v8;
	v3 =	vsel vm1, $0x111, v3;
	v5 =	vunpack.c.l.s4.s8 v5  }
0x7b: {  	v9 =	vunpack.c.l.s4.s8 v9;
	v3 =	vsel vm5, $0x191, v3;
	v4 =	vunpack.c.0.s8.s32 v4  }
0x7c: {  	v8 =	vunpack.c.0.s8.s32 v8;
	v3 =	vsel vm3, $0x211, v3;
	v5 =	vunpack.c.0.s8.s32 v5  }
0x7d: {  	v9 =	vunpack.c.0.s8.s32 v9;
	v3 =	vsel vm4, $0x91, v3;
	v4 =	vnsel vm15, $0x1, v4  }
0x7e: {  	v2 =	vsel vm12, $0x91, v2;
	v3 =	vsel vm7, $0x111, v3;
	v4 =	vsel vm14, v5, v4  }
0x7f: {  	v2 =	vsel vm13, $0x111, v2;
	v3 =	vsel vm0, $0x191, v3;
	[tilespmem:$0x1FC00] =	vst v4;
	v4 =	vnsel vm15, $0x2, v8  }
0x80: {  	[tilespmem:$0x1FC20] =	vst v2;
	v3 =	vsel vm8, $0x211, v3;
	v5 =	vimm.s32 $0x4321041;
	v4 =	vsel vm14, v9, v4  }
0x81: {  	v2 =	vsel vm10, $0x91, v3;
	[tilespmem:$0x1FC10] =	vst v4;
	v4 =	vunpack.c.l.s4.s8 v5;
	v5 =	vimm.s32 $0x32104320  }
0x82: {  	v8 =	vimm.s32 $0x305;
	v3 =	vunpack.c.l.s4.s8 v5;
	v5 =	vsel vm12, $0x92, v6  }
0x83: {  	v9 =	vimm.s32 $0x306;
	v4 =	vunpack.c.0.s8.s32 v4;
	v5 =	vsel vm13, $0x112, v5  }
0x84: {  	v6 =	vimm.s32 $0x303;
	[tilespmem:$0x1FC30] =	vst v5;
	v5 =	vsel vm12, $0x93, v7;
	v3 =	vunpack.c.0.s8.s32 v3  }
0x85: {  	v7 =	vimm.s32 $0x304;
	v5 =	vsel vm13, $0x113, v5;
	v4 =	vnsel vm15, $0x3, v4  }
0x86: {  	vm13 =	vmmov vm0;
	vm0 =	vcmask $0xF00;
	v3 =	vsel vm14, v3, v4  }
0x87: {  	[tilespmem:$0x1FC40] =	vst v5;
	v4 =	vimm.s32 $0x301;
	v5 =	vimm.s32 $0x302;
	v6 =	vsel vm0, $0x183, v6  }
0x88: {  	v7 =	vsel vm0, $0x184, v7;
	v8 =	vsel vm0, $0x185, v8;
	v9 =	vsel vm0, $0x186, v9  }
0x89: {  	v10 =	vsel vm0, $0x187, v10;
	v11 =	vsel vm0, $0x188, v11;
	v12 =	vsel vm0, $0x189, v12  }
0x8a: {  	v13 =	vsel vm0, $0x18A, v13;
	v14 =	vsel vm0, $0x18B, v14;
	v15 =	vsel vm0, $0x18C, v15  }
0x8b: {  	v16 =	vsel vm0, $0x18D, v16;
	v17 =	vsel vm0, $0x18E, v17;
	v18 =	vsel vm0, $0x18F, v18  }
0x8c: {  	v19 =	vsel vm0, $0x190, v19;
	v20 =	vsel vm0, $0x191, v20;
	v21 =	vsel vm0, $0x192, v21  }
0x8d: {  	v22 =	vsel vm0, $0x193, v22;
	[tilespmem:$0x1FC50] =	vst v3;
	v3 =	vimm.s32 $0x300;
	v4 =	vsel vm0, $0x181, v4  }
0x8e: {  	v5 =	vsel vm0, $0x182, v5;
	v3 =	vsel vm0, $0x180, v3;
	vm0 =	vcmask $0x2310  }
0x8f: {  	v3 =	vsel vm0, $0x200, v3;
	v4 =	vsel vm0, $0x201, v4;
	v5 =	vsel vm0, $0x202, v5  }
0x90: {  	v6 =	vsel vm0, $0x203, v6;
	v7 =	vsel vm0, $0x204, v7;
	v8 =	vsel vm0, $0x205, v8  }
0x91: {  	v9 =	vsel vm0, $0x206, v9;
	v10 =	vsel vm0, $0x207, v10;
	v11 =	vsel vm0, $0x208, v11  }
0x92: {  	v12 =	vsel vm0, $0x209, v12;
	v13 =	vsel vm0, $0x20A, v13;
	v14 =	vsel vm0, $0x20B, v14  }
0x93: {  	v15 =	vsel vm0, $0x20C, v15;
	v16 =	vsel vm0, $0x20D, v16;
	v17 =	vsel vm0, $0x20E, v17  }
0x94: {  	v18 =	vsel vm0, $0x20F, v18;
	v19 =	vsel vm0, $0x210, v19;
	v20 =	vsel vm0, $0x211, v20  }
0x95: {  	v21 =	vsel vm0, $0x212, v21;
	v22 =	vsel vm0, $0x213, v22;
	vm0 =	vcmask $0x3724  }
0x96: {  	v3 =	vsel vm0, $0x280, v3  }
0x97: {  	[tilespmem:$0x1FC60] =	vst v3;
	v3 =	vsel vm0, $0x281, v4  }
0x98: {  	[tilespmem:$0x1FC70] =	vst v3;
	v3 =	vsel vm0, $0x282, v5  }
0x99: {  	[tilespmem:$0x1FC80] =	vst v3;
	v3 =	vsel vm0, $0x283, v6  }
0x9a: {  	[tilespmem:$0x1FC90] =	vst v3;
	v3 =	vsel vm0, $0x284, v7  }
0x9b: {  	[tilespmem:$0x1FCA0] =	vst v3;
	v3 =	vsel vm0, $0x285, v8  }
0x9c: {  	[tilespmem:$0x1FCB0] =	vst v3;
	v3 =	vsel vm0, $0x286, v9  }
0x9d: {  	[tilespmem:$0x1FCC0] =	vst v3;
	v3 =	vsel vm0, $0x287, v10  }
0x9e: {  	[tilespmem:$0x1FCD0] =	vst v3;
	v3 =	vsel vm0, $0x288, v11  }
0x9f: {  	[tilespmem:$0x1FCE0] =	vst v3;
	v3 =	vsel vm0, $0x289, v12  }
0xa0: {  	[tilespmem:$0x1FCF0] =	vst v3;
	v3 =	vsel vm0, $0x28A, v13  }
0xa1: {  	[tilespmem:$0x1FD00] =	vst v3;
	v3 =	vsel vm0, $0x28B, v14  }
0xa2: {  	[tilespmem:$0x1FD10] =	vst v3;
	v3 =	vsel vm0, $0x28C, v15  }
0xa3: {  	[tilespmem:$0x1FD20] =	vst v3;
	v3 =	vsel vm0, $0x28D, v16  }
0xa4: {  	[tilespmem:$0x1FD30] =	vst v3;
	v3 =	vsel vm0, $0x28E, v17  }
0xa5: {  	[tilespmem:$0x1FD40] =	vst v3;
	v3 =	vsel vm0, $0x28F, v18  }
0xa6: {  	[tilespmem:$0x1FD50] =	vst v3;
	v3 =	vsel vm0, $0x290, v19  }
0xa7: {  	[tilespmem:$0x1FD60] =	vst v3;
	v3 =	vsel vm0, $0x291, v20  }
0xa8: {  	v0 =	vsel vm9, $0x110, v0;
	[tilespmem:$0x1FD70] =	vst v3;
	v3 =	vsel vm0, $0x292, v21  }
0xa9: {  	v0 =	vsel vm6, $0x190, v0;
	v2 =	vsel vm9, $0x111, v2;
	[tilespmem:$0x1FD80] =	vst v3;
	v3 =	vsel vm0, $0x293, v22  }
0xaa: {  	v0 =	vsel vm11, $0x210, v0;
	v2 =	vsel vm6, $0x191, v2;
	[tilespmem:$0x1FD90] =	vst v3;
	v3 =	vimm.s32 $0x12  }
0xab: {  	[tilespmem:$0x1FDA0] =	vst v0;
	v0 =	vsel vm11, $0x211, v2;
	v3 =	vsel vm2, $0x92, v3  }
0xac: {  	[tilespmem:$0x1FDB0] =	vst v0;
	v0 =	vsel vm1, $0x112, v3  }
0xad: {  	v0 =	vsel vm5, $0x192, v0  }
0xae: {  	v2 =	vimm.s32 $0x13;
	v0 =	vsel vm3, $0x212, v0  }
0xaf: {  	v2 =	vsel vm2, $0x93, v2;
	v3 =	vimm.s32 $0x80;
	v0 =	vsel vm4, $0x92, v0  }
0xb0: {  	v2 =	vsel vm1, $0x113, v2;
	v3 =	vsel vm2, $0x100, v3;
	v0 =	vsel vm7, $0x112, v0  }
0xb1: {  	v2 =	vsel vm5, $0x193, v2;
	v3 =	vsel vm1, $0x180, v3;
	v0 =	vsel vm13, $0x192, v0  }
0xb2: {  	v2 =	vsel vm3, $0x213, v2;
	v3 =	vsel vm5, $0x200, v3;
	v0 =	vsel vm8, $0x212, v0  }
0xb3: {  	v2 =	vsel vm4, $0x93, v2;
	v3 =	vsel vm3, $0x0, v3;
	v0 =	vsel vm10, $0x92, v0  }
0xb4: {  	v2 =	vsel vm7, $0x113, v2;
	v3 =	vsel vm4, $0x100, v3;
	v0 =	vsel vm9, $0x112, v0  }
0xb5: {  	v2 =	vsel vm13, $0x193, v2;
	v3 =	vsel vm7, $0x180, v3;
	v0 =	vsel vm6, $0x192, v0  }
0xb6: {  	v2 =	vsel vm8, $0x213, v2;
	v3 =	vsel vm13, $0x200, v3;
	v0 =	vsel vm11, $0x212, v0  }
0xb7: {  	v3 =	vsel vm8, $0x0, v3;
	[tilespmem:$0x1FDC0] =	vst v0;
	v0 =	vsel vm10, $0x93, v2  }
0xb8: {  	v2 =	vsel vm10, $0x100, v3;
	v0 =	vsel vm9, $0x113, v0  }
0xb9: {  	v2 =	vsel vm9, $0x180, v2;
	v0 =	vsel vm6, $0x193, v0  }
0xba: {  	v3 =	vimm.s32 $0x81;
	v2 =	vsel vm6, $0x200, v2;
	v0 =	vsel vm11, $0x213, v0  }
0xbb: {  	v3 =	vsel vm2, $0x101, v3;
	[tilespmem:$0x1FDD0] =	vst v0;
	v0 =	vsel vm11, $0x0, v2  }
0xbc: {  	[tilespmem:$0x1FDE0] =	vst v0;
	v0 =	vsel vm1, $0x181, v3  }
0xbd: {  	v0 =	vsel vm5, $0x201, v0  }
0xbe: {  	v2 =	vimm.s32 $0x82;
	v0 =	vsel vm3, $0x1, v0  }
0xbf: {  	v3 =	vimm.s32 $0x83;
	v2 =	vsel vm2, $0x102, v2;
	v0 =	vsel vm4, $0x101, v0  }
0xc0: {  	v3 =	vsel vm2, $0x103, v3;
	v2 =	vsel vm1, $0x182, v2;
	v0 =	vsel vm7, $0x181, v0  }
0xc1: {  	v3 =	vsel vm1, $0x183, v3;
	v2 =	vsel vm5, $0x202, v2;
	v0 =	vsel vm13, $0x201, v0  }
0xc2: {  	v3 =	vsel vm5, $0x203, v3;
	v2 =	vsel vm3, $0x2, v2;
	v0 =	vsel vm8, $0x1, v0  }
0xc3: {  	v3 =	vsel vm3, $0x3, v3;
	v2 =	vsel vm4, $0x102, v2;
	v0 =	vsel vm10, $0x101, v0  }
0xc4: {  	v3 =	vsel vm4, $0x103, v3;
	v2 =	vsel vm7, $0x182, v2;
	v0 =	vsel vm9, $0x181, v0  }
0xc5: {  	v3 =	vsel vm7, $0x183, v3;
	v2 =	vsel vm13, $0x202, v2;
	v0 =	vsel vm6, $0x201, v0  }
0xc6: {  	v3 =	vsel vm13, $0x203, v3;
	v2 =	vsel vm8, $0x2, v2;
	v0 =	vsel vm11, $0x1, v0  }
0xc7: {  	v3 =	vsel vm8, $0x3, v3;
	[tilespmem:$0x1FDF0] =	vst v0;
	v0 =	vsel vm10, $0x102, v2  }
0xc8: {  	v2 =	vsel vm10, $0x103, v3;
	v0 =	vsel vm9, $0x182, v0  }
0xc9: {  	v2 =	vsel vm9, $0x183, v2;
	v0 =	vsel vm6, $0x202, v0  }
0xca: {  	v3 =	vimm.s32 $0x84;
	v2 =	vsel vm6, $0x203, v2;
	v0 =	vsel vm11, $0x2, v0  }
0xcb: {  	v3 =	vsel vm2, $0x104, v3;
	[tilespmem:$0x1FE00] =	vst v0;
	v0 =	vsel vm11, $0x3, v2  }
0xcc: {  	[tilespmem:$0x1FE10] =	vst v0;
	v0 =	vsel vm1, $0x184, v3  }
0xcd: {  	v0 =	vsel vm5, $0x204, v0  }
0xce: {  	v2 =	vimm.s32 $0x85;
	v0 =	vsel vm3, $0x4, v0  }
0xcf: {  	v3 =	vimm.s32 $0x86;
	v2 =	vsel vm2, $0x105, v2;
	v0 =	vsel vm4, $0x104, v0  }
0xd0: {  	v3 =	vsel vm2, $0x106, v3;
	v2 =	vsel vm1, $0x185, v2;
	v0 =	vsel vm7, $0x184, v0  }
0xd1: {  	v3 =	vsel vm1, $0x186, v3;
	v2 =	vsel vm5, $0x205, v2;
	v0 =	vsel vm13, $0x204, v0  }
0xd2: {  	v3 =	vsel vm5, $0x206, v3;
	v2 =	vsel vm3, $0x5, v2;
	v0 =	vsel vm8, $0x4, v0  }
0xd3: {  	v3 =	vsel vm3, $0x6, v3;
	v2 =	vsel vm4, $0x105, v2;
	v0 =	vsel vm10, $0x104, v0  }
0xd4: {  	v3 =	vsel vm4, $0x106, v3;
	v2 =	vsel vm7, $0x185, v2;
	v0 =	vsel vm9, $0x184, v0  }
0xd5: {  	v3 =	vsel vm7, $0x186, v3;
	v2 =	vsel vm13, $0x205, v2;
	v0 =	vsel vm6, $0x204, v0  }
0xd6: {  	v3 =	vsel vm13, $0x206, v3;
	v2 =	vsel vm8, $0x5, v2;
	v0 =	vsel vm11, $0x4, v0  }
0xd7: {  	v3 =	vsel vm8, $0x6, v3;
	[tilespmem:$0x1FE20] =	vst v0;
	v0 =	vsel vm10, $0x105, v2  }
0xd8: {  	v2 =	vsel vm10, $0x106, v3;
	v0 =	vsel vm9, $0x185, v0  }
0xd9: {  	v2 =	vsel vm9, $0x186, v2;
	v0 =	vsel vm6, $0x205, v0  }
0xda: {  	v3 =	vimm.s32 $0x87;
	v2 =	vsel vm6, $0x206, v2;
	v0 =	vsel vm11, $0x5, v0  }
0xdb: {  	v3 =	vsel vm2, $0x107, v3;
	[tilespmem:$0x1FE30] =	vst v0;
	v0 =	vsel vm11, $0x6, v2  }
0xdc: {  	[tilespmem:$0x1FE40] =	vst v0;
	v0 =	vsel vm1, $0x187, v3  }
0xdd: {  	v0 =	vsel vm5, $0x207, v0  }
0xde: {  	v2 =	vimm.s32 $0x88;
	v0 =	vsel vm3, $0x7, v0  }
0xdf: {  	v3 =	vimm.s32 $0x89;
	v2 =	vsel vm2, $0x108, v2;
	v0 =	vsel vm4, $0x107, v0  }
0xe0: {  	v3 =	vsel vm2, $0x109, v3;
	v2 =	vsel vm1, $0x188, v2;
	v0 =	vsel vm7, $0x187, v0  }
0xe1: {  	v3 =	vsel vm1, $0x189, v3;
	v2 =	vsel vm5, $0x208, v2;
	v0 =	vsel vm13, $0x207, v0  }
0xe2: {  	v3 =	vsel vm5, $0x209, v3;
	v2 =	vsel vm3, $0x8, v2;
	v0 =	vsel vm8, $0x7, v0  }
0xe3: {  	v3 =	vsel vm3, $0x9, v3;
	v2 =	vsel vm4, $0x108, v2;
	v0 =	vsel vm10, $0x107, v0  }
0xe4: {  	v3 =	vsel vm4, $0x109, v3;
	v2 =	vsel vm7, $0x188, v2;
	v0 =	vsel vm9, $0x187, v0  }
0xe5: {  	v3 =	vsel vm7, $0x189, v3;
	v2 =	vsel vm13, $0x208, v2;
	v0 =	vsel vm6, $0x207, v0  }
0xe6: {  	v3 =	vsel vm13, $0x209, v3;
	v2 =	vsel vm8, $0x8, v2;
	v0 =	vsel vm11, $0x7, v0  }
0xe7: {  	v3 =	vsel vm8, $0x9, v3;
	[tilespmem:$0x1FE50] =	vst v0;
	v0 =	vsel vm10, $0x108, v2  }
0xe8: {  	v2 =	vsel vm10, $0x109, v3;
	v0 =	vsel vm9, $0x188, v0  }
0xe9: {  	v2 =	vsel vm9, $0x189, v2;
	v0 =	vsel vm6, $0x208, v0  }
0xea: {  	v3 =	vimm.s32 $0x8A;
	v2 =	vsel vm6, $0x209, v2;
	v0 =	vsel vm11, $0x8, v0  }
0xeb: {  	v3 =	vsel vm2, $0x10A, v3;
	[tilespmem:$0x1FE60] =	vst v0;
	v0 =	vsel vm11, $0x9, v2  }
0xec: {  	[tilespmem:$0x1FE70] =	vst v0;
	v0 =	vsel vm1, $0x18A, v3  }
0xed: {  	v0 =	vsel vm5, $0x20A, v0  }
0xee: {  	v2 =	vimm.s32 $0x8B;
	v0 =	vsel vm3, $0xA, v0  }
0xef: {  	v3 =	vimm.s32 $0x8C;
	v2 =	vsel vm2, $0x10B, v2;
	v0 =	vsel vm4, $0x10A, v0  }
0xf0: {  	v3 =	vsel vm2, $0x10C, v3;
	v2 =	vsel vm1, $0x18B, v2;
	v0 =	vsel vm7, $0x18A, v0  }
0xf1: {  	v3 =	vsel vm1, $0x18C, v3;
	v2 =	vsel vm5, $0x20B, v2;
	v0 =	vsel vm13, $0x20A, v0  }
0xf2: {  	v3 =	vsel vm5, $0x20C, v3;
	v2 =	vsel vm3, $0xB, v2;
	v0 =	vsel vm8, $0xA, v0  }
0xf3: {  	v3 =	vsel vm3, $0xC, v3;
	v2 =	vsel vm4, $0x10B, v2;
	v0 =	vsel vm10, $0x10A, v0  }
0xf4: {  	v3 =	vsel vm4, $0x10C, v3;
	v2 =	vsel vm7, $0x18B, v2;
	v0 =	vsel vm9, $0x18A, v0  }
0xf5: {  	v3 =	vsel vm7, $0x18C, v3;
	v2 =	vsel vm13, $0x20B, v2;
	v0 =	vsel vm6, $0x20A, v0  }
0xf6: {  	v3 =	vsel vm13, $0x20C, v3;
	v2 =	vsel vm8, $0xB, v2;
	v0 =	vsel vm11, $0xA, v0  }
0xf7: {  	v3 =	vsel vm8, $0xC, v3;
	[tilespmem:$0x1FE80] =	vst v0;
	v0 =	vsel vm10, $0x10B, v2  }
0xf8: {  	v2 =	vsel vm10, $0x10C, v3;
	v0 =	vsel vm9, $0x18B, v0  }
0xf9: {  	v2 =	vsel vm9, $0x18C, v2;
	v0 =	vsel vm6, $0x20B, v0  }
0xfa: {  	v3 =	vimm.s32 $0x8D;
	v2 =	vsel vm6, $0x20C, v2;
	v0 =	vsel vm11, $0xB, v0  }
0xfb: {  	v3 =	vsel vm2, $0x10D, v3;
	[tilespmem:$0x1FE90] =	vst v0;
	v0 =	vsel vm11, $0xC, v2  }
0xfc: {  	[tilespmem:$0x1FEA0] =	vst v0;
	v0 =	vsel vm1, $0x18D, v3  }
0xfd: {  	v0 =	vsel vm5, $0x20D, v0  }
0xfe: {  	v2 =	vimm.s32 $0x8E;
	v0 =	vsel vm3, $0xD, v0  }
0xff: {  	v3 =	vimm.s32 $0x8F;
	v2 =	vsel vm2, $0x10E, v2;
	v0 =	vsel vm4, $0x10D, v0  }
0x100: {  	v3 =	vsel vm2, $0x10F, v3;
	v2 =	vsel vm1, $0x18E, v2;
	v0 =	vsel vm7, $0x18D, v0  }
0x101: {  	v3 =	vsel vm1, $0x18F, v3;
	v2 =	vsel vm5, $0x20E, v2;
	v0 =	vsel vm13, $0x20D, v0  }
0x102: {  	v3 =	vsel vm5, $0x20F, v3;
	v2 =	vsel vm3, $0xE, v2;
	v0 =	vsel vm8, $0xD, v0  }
0x103: {  	v3 =	vsel vm3, $0xF, v3;
	v2 =	vsel vm4, $0x10E, v2;
	v0 =	vsel vm10, $0x10D, v0  }
0x104: {  	v3 =	vsel vm4, $0x10F, v3;
	v2 =	vsel vm7, $0x18E, v2;
	v0 =	vsel vm9, $0x18D, v0  }
0x105: {  	v3 =	vsel vm7, $0x18F, v3;
	v2 =	vsel vm13, $0x20E, v2;
	v0 =	vsel vm6, $0x20D, v0  }
0x106: {  	v3 =	vsel vm13, $0x20F, v3;
	v2 =	vsel vm8, $0xE, v2;
	v0 =	vsel vm11, $0xD, v0  }
0x107: {  	v3 =	vsel vm8, $0xF, v3;
	[tilespmem:$0x1FEB0] =	vst v0;
	v0 =	vsel vm10, $0x10E, v2  }
0x108: {  	v2 =	vsel vm10, $0x10F, v3;
	v0 =	vsel vm9, $0x18E, v0  }
0x109: {  	v2 =	vsel vm9, $0x18F, v2;
	v0 =	vsel vm6, $0x20E, v0  }
0x10a: {  	v3 =	vimm.s32 $0x90;
	v2 =	vsel vm6, $0x20F, v2;
	v0 =	vsel vm11, $0xE, v0  }
0x10b: {  	v3 =	vsel vm2, $0x110, v3;
	[tilespmem:$0x1FEC0] =	vst v0;
	v0 =	vsel vm11, $0xF, v2  }
0x10c: {  	[tilespmem:$0x1FED0] =	vst v0;
	v0 =	vsel vm1, $0x190, v3  }
0x10d: {  	v0 =	vsel vm5, $0x210, v0  }
0x10e: {  	v2 =	vimm.s32 $0x91;
	v0 =	vsel vm3, $0x10, v0  }
0x10f: {  	v3 =	vimm.s32 $0x92;
	v2 =	vsel vm2, $0x111, v2;
	v0 =	vsel vm4, $0x110, v0  }
0x110: {  	v3 =	vsel vm2, $0x112, v3;
	v2 =	vsel vm1, $0x191, v2;
	v0 =	vsel vm7, $0x190, v0  }
0x111: {  	v3 =	vsel vm1, $0x192, v3;
	v2 =	vsel vm5, $0x211, v2;
	v0 =	vsel vm13, $0x210, v0  }
0x112: {  	v3 =	vsel vm5, $0x212, v3;
	v2 =	vsel vm3, $0x11, v2;
	v0 =	vsel vm8, $0x10, v0  }
0x113: {  	v3 =	vsel vm3, $0x12, v3;
	v2 =	vsel vm4, $0x111, v2;
	v0 =	vsel vm10, $0x110, v0  }
0x114: {  	v3 =	vsel vm4, $0x112, v3;
	v2 =	vsel vm7, $0x191, v2;
	v0 =	vsel vm9, $0x190, v0  }
0x115: {  	v3 =	vsel vm7, $0x192, v3;
	v2 =	vsel vm13, $0x211, v2;
	v0 =	vsel vm6, $0x210, v0  }
0x116: {  	v3 =	vsel vm13, $0x212, v3;
	v2 =	vsel vm8, $0x11, v2;
	v0 =	vsel vm11, $0x10, v0  }
0x117: {  	v3 =	vsel vm8, $0x12, v3;
	[tilespmem:$0x1FEE0] =	vst v0;
	v0 =	vsel vm10, $0x111, v2  }
0x118: {  	v2 =	vsel vm10, $0x112, v3;
	v0 =	vsel vm9, $0x191, v0  }
0x119: {  	v2 =	vsel vm9, $0x192, v2;
	v0 =	vsel vm6, $0x211, v0  }
0x11a: {  	v3 =	vimm.s32 $0x93;
	v2 =	vsel vm6, $0x212, v2;
	v0 =	vsel vm11, $0x11, v0  }
0x11b: {  	v3 =	vsel vm2, $0x113, v3;
	[tilespmem:$0x1FEF0] =	vst v0;
	v0 =	vsel vm11, $0x12, v2  }
0x11c: {  	[tilespmem:$0x1FF00] =	vst v0;
	v0 =	vsel vm1, $0x193, v3  }
0x11d: {  	v0 =	vsel vm5, $0x213, v0  }
0x11e: {  	v2 =	vimm.s32 $0x100;
	v0 =	vsel vm3, $0x13, v0  }
0x11f: {  	v3 =	vimm.s32 $0x101;
	v2 =	vsel vm2, $0x180, v2;
	v0 =	vsel vm4, $0x113, v0  }
0x120: {  	v3 =	vsel vm2, $0x181, v3;
	v2 =	vsel vm1, $0x200, v2;
	v0 =	vsel vm7, $0x193, v0  }
0x121: {  	v3 =	vsel vm1, $0x201, v3;
	v2 =	vsel vm5, $0x0, v2;
	v0 =	vsel vm13, $0x213, v0  }
0x122: {  	v3 =	vsel vm5, $0x1, v3;
	v2 =	vsel vm3, $0x80, v2;
	v0 =	vsel vm8, $0x13, v0  }
0x123: {  	v3 =	vsel vm3, $0x81, v3;
	v2 =	vsel vm4, $0x180, v2;
	v0 =	vsel vm10, $0x113, v0  }
0x124: {  	v3 =	vsel vm4, $0x181, v3;
	v2 =	vsel vm7, $0x200, v2;
	v0 =	vsel vm9, $0x193, v0  }
0x125: {  	v3 =	vsel vm7, $0x201, v3;
	v2 =	vsel vm13, $0x0, v2;
	v0 =	vsel vm6, $0x213, v0  }
0x126: {  	v3 =	vsel vm13, $0x1, v3;
	v2 =	vsel vm8, $0x80, v2;
	v0 =	vsel vm11, $0x13, v0  }
0x127: {  	v3 =	vsel vm8, $0x81, v3;
	[tilespmem:$0x1FF10] =	vst v0;
	v0 =	vsel vm10, $0x180, v2  }
0x128: {  	v2 =	vsel vm10, $0x181, v3;
	v0 =	vsel vm9, $0x200, v0  }
0x129: {  	v2 =	vsel vm9, $0x201, v2;
	v0 =	vsel vm6, $0x0, v0  }
0x12a: {  	v3 =	vimm.s32 $0x102;
	v2 =	vsel vm6, $0x1, v2;
	v0 =	vsel vm11, $0x80, v0  }
0x12b: {  	v3 =	vsel vm2, $0x182, v3;
	[tilespmem:$0x1FF20] =	vst v0;
	v0 =	vsel vm11, $0x81, v2  }
0x12c: {  	[tilespmem:$0x1FF30] =	vst v0;
	v0 =	vsel vm1, $0x202, v3  }
0x12d: {  	v0 =	vsel vm5, $0x2, v0  }
0x12e: {  	v2 =	vimm.s32 $0x103;
	v0 =	vsel vm3, $0x82, v0  }
0x12f: {  	v3 =	vimm.s32 $0x104;
	v2 =	vsel vm2, $0x183, v2;
	v0 =	vsel vm4, $0x182, v0  }
0x130: {  	v3 =	vsel vm2, $0x184, v3;
	v2 =	vsel vm1, $0x203, v2;
	v0 =	vsel vm7, $0x202, v0  }
0x131: {  	v3 =	vsel vm1, $0x204, v3;
	v2 =	vsel vm5, $0x3, v2;
	v0 =	vsel vm13, $0x2, v0  }
0x132: {  	v3 =	vsel vm5, $0x4, v3;
	v2 =	vsel vm3, $0x83, v2;
	v0 =	vsel vm8, $0x82, v0  }
0x133: {  	v3 =	vsel vm3, $0x84, v3;
	v2 =	vsel vm4, $0x183, v2;
	v0 =	vsel vm10, $0x182, v0  }
0x134: {  	v3 =	vsel vm4, $0x184, v3;
	v2 =	vsel vm7, $0x203, v2;
	v0 =	vsel vm9, $0x202, v0  }
0x135: {  	v3 =	vsel vm7, $0x204, v3;
	v2 =	vsel vm13, $0x3, v2;
	v0 =	vsel vm6, $0x2, v0  }
0x136: {  	v3 =	vsel vm13, $0x4, v3;
	v2 =	vsel vm8, $0x83, v2;
	v0 =	vsel vm11, $0x82, v0  }
0x137: {  	v3 =	vsel vm8, $0x84, v3;
	[tilespmem:$0x1FF40] =	vst v0;
	v0 =	vsel vm10, $0x183, v2  }
0x138: {  	v2 =	vsel vm10, $0x184, v3;
	v0 =	vsel vm9, $0x203, v0  }
0x139: {  	v2 =	vsel vm9, $0x204, v2;
	v0 =	vsel vm6, $0x3, v0  }
0x13a: {  	v3 =	vimm.s32 $0x105;
	v2 =	vsel vm6, $0x4, v2;
	v0 =	vsel vm11, $0x83, v0  }
0x13b: {  	v3 =	vsel vm2, $0x185, v3;
	[tilespmem:$0x1FF50] =	vst v0;
	v0 =	vsel vm11, $0x84, v2  }
0x13c: {  	[tilespmem:$0x1FF60] =	vst v0;
	v0 =	vsel vm1, $0x205, v3  }
0x13d: {  	v0 =	vsel vm5, $0x5, v0  }
0x13e: {  	v2 =	vimm.s32 $0x106;
	v0 =	vsel vm3, $0x85, v0  }
0x13f: {  	v3 =	vimm.s32 $0x107;
	v2 =	vsel vm2, $0x186, v2;
	v0 =	vsel vm4, $0x185, v0  }
0x140: {  	v3 =	vsel vm2, $0x187, v3;
	v2 =	vsel vm1, $0x206, v2;
	v0 =	vsel vm7, $0x205, v0  }
0x141: {  	v3 =	vsel vm1, $0x207, v3;
	v2 =	vsel vm5, $0x6, v2;
	v0 =	vsel vm13, $0x5, v0  }
0x142: {  	v3 =	vsel vm5, $0x7, v3;
	v2 =	vsel vm3, $0x86, v2;
	v0 =	vsel vm8, $0x85, v0  }
0x143: {  	v3 =	vsel vm3, $0x87, v3;
	v2 =	vsel vm4, $0x186, v2;
	v0 =	vsel vm10, $0x185, v0  }
0x144: {  	v3 =	vsel vm4, $0x187, v3;
	v2 =	vsel vm7, $0x206, v2;
	v0 =	vsel vm9, $0x205, v0  }
0x145: {  	v3 =	vsel vm7, $0x207, v3;
	v2 =	vsel vm13, $0x6, v2;
	v0 =	vsel vm6, $0x5, v0  }
0x146: {  	v3 =	vsel vm13, $0x7, v3;
	v2 =	vsel vm8, $0x86, v2;
	v0 =	vsel vm11, $0x85, v0  }
0x147: {  	v3 =	vsel vm8, $0x87, v3;
	[tilespmem:$0x1FF70] =	vst v0;
	v0 =	vsel vm10, $0x186, v2  }
0x148: {  	v2 =	vsel vm10, $0x187, v3;
	v0 =	vsel vm9, $0x206, v0  }
0x149: {  	v63 =	vimm.s32 $0x480;
	v2 =	vsel vm9, $0x207, v2;
	v0 =	vsel vm6, $0x6, v0  }
0x14a: {  	v3 =	vimm.s32 $0x108;
	v2 =	vsel vm6, $0x7, v2;
	v0 =	vsel vm11, $0x86, v0  }
0x14b: {  	v25 =	vimm.s32 $0x489;
	v3 =	vsel vm2, $0x188, v3;
	[tilespmem:$0x1FF80] =	vst v0;
	v0 =	vsel vm11, $0x87, v2  }
0x14c: {  	v28 =	vimm.s32 $0x48A;
	v31 =	vimm.s32 $0x48B;
	[tilespmem:$0x1FF90] =	vst v0;
	v0 =	vsel vm1, $0x208, v3  }
0x14d: {  	v34 =	vimm.s32 $0x48C;
	v37 =	vimm.s32 $0x48D;
	v0 =	vsel vm5, $0x8, v0  }
0x14e: {  	v40 =	vimm.s32 $0x48E;
	v2 =	vimm.s32 $0x109;
	v0 =	vsel vm3, $0x88, v0  }
0x14f: {  	v3 =	vimm.s32 $0x10A;
	v2 =	vsel vm2, $0x189, v2;
	v0 =	vsel vm4, $0x188, v0  }
0x150: {  	v3 =	vsel vm2, $0x18A, v3;
	v2 =	vsel vm1, $0x209, v2;
	v0 =	vsel vm7, $0x208, v0  }
0x151: {  	v3 =	vsel vm1, $0x20A, v3;
	v2 =	vsel vm5, $0x9, v2;
	v0 =	vsel vm13, $0x8, v0  }
0x152: {  	v3 =	vsel vm5, $0xA, v3;
	v2 =	vsel vm3, $0x89, v2;
	v0 =	vsel vm8, $0x88, v0  }
0x153: {  	v3 =	vsel vm3, $0x8A, v3;
	v2 =	vsel vm4, $0x189, v2;
	v0 =	vsel vm10, $0x188, v0  }
0x154: {  	v3 =	vsel vm4, $0x18A, v3;
	v2 =	vsel vm7, $0x209, v2;
	v0 =	vsel vm9, $0x208, v0  }
0x155: {  	v3 =	vsel vm7, $0x20A, v3;
	v2 =	vsel vm13, $0x9, v2;
	v0 =	vsel vm6, $0x8, v0  }
0x156: {  	v3 =	vsel vm13, $0xA, v3;
	v2 =	vsel vm8, $0x89, v2;
	v0 =	vsel vm11, $0x88, v0  }
0x157: {  	v43 =	vimm.s32 $0x48F;
	v3 =	vsel vm8, $0x8A, v3;
	[tilespmem:$0x1FFA0] =	vst v0;
	v0 =	vsel vm10, $0x189, v2  }
0x158: {  	v46 =	vimm.s32 $0x490;
	v2 =	vsel vm10, $0x18A, v3;
	v0 =	vsel vm9, $0x209, v0  }
0x159: {  	v48 =	vimm.s32 $0x491;
	v2 =	vsel vm9, $0x20A, v2;
	v0 =	vsel vm6, $0x9, v0  }
0x15a: {  	v3 =	vimm.s32 $0x10B;
	v2 =	vsel vm6, $0xA, v2;
	v0 =	vsel vm11, $0x89, v0  }
0x15b: {  	v51 =	vimm.s32 $0x492;
	v3 =	vsel vm2, $0x18B, v3;
	[tilespmem:$0x1FFB0] =	vst v0;
	v0 =	vsel vm11, $0x8A, v2  }
0x15c: {  	v52 =	vimm.s32 $0x493;
	v53 =	vlaneseq.u32;
	[tilespmem:$0x1FFC0] =	vst v0;
	v0 =	vsel vm1, $0x20B, v3  }
0x15d: {  	vm15 =	vcmask $0x300;
	v4 =	vimm.s32 $0xECA86420;
	v0 =	vsel vm5, $0xB, v0  }
0x15e: {  	v4 =	vunpack.c.l.s4.s8 v4;
	v2 =	vimm.s32 $0x10C;
	v0 =	vsel vm3, $0x8B, v0  }
0x15f: {  	v3 =	vimm.s32 $0x10D;
	v2 =	vsel vm2, $0x18C, v2;
	v0 =	vsel vm4, $0x18B, v0  }
0x160: {  	v3 =	vsel vm2, $0x18D, v3;
	v2 =	vsel vm1, $0x20C, v2;
	v0 =	vsel vm7, $0x20B, v0  }
0x161: {  	v3 =	vsel vm1, $0x20D, v3;
	v2 =	vsel vm5, $0xC, v2;
	v0 =	vsel vm13, $0xB, v0  }
0x162: {  	v3 =	vsel vm5, $0xD, v3;
	v2 =	vsel vm3, $0x8C, v2;
	v0 =	vsel vm8, $0x8B, v0  }
0x163: {  	v3 =	vsel vm3, $0x8D, v3;
	v2 =	vsel vm4, $0x18C, v2;
	v0 =	vsel vm10, $0x18B, v0  }
0x164: {  	v3 =	vsel vm4, $0x18D, v3;
	v2 =	vsel vm7, $0x20C, v2;
	v0 =	vsel vm9, $0x20B, v0  }
0x165: {  	v3 =	vsel vm7, $0x20D, v3;
	v2 =	vsel vm13, $0xC, v2;
	v0 =	vsel vm6, $0xB, v0  }
0x166: {  	v3 =	vsel vm13, $0xD, v3;
	v2 =	vsel vm8, $0x8C, v2;
	v0 =	vsel vm11, $0x8B, v0  }
0x167: {  	v62 =	vunpack.c.0.s8.s32 v4;
	v3 =	vsel vm8, $0x8D, v3;
	[tilespmem:$0x1FFD0] =	vst v0;
	v0 =	vsel vm10, $0x18C, v2  }
0x168: {  	v4 =	vimm.s32 $0x482;
	v2 =	vsel vm10, $0x18D, v3;
	v0 =	vsel vm9, $0x20C, v0  }
0x169: {  	v7 =	vimm.s32 $0x483;
	v2 =	vsel vm9, $0x20D, v2;
	v0 =	vsel vm6, $0xC, v0  }
0x16a: {  	v3 =	vimm.s32 $0x10E;
	v2 =	vsel vm6, $0xD, v2;
	v0 =	vsel vm11, $0x8C, v0  }
0x16b: {  	v10 =	vimm.s32 $0x484;
	v3 =	vsel vm2, $0x18E, v3;
	[tilespmem:$0x1FFE0] =	vst v0;
	v0 =	vsel vm11, $0x8D, v2  }
0x16c: {  	v13 =	vimm.s32 $0x485;
	v16 =	vimm.s32 $0x486;
	[tilespmem:$0x1FFF0] =	vst v0;
	v0 =	vsel vm1, $0x20E, v3  }
0x16d: {  	v2 =	vimm.s32 $0x10F;
	v3 =	vimm.s32 $0x110;
	v0 =	vsel vm5, $0xE, v0  }
0x16e: {  	v2 =	vsel vm2, $0x18F, v2;
	v3 =	vsel vm2, $0x190, v3;
	v0 =	vsel vm3, $0x8E, v0  }
0x16f: {  	v2 =	vsel vm1, $0x20F, v2;
	v3 =	vsel vm1, $0x210, v3;
	v0 =	vsel vm4, $0x18E, v0  }
0x170: {  	v2 =	vsel vm5, $0xF, v2;
	v3 =	vsel vm5, $0x10, v3;
	v0 =	vsel vm7, $0x20E, v0  }
0x171: {  	v2 =	vsel vm3, $0x8F, v2;
	v3 =	vsel vm3, $0x90, v3;
	v0 =	vsel vm13, $0xE, v0  }
0x172: {  	v2 =	vsel vm4, $0x18F, v2;
	v3 =	vsel vm4, $0x190, v3;
	v0 =	vsel vm8, $0x8E, v0  }
0x173: {  	v2 =	vsel vm7, $0x20F, v2;
	v3 =	vsel vm7, $0x210, v3;
	v0 =	vsel vm10, $0x18E, v0  }
0x174: {  	v2 =	vsel vm13, $0xF, v2;
	v3 =	vsel vm13, $0x10, v3;
	v0 =	vsel vm9, $0x20E, v0  }
0x175: {  	v2 =	vsel vm8, $0x8F, v2;
	v3 =	vsel vm8, $0x90, v3;
	v0 =	vsel vm6, $0xE, v0  }
0x176: {  	v56 =	vsel vm11, $0x8E, v0;
	v0 =	vsel vm10, $0x18F, v2;
	v2 =	vsel vm10, $0x190, v3  }
0x177: {  	s0 =	srdreg.scid;
	s1 =	stileid.u32;
	v19 =	vimm.s32 $0x487;
	v0 =	vsel vm9, $0x20F, v0;
	v2 =	vsel vm9, $0x210, v2  }
0x178: {  	s0 =	sand.u32 $0x1, s0;
	s1 =	sshll.u32 s1, $0x1;
	v3 =	vimm.s32 $0x111;
	v0 =	vsel vm6, $0xF, v0;
	v2 =	vsel vm6, $0x10, v2  }
0x179: {  	s1 =	sor.u32 s0, s1;
	v3 =	vsel vm2, $0x191, v3;
	v57 =	vsel vm11, $0x8F, v0;
	v58 =	vsel vm11, $0x90, v2  }
0x17a: {  	s11 =	smul.u32 $0x19000, s1;
	v0 =	vsel vm1, $0x211, v3;
	v2 =	vimm.s32 $0x112;
	v3 =	vimm.s32 $0x113  }
0x17b: {  	s2 =	rddreg [dreg:$0x0];
	s0 =	ssub.s32 $0x2, s0;
	v22 =	vimm.s32 $0x488;
	v2 =	vsel vm2, $0x192, v2;
	v3 =	vsel vm2, $0x193, v3  }
0x17c: {  	s23 =	simm.s32 $0x0;
	s29 =	sshrl.u32 s0, $0x1;
	s30 =	sshrl.u32 s11, $0x3;
	v0 =	vsel vm5, $0x11, v0;
	v2 =	vsel vm1, $0x212, v2;
	v3 =	vsel vm1, $0x213, v3  }
0x17d: {  	[smem:$0x7FF] =	sst s23;
	s0 =	ssub.s32 s0, s29;
	s1 =	sadd.s32 s2, s30;
	v0 =	vsel vm3, $0x91, v0;
	v2 =	vsel vm5, $0x12, v2;
	v3 =	vsel vm5, $0x13, v3  }
0x17e: {  	s0 =	smax.u32 s0, $0x1;
	_ =	strace $0x80000047;
	[dreg:$0xc] =	wrdreg s1;
	v0 =	vsel vm4, $0x191, v0;
	v2 =	vsel vm3, $0x92, v2;
	v3 =	vsel vm3, $0x93, v3  }
0x17f: {  	s31 =	simm.s32 $0xC80;
	[dreg:$0x12] =	wrdreg s0;
	v0 =	vsel vm7, $0x211, v0;
	v2 =	vsel vm4, $0x192, v2;
	v3 =	vsel vm4, $0x193, v3  }
0x180: {  	[dreg:$0x6] =	wrdreg s31;
	v0 =	vsel vm13, $0x11, v0;
	v2 =	vsel vm7, $0x212, v2;
	v3 =	vsel vm7, $0x213, v3  }
0x181: {  	s12 =	sadd.s32 $0x320000, s11;
	[dreg:$0xb] =	wrdreg s11;
	v0 =	vsel vm8, $0x91, v0;
	v2 =	vsel vm13, $0x12, v2;
	v3 =	vsel vm13, $0x13, v3  }
0x182: {  	s13 =	sadd.s32 $0x640000, s11;
	[dreg:$0xd] =	wrdreg s12;
	v0 =	vsel vm10, $0x191, v0;
	v2 =	vsel vm8, $0x92, v2;
	v3 =	vsel vm8, $0x93, v3  }
0x183: {  	s14 =	sadd.s32 $0x960000, s11;
	[dreg:$0xe] =	wrdreg s13;
	v0 =	vsel vm9, $0x211, v0;
	v2 =	vsel vm10, $0x192, v2;
	v3 =	vsel vm10, $0x193, v3  }
0x184: {  	s17 =	sadd.s32 $0xC80000, s11;
	[dreg:$0xf] =	wrdreg s14;
	v0 =	vsel vm6, $0x11, v0;
	v2 =	vsel vm9, $0x212, v2;
	v3 =	vsel vm9, $0x213, v3  }
0x185: {  	s19 =	simm.s32 $0xD00;
	s21 =	sadd.s32 $0x3200, s11;
	[dreg:$0x10] =	wrdreg s17;
	v59 =	vsel vm11, $0x91, v0;
	v0 =	vsel vm6, $0x12, v2;
	v2 =	vsel vm6, $0x13, v3  }
0x186: {  	s4 =	simm.s32 $0x0;
	s2 =	simm.s32 $0x12400;
	[dreg:$0x11] =	wrdreg s21;
	v60 =	vsel vm11, $0x92, v0;
	v61 =	vsel vm11, $0x93, v2;
	v0 =	vimm.s32 $0x481  }
.LBB2_1:
0x187: {  	[dreg:$0x13] =	wrdreg s4  }
0x188: {  	s0 =	rddreg [dreg:$0x1];
	s3 =	simm.s32 $0x5  }
0x189: {  	[tilespmem:s23], [sflag:$0x5] =	stream.linear.gather [hbm4b:s0+s23], $0x500, $0x38;
	[tilespmem:$0x13D00] =	vst v63  }
0x18a: {  	_ =	swait.ge [sflag:s3], $0x500  }
0x18b: {  	[sflag:s3] =	ssyncset.done $0x0  }
0x18c: {  	[sflag:s3] =	ssyncadd.s32 $0xFFFFFB00  }
0x18d: {  	s4 =	simm.s32 $0x800;
	s28 =	rddreg [dreg:$0x2]  }
0x18e: {  	[tilespmem:s4], [sflag:$0x5] =	stream.linear.gather [hbm4b:s28+s23], $0x280, $0x38;
	[tilespmem:$0x13D00] =	vst v63  }
0x18f: {  	_ =	swait.ge [sflag:s3], $0x280  }
0x190: {  	[sflag:s3] =	ssyncset.done $0x0  }
0x191: {  	[sflag:s3] =	ssyncadd.s32 $0xFFFFFD80  }
0x192: {  	s5 =	simm.s32 $0xC00;
	s29 =	rddreg [dreg:$0x3]  }
0x193: {  	[tilespmem:s5], [sflag:$0x5] =	stream.linear.gather [hbm4b:s29+s23], $0x80, $0x38;
	[tilespmem:$0x13D00] =	vst v63  }
0x194: {  	_ =	swait.ge [sflag:s3], $0x80  }
0x195: {  	v2 =	vld [tilespmem:$0x1F9E0]  }
0x196: {  	v3 =	vld [tilespmem:$0x1F9F0]  }
0x197: {  	v5 =	vld [tilespmem:$0x1FA00]  }
0x198: {  	v6 =	vld [tilespmem:$0x1FA10]  }
0x199: {  	v8 =	vld [tilespmem:$0x1FA20]  }
0x19a: {  	v9 =	vld [tilespmem:$0x1FA30]  }
0x19b: {  	[sflag:s3] =	ssyncset.done $0x0  }
0x19c: {  	[sflag:s3] =	ssyncadd.s32 $0xFFFFFF80  }
0x19d: {  	v2 =	vld.idx.msk [tilespmem:v2+s23+$0x0], $0xffff  }
0x19e: {  	v3 =	vld.idx.msk [tilespmem:v3+s4+$0x0], $0xffff  }
0x19f: {  	v5 =	vld.idx.msk [tilespmem:v5+s23+$0x0], $0xffff  }
0x1a0: {  	v6 =	vld.idx.msk [tilespmem:v6+s4+$0x0], $0xffff  }
0x1a1: {  	v8 =	vld.idx.msk [tilespmem:v8+s23+$0x0], $0xffff  }
0x1a2: {  	v9 =	vld.idx.msk [tilespmem:v9+s4+$0x0], $0xffff  }
0x1a3: {  	v11 =	vld [tilespmem:$0x1FA50];
	v2 =	vmul.f32 v3, v2  }
0x1a4: {  	v3 =	vld [tilespmem:$0x1FA40]  }
0x1a5: {  	v12 =	vld [tilespmem:$0x1FA70];
	v5 =	vmul.f32 v6, v5;
	v2 =	vadd.f32 $0.0e+00, v2  }
0x1a6: {  	v6 =	vld [tilespmem:$0x1FA60]  }
0x1a7: {  	v2 =	vadd.f32 v5, v2;
	v5 =	vmul.f32 v9, v8;
	v8 =	vld [tilespmem:$0x1FA80]  }
0x1a8: {  	v9 =	vld [tilespmem:$0x1FA90];
	_ =	sdelay $0x2  }
0x1a9: {  	v11 =	vld.idx.msk [tilespmem:v11+s4+$0x0], $0xffff  }
0x1aa: {  	v3 =	vld.idx.msk [tilespmem:v3+s23+$0x0], $0xffff  }
0x1ab: {  	v12 =	vld.idx.msk [tilespmem:v12+s4+$0x0], $0xffff  }
0x1ac: {  	v6 =	vld.idx.msk [tilespmem:v6+s23+$0x0], $0xffff  }
0x1ad: {  	v8 =	vld.idx.msk [tilespmem:v8+s23+$0x0], $0xffff  }
0x1ae: {  	v9 =	vld.idx.msk [tilespmem:v9+s4+$0x0], $0xffff  }
0x1af: {  	v2 =	vadd.f32 v5, v2;
	v5 =	vld [tilespmem:$0x1FAA0];
	v3 =	vmul.f32 v11, v3  }
0x1b0: {  	v11 =	vld [tilespmem:$0x1FAB0]  }
0x1b1: {  	v2 =	vadd.f32 v3, v2;
	v3 =	vmul.f32 v12, v6;
	v6 =	vld [tilespmem:$0x1FAC0]  }
0x1b2: {  	v12 =	vld [tilespmem:$0x1FAD0]  }
0x1b3: {  	v2 =	vadd.f32 v3, v2;
	v3 =	vmul.f32 v9, v8;
	v8 =	vld [tilespmem:$0x1FAE0]  }
0x1b4: {  	v9 =	vld [tilespmem:$0x1FAF0];
	_ =	sdelay $0x2  }
0x1b5: {  	v5 =	vld.idx.msk [tilespmem:v5+s23+$0x0], $0xffff  }
0x1b6: {  	v11 =	vld.idx.msk [tilespmem:v11+s4+$0x0], $0xffff  }
0x1b7: {  	v6 =	vld.idx.msk [tilespmem:v6+s23+$0x0], $0xffff  }
0x1b8: {  	v12 =	vld.idx.msk [tilespmem:v12+s4+$0x0], $0xffff  }
0x1b9: {  	v8 =	vld.idx.msk [tilespmem:v8+s23+$0x0], $0xffff  }
0x1ba: {  	v9 =	vld.idx.msk [tilespmem:v9+s4+$0x0], $0xffff  }
0x1bb: {  	v2 =	vadd.f32 v3, v2;
	v3 =	vmul.f32 v11, v5;
	v5 =	vld [tilespmem:$0x1FB00]  }
0x1bc: {  	v11 =	vld [tilespmem:$0x1FB10];
	_ =	sdelay $0x2  }
0x1bd: {  	v2 =	vadd.f32 v3, v2;
	v3 =	vmul.f32 v12, v6;
	v6 =	vld [tilespmem:$0x1FB20]  }
0x1be: {  	v12 =	vld [tilespmem:$0x1FB30]  }
0x1bf: {  	v2 =	vadd.f32 v3, v2;
	v3 =	vmul.f32 v9, v8;
	v8 =	vld [tilespmem:$0x1FB40]  }
0x1c0: {  	v9 =	vld [tilespmem:$0x1FB50]  }
0x1c1: {  	v5 =	vld.idx.msk [tilespmem:v5+s23+$0x0], $0xffff  }
0x1c2: {  	v11 =	vld.idx.msk [tilespmem:v11+s4+$0x0], $0xffff;
	_ =	sdelay $0x2  }
0x1c3: {  	v6 =	vld.idx.msk [tilespmem:v6+s23+$0x0], $0xffff  }
0x1c4: {  	v12 =	vld.idx.msk [tilespmem:v12+s4+$0x0], $0xffff  }
0x1c5: {  	v2 =	vadd.f32 v3, v2;
	v3 =	vmul.f32 v11, v5;
	v5 =	vld [tilespmem:$0x1FB60]  }
0x1c6: {  	v11 =	vld [tilespmem:$0x1FB70]  }
0x1c7: {  	v8 =	vld.idx.msk [tilespmem:v8+s23+$0x0], $0xffff  }
0x1c8: {  	v9 =	vld.idx.msk [tilespmem:v9+s4+$0x0], $0xffff  }
0x1c9: {  	v2 =	vadd.f32 v3, v2;
	v3 =	vmul.f32 v12, v6;
	v6 =	vld [tilespmem:$0x1FB80]  }
0x1ca: {  	v12 =	vld [tilespmem:$0x1FB90];
	_ =	sdelay $0x2  }
0x1cb: {  	v5 =	vld.idx.msk [tilespmem:v5+s23+$0x0], $0xffff  }
0x1cc: {  	v11 =	vld.idx.msk [tilespmem:v11+s4+$0x0], $0xffff  }
0x1cd: {  	v2 =	vadd.f32 v3, v2;
	v3 =	vmul.f32 v9, v8;
	v8 =	vld [tilespmem:$0x1FBA0]  }
0x1ce: {  	v9 =	vld [tilespmem:$0x1FBB0]  }
0x1cf: {  	v6 =	vld.idx.msk [tilespmem:v6+s23+$0x0], $0xffff  }
0x1d0: {  	v12 =	vld.idx.msk [tilespmem:v12+s4+$0x0], $0xffff  }
0x1d1: {  	v2 =	vadd.f32 v3, v2;
	v3 =	vmul.f32 v11, v5;
	v5 =	vld [tilespmem:$0x1FBC0]  }
0x1d2: {  	v11 =	vld [tilespmem:$0x1FBD0];
	_ =	sdelay $0x2  }
0x1d3: {  	v8 =	vld.idx.msk [tilespmem:v8+s23+$0x0], $0xffff  }
0x1d4: {  	v2 =	vadd.f32 v3, v2;
	v3 =	vmul.f32 v12, v6;
	v6 =	vld [tilespmem:$0x1FBE0]  }
0x1d5: {  	v9 =	vld.idx.msk [tilespmem:v9+s4+$0x0], $0xffff  }
0x1d6: {  	v12 =	vld [tilespmem:$0x1FDA0]  }
0x1d7: {  	v5 =	vld.idx.msk [tilespmem:v5+s23+$0x0], $0xffff  }
0x1d8: {  	v11 =	vld.idx.msk [tilespmem:v11+s4+$0x0], $0xffff;
	_ =	sdelay $0x1  }
0x1d9: {  	v2 =	vadd.f32 v3, v2;
	v3 =	vmul.f32 v9, v8;
	v8 =	vld [tilespmem:$0x1FC20]  }
0x1da: {  	v9 =	vld [tilespmem:$0x1FDB0]  }
0x1db: {  	v6 =	vld.idx.msk [tilespmem:v6+s23+$0x0], $0xffff  }
0x1dc: {  	v2 =	vadd.f32 v3, v2;
	v3 =	vmul.f32 v11, v5;
	v5 =	vld [tilespmem:$0x1FC30]  }
0x1dd: {  	v11 =	vld [tilespmem:$0x1FDC0]  }
0x1de: {  	v12 =	vld.idx.msk [tilespmem:v12+s4+$0x0], $0xffff;
	_ =	sdelay $0x2  }
0x1df: {  	v8 =	vld.idx.msk [tilespmem:v8+s23+$0x0], $0xffff  }
0x1e0: {  	v9 =	vld.idx.msk [tilespmem:v9+s4+$0x0], $0xffff  }
0x1e1: {  	v2 =	vadd.f32 v3, v2;
	v3 =	vmul.f32 v12, v6;
	v6 =	vld [tilespmem:$0x1FC40]  }
0x1e2: {  	v5 =	vld.idx.msk [tilespmem:v5+s23+$0x0], $0xffff  }
0x1e3: {  	v11 =	vld.idx.msk [tilespmem:v11+s4+$0x0], $0xffff  }
0x1e4: {  	v12 =	vld [tilespmem:$0x1FDD0];
	_ =	sdelay $0x1  }
0x1e5: {  	v2 =	vadd.f32 v3, v2;
	v3 =	vmul.f32 v9, v8;
	_ =	sdelay $0x1  }
0x1e6: {  	v2 =	vadd.f32 v3, v2;
	v3 =	vmul.f32 v11, v5;
	v5 =	vld [tilespmem:$0x1FBF0];
	_ =	sdelay $0x2  }
0x1e7: {  	v6 =	vld.idx.msk [tilespmem:v6+s23+$0x0], $0xffff  }
0x1e8: {  	v12 =	vld.idx.msk [tilespmem:v12+s4+$0x0], $0xffff;
	_ =	sdelay $0x3  }
0x1e9: {  	v5 =	vld.idx.msk [tilespmem:v5+s5+$0x0], $0xffff  }
0x1ea: {  	v2 =	vadd.f32 v3, v2;
	v3 =	vmul.f32 v12, v6;
	_ =	sdelay $0x1  }
0x1eb: {  	v2 =	vadd.f32 v3, v2;
	_ =	sdelay $0x1  }
0x1ec: {  	v2 =	vadd.f32 v2, v5  }
0x1ed: {  	v3 =	vld [tilespmem:$0x1FDE0]  }
0x1ee: {  	[tilespmem:$0xC80] =	vst v2;
	v2 =	vld [tilespmem:$0x1FC60]  }
0x1ef: {  	v6 =	vld [tilespmem:$0x1FDF0]  }
0x1f0: {  	v5 =	vld [tilespmem:$0x1FC70]  }
0x1f1: {  	v8 =	vld [tilespmem:$0x1FC80]  }
0x1f2: {  	v9 =	vld [tilespmem:$0x1FE00];
	_ =	sdelay $0x2  }
0x1f3: {  	v3 =	vld.idx.msk [tilespmem:v3+s4+$0x0], $0xffff  }
0x1f4: {  	v2 =	vld.idx.msk [tilespmem:v2+s23+$0x0], $0xffff  }
0x1f5: {  	v6 =	vld.idx.msk [tilespmem:v6+s4+$0x0], $0xffff  }
0x1f6: {  	v5 =	vld.idx.msk [tilespmem:v5+s23+$0x0], $0xffff  }
0x1f7: {  	v8 =	vld.idx.msk [tilespmem:v8+s23+$0x0], $0xffff  }
0x1f8: {  	v9 =	vld.idx.msk [tilespmem:v9+s4+$0x0], $0xffff  }
0x1f9: {  	v11 =	vld [tilespmem:$0x1FE10];
	v2 =	vmul.f32 v3, v2  }
0x1fa: {  	v3 =	vld [tilespmem:$0x1FC90]  }
0x1fb: {  	v12 =	vld [tilespmem:$0x1FE20];
	v5 =	vmul.f32 v6, v5;
	v2 =	vadd.f32 $0.0e+00, v2  }
0x1fc: {  	v6 =	vld [tilespmem:$0x1FCA0]  }
0x1fd: {  	v2 =	vadd.f32 v5, v2;
	v5 =	vmul.f32 v9, v8;
	v8 =	vld [tilespmem:$0x1FCB0]  }
0x1fe: {  	v9 =	vld [tilespmem:$0x1FE30];
	_ =	sdelay $0x2  }
0x1ff: {  	v11 =	vld.idx.msk [tilespmem:v11+s4+$0x0], $0xffff  }
0x200: {  	v3 =	vld.idx.msk [tilespmem:v3+s23+$0x0], $0xffff  }
0x201: {  	v12 =	vld.idx.msk [tilespmem:v12+s4+$0x0], $0xffff  }
0x202: {  	v6 =	vld.idx.msk [tilespmem:v6+s23+$0x0], $0xffff  }
0x203: {  	v8 =	vld.idx.msk [tilespmem:v8+s23+$0x0], $0xffff  }
0x204: {  	v9 =	vld.idx.msk [tilespmem:v9+s4+$0x0], $0xffff  }
0x205: {  	v2 =	vadd.f32 v5, v2;
	v5 =	vld [tilespmem:$0x1FCC0];
	v3 =	vmul.f32 v11, v3  }
0x206: {  	v11 =	vld [tilespmem:$0x1FE40]  }
0x207: {  	v2 =	vadd.f32 v3, v2;
	v3 =	vmul.f32 v12, v6;
	v6 =	vld [tilespmem:$0x1FCD0]  }
0x208: {  	v12 =	vld [tilespmem:$0x1FE50]  }
0x209: {  	v2 =	vadd.f32 v3, v2;
	v3 =	vmul.f32 v9, v8;
	v8 =	vld [tilespmem:$0x1FCE0]  }
0x20a: {  	v9 =	vld [tilespmem:$0x1FE60];
	_ =	sdelay $0x2  }
0x20b: {  	v5 =	vld.idx.msk [tilespmem:v5+s23+$0x0], $0xffff  }
0x20c: {  	v11 =	vld.idx.msk [tilespmem:v11+s4+$0x0], $0xffff  }
0x20d: {  	v6 =	vld.idx.msk [tilespmem:v6+s23+$0x0], $0xffff  }
0x20e: {  	v12 =	vld.idx.msk [tilespmem:v12+s4+$0x0], $0xffff  }
0x20f: {  	v8 =	vld.idx.msk [tilespmem:v8+s23+$0x0], $0xffff  }
0x210: {  	v9 =	vld.idx.msk [tilespmem:v9+s4+$0x0], $0xffff  }
0x211: {  	v2 =	vadd.f32 v3, v2;
	v3 =	vmul.f32 v11, v5;
	v5 =	vld [tilespmem:$0x1FCF0]  }
0x212: {  	v11 =	vld [tilespmem:$0x1FE70];
	_ =	sdelay $0x2  }
0x213: {  	v2 =	vadd.f32 v3, v2;
	v3 =	vmul.f32 v12, v6;
	v6 =	vld [tilespmem:$0x1FD00]  }
0x214: {  	v12 =	vld [tilespmem:$0x1FE80]  }
0x215: {  	v2 =	vadd.f32 v3, v2;
	v3 =	vmul.f32 v9, v8;
	v8 =	vld [tilespmem:$0x1FD10]  }
0x216: {  	v9 =	vld [tilespmem:$0x1FE90]  }
0x217: {  	v5 =	vld.idx.msk [tilespmem:v5+s23+$0x0], $0xffff  }
0x218: {  	v11 =	vld.idx.msk [tilespmem:v11+s4+$0x0], $0xffff;
	_ =	sdelay $0x2  }
0x219: {  	v6 =	vld.idx.msk [tilespmem:v6+s23+$0x0], $0xffff  }
0x21a: {  	v12 =	vld.idx.msk [tilespmem:v12+s4+$0x0], $0xffff  }
0x21b: {  	v2 =	vadd.f32 v3, v2;
	v3 =	vmul.f32 v11, v5;
	v5 =	vld [tilespmem:$0x1FD20]  }
0x21c: {  	v11 =	vld [tilespmem:$0x1FEA0]  }
0x21d: {  	v8 =	vld.idx.msk [tilespmem:v8+s23+$0x0], $0xffff  }
0x21e: {  	v9 =	vld.idx.msk [tilespmem:v9+s4+$0x0], $0xffff  }
0x21f: {  	v2 =	vadd.f32 v3, v2;
	v3 =	vmul.f32 v12, v6;
	v6 =	vld [tilespmem:$0x1FD30]  }
0x220: {  	v12 =	vld [tilespmem:$0x1FEB0];
	_ =	sdelay $0x2  }
0x221: {  	v5 =	vld.idx.msk [tilespmem:v5+s23+$0x0], $0xffff  }
0x222: {  	v11 =	vld.idx.msk [tilespmem:v11+s4+$0x0], $0xffff  }
0x223: {  	v2 =	vadd.f32 v3, v2;
	v3 =	vmul.f32 v9, v8;
	v8 =	vld [tilespmem:$0x1FD40]  }
0x224: {  	v9 =	vld [tilespmem:$0x1FEC0]  }
0x225: {  	v6 =	vld.idx.msk [tilespmem:v6+s23+$0x0], $0xffff  }
0x226: {  	v12 =	vld.idx.msk [tilespmem:v12+s4+$0x0], $0xffff  }
0x227: {  	v2 =	vadd.f32 v3, v2;
	v3 =	vmul.f32 v11, v5;
	v5 =	vld [tilespmem:$0x1FD50]  }
0x228: {  	v11 =	vld [tilespmem:$0x1FED0];
	_ =	sdelay $0x2  }
0x229: {  	v8 =	vld.idx.msk [tilespmem:v8+s23+$0x0], $0xffff  }
0x22a: {  	v2 =	vadd.f32 v3, v2;
	v3 =	vmul.f32 v12, v6;
	v6 =	vld [tilespmem:$0x1FD60]  }
0x22b: {  	v9 =	vld.idx.msk [tilespmem:v9+s4+$0x0], $0xffff  }
0x22c: {  	v12 =	vld [tilespmem:$0x1FEE0]  }
0x22d: {  	v5 =	vld.idx.msk [tilespmem:v5+s23+$0x0], $0xffff  }
0x22e: {  	v11 =	vld.idx.msk [tilespmem:v11+s4+$0x0], $0xffff;
	_ =	sdelay $0x1  }
0x22f: {  	v2 =	vadd.f32 v3, v2;
	v3 =	vmul.f32 v9, v8;
	v8 =	vld [tilespmem:$0x1FD70]  }
0x230: {  	v9 =	vld [tilespmem:$0x1FEF0]  }
0x231: {  	v6 =	vld.idx.msk [tilespmem:v6+s23+$0x0], $0xffff  }
0x232: {  	v2 =	vadd.f32 v3, v2;
	v3 =	vmul.f32 v11, v5;
	v5 =	vld [tilespmem:$0x1FD80]  }
0x233: {  	v11 =	vld [tilespmem:$0x1FF00]  }
0x234: {  	v12 =	vld.idx.msk [tilespmem:v12+s4+$0x0], $0xffff;
	_ =	sdelay $0x2  }
0x235: {  	v8 =	vld.idx.msk [tilespmem:v8+s23+$0x0], $0xffff  }
0x236: {  	v9 =	vld.idx.msk [tilespmem:v9+s4+$0x0], $0xffff  }
0x237: {  	v2 =	vadd.f32 v3, v2;
	v3 =	vmul.f32 v12, v6;
	v6 =	vld [tilespmem:$0x1FD90]  }
0x238: {  	v5 =	vld.idx.msk [tilespmem:v5+s23+$0x0], $0xffff  }
0x239: {  	v11 =	vld.idx.msk [tilespmem:v11+s4+$0x0], $0xffff  }
0x23a: {  	v12 =	vld [tilespmem:$0x1FF10];
	_ =	sdelay $0x1  }
0x23b: {  	v2 =	vadd.f32 v3, v2;
	v3 =	vmul.f32 v9, v8;
	_ =	sdelay $0x1  }
0x23c: {  	v2 =	vadd.f32 v3, v2;
	v3 =	vmul.f32 v11, v5;
	v5 =	vld [tilespmem:$0x1FC00];
	_ =	sdelay $0x2  }
0x23d: {  	v6 =	vld.idx.msk [tilespmem:v6+s23+$0x0], $0xffff  }
0x23e: {  	v12 =	vld.idx.msk [tilespmem:v12+s4+$0x0], $0xffff;
	_ =	sdelay $0x3  }
0x23f: {  	vm0 =	vcmask $0xB00;
	vm14 =	vcmask $0x1F0C;
	v5 =	vld.idx.msk [tilespmem:v5+s5+$0x0], $0xffff  }
0x240: {  	v8 =	vld [tilespmem:$0x1FF20];
	v2 =	vadd.f32 v3, v2;
	v3 =	vmul.f32 v12, v6;
	v6 =	vsel vm0, $0x300, v63  }
0x241: {  	vm12 =	vcmask $0x3320;
	v11 =	vld [tilespmem:$0x1FF30];
	v6 =	vsel vm14, $0x380, v6  }
0x242: {  	v2 =	vadd.f32 v3, v2;
	v3 =	vsel vm12, $0x400, v6  }
0x243: {  	v6 =	vsel vm0, $0x301, v0  }
0x244: {  	v6 =	vsel vm14, $0x381, v6;
	v2 =	vadd.f32 v2, v5  }
0x245: {  	v5 =	vsel vm12, $0x401, v6  }
0x246: {  	v14 =	vld [tilespmem:$0x1FF40];
	[tilespmem:$0xC90] =	vst v2  }
0x247: {  	v3 =	vld.idx.msk [tilespmem:v3+s23+$0x0], $0xffff  }
0x248: {  	v8 =	vld.idx.msk [tilespmem:v8+s4+$0x0], $0xffff  }
0x249: {  	v11 =	vld.idx.msk [tilespmem:v11+s4+$0x0], $0xffff  }
0x24a: {  	v6 =	vsel vm0, $0x302, v4;
	v5 =	vld.idx.msk [tilespmem:v5+s23+$0x0], $0xffff  }
0x24b: {  	v6 =	vsel vm14, $0x382, v6  }
0x24c: {  	v15 =	vsel vm0, $0x306, v16;
	v2 =	vsel vm12, $0x402, v6  }
0x24d: {  	v6 =	vsel vm0, $0x303, v7;
	v3 =	vmul.f32 v8, v3;
	v8 =	vsel vm14, $0x386, v15;
	v15 =	vld [tilespmem:$0x1FF50]  }
0x24e: {  	v17 =	vsel vm0, $0x307, v19;
	v9 =	vsel vm0, $0x304, v10;
	v6 =	vsel vm14, $0x383, v6  }
0x24f: {  	v6 =	vsel vm12, $0x403, v6;
	v5 =	vmul.f32 v11, v5;
	v11 =	vsel vm14, $0x387, v17;
	v17 =	vld [tilespmem:$0x1FF60]  }
0x250: {  	v9 =	vsel vm14, $0x384, v9  }
0x251: {  	v9 =	vsel vm12, $0x404, v9  }
0x252: {  	v14 =	vld.idx.msk [tilespmem:v14+s4+$0x0], $0xffff  }
0x253: {  	v2 =	vld.idx.msk [tilespmem:v2+s23+$0x0], $0xffff  }
0x254: {  	v6 =	vld.idx.msk [tilespmem:v6+s23+$0x0], $0xffff  }
0x255: {  	v15 =	vld.idx.msk [tilespmem:v15+s4+$0x0], $0xffff  }
0x256: {  	v9 =	vld.idx.msk [tilespmem:v9+s23+$0x0], $0xffff;
	v3 =	vadd.f32 $0.0e+00, v3  }
0x257: {  	v17 =	vld.idx.msk [tilespmem:v17+s4+$0x0], $0xffff  }
0x258: {  	v12 =	vsel vm0, $0x305, v13;
	v3 =	vadd.f32 v5, v3;
	v2 =	vmul.f32 v14, v2;
	v14 =	vld [tilespmem:$0x1FF70]  }
0x259: {  	v12 =	vsel vm14, $0x385, v12  }
0x25a: {  	v12 =	vsel vm12, $0x405, v12;
	v2 =	vadd.f32 v2, v3;
	v3 =	vmul.f32 v15, v6;
	v15 =	vld [tilespmem:$0x1FF80];
	_ =	sdelay $0x1  }
0x25b: {  	v8 =	vsel vm12, $0x406, v8;
	v2 =	vadd.f32 v3, v2;
	v3 =	vmul.f32 v17, v9;
	v17 =	vld [tilespmem:$0x1FF90];
	_ =	sdelay $0x1  }
0x25c: {  	v11 =	vsel vm12, $0x407, v11  }
0x25d: {  	v5 =	vld.idx.msk [tilespmem:v12+s23+$0x0], $0xffff  }
0x25e: {  	v14 =	vld.idx.msk [tilespmem:v14+s4+$0x0], $0xffff  }
0x25f: {  	v6 =	vld.idx.msk [tilespmem:v8+s23+$0x0], $0xffff  }
0x260: {  	v15 =	vld.idx.msk [tilespmem:v15+s4+$0x0], $0xffff  }
0x261: {  	v9 =	vld.idx.msk [tilespmem:v11+s23+$0x0], $0xffff  }
0x262: {  	v17 =	vld.idx.msk [tilespmem:v17+s4+$0x0], $0xffff  }
0x263: {  	v18 =	vsel vm0, $0x308, v22;
	v2 =	vadd.f32 v3, v2;
	v3 =	vmul.f32 v14, v5;
	v14 =	vld [tilespmem:$0x1FFA0]  }
0x264: {  	v12 =	vsel vm14, $0x388, v18;
	v18 =	vsel vm0, $0x309, v25  }
0x265: {  	v12 =	vsel vm12, $0x408, v12;
	v2 =	vadd.f32 v3, v2;
	v3 =	vmul.f32 v15, v6;
	v15 =	vld [tilespmem:$0x1FFB0]  }
0x266: {  	v8 =	vsel vm14, $0x389, v18;
	v18 =	vsel vm0, $0x30A, v28  }
0x267: {  	v8 =	vsel vm12, $0x409, v8;
	v2 =	vadd.f32 v3, v2;
	v3 =	vmul.f32 v17, v9;
	v17 =	vld [tilespmem:$0x1FFC0]  }
0x268: {  	v11 =	vsel vm14, $0x38A, v18  }
0x269: {  	v11 =	vsel vm12, $0x40A, v11  }
0x26a: {  	v5 =	vld.idx.msk [tilespmem:v12+s23+$0x0], $0xffff  }
0x26b: {  	v14 =	vld.idx.msk [tilespmem:v14+s4+$0x0], $0xffff  }
0x26c: {  	v6 =	vld.idx.msk [tilespmem:v8+s23+$0x0], $0xffff  }
0x26d: {  	v15 =	vld.idx.msk [tilespmem:v15+s4+$0x0], $0xffff  }
0x26e: {  	v9 =	vld.idx.msk [tilespmem:v11+s23+$0x0], $0xffff  }
0x26f: {  	v17 =	vld.idx.msk [tilespmem:v17+s4+$0x0], $0xffff  }
0x270: {  	v18 =	vsel vm0, $0x30B, v31;
	v2 =	vadd.f32 v3, v2;
	v3 =	vmul.f32 v14, v5;
	v14 =	vld [tilespmem:$0x1FFD0]  }
0x271: {  	v12 =	vsel vm14, $0x38B, v18;
	v18 =	vsel vm0, $0x30C, v34  }
0x272: {  	v12 =	vsel vm12, $0x40B, v12;
	v2 =	vadd.f32 v3, v2;
	v3 =	vmul.f32 v15, v6;
	v15 =	vld [tilespmem:$0x1FFE0]  }
0x273: {  	v8 =	vsel vm14, $0x38C, v18;
	v18 =	vsel vm0, $0x30D, v37  }
0x274: {  	v8 =	vsel vm12, $0x40C, v8;
	v2 =	vadd.f32 v3, v2;
	v3 =	vmul.f32 v17, v9;
	v17 =	vld [tilespmem:$0x1FFF0]  }
0x275: {  	v11 =	vsel vm14, $0x38D, v18  }
0x276: {  	v18 =	vsel vm0, $0x30E, v40;
	v11 =	vsel vm12, $0x40D, v11  }
0x277: {  	v5 =	vld.idx.msk [tilespmem:v12+s23+$0x0], $0xffff;
	v12 =	vsel vm14, $0x38E, v18  }
0x278: {  	v18 =	vsel vm0, $0x30F, v43;
	v12 =	vsel vm12, $0x40E, v12;
	v14 =	vld.idx.msk [tilespmem:v14+s4+$0x0], $0xffff  }
0x279: {  	v6 =	vld.idx.msk [tilespmem:v8+s23+$0x0], $0xffff;
	v8 =	vsel vm14, $0x38F, v18  }
0x27a: {  	v18 =	vsel vm0, $0x310, v46;
	v8 =	vsel vm12, $0x40F, v8;
	v15 =	vld.idx.msk [tilespmem:v15+s4+$0x0], $0xffff  }
0x27b: {  	v9 =	vld.idx.msk [tilespmem:v11+s23+$0x0], $0xffff;
	v11 =	vsel vm14, $0x390, v18  }
0x27c: {  	v18 =	vsel vm0, $0x311, v48;
	v11 =	vsel vm12, $0x410, v11;
	v17 =	vld.idx.msk [tilespmem:v17+s4+$0x0], $0xffff  }
0x27d: {  	v2 =	vadd.f32 v3, v2;
	v3 =	vmul.f32 v14, v5;
	v5 =	vld.idx.msk [tilespmem:v12+s23+$0x0], $0xffff;
	v12 =	vsel vm14, $0x391, v18  }
0x27e: {  	v14 =	vld.idx.msk [tilespmem:v56+s4+$0x0], $0xffff;
	v18 =	vsel vm0, $0x312, v51;
	v12 =	vsel vm12, $0x411, v12  }
0x27f: {  	v2 =	vadd.f32 v3, v2;
	v3 =	vmul.f32 v15, v6;
	v6 =	vld.idx.msk [tilespmem:v8+s23+$0x0], $0xffff;
	v8 =	vsel vm14, $0x392, v18  }
0x280: {  	v15 =	vld.idx.msk [tilespmem:v57+s4+$0x0], $0xffff;
	v8 =	vsel vm12, $0x412, v8  }
0x281: {  	v2 =	vadd.f32 v3, v2;
	v3 =	vmul.f32 v17, v9;
	v9 =	vld.idx.msk [tilespmem:v11+s23+$0x0], $0xffff;
	v11 =	vsel vm0, $0x313, v52  }
0x282: {  	v17 =	vld.idx.msk [tilespmem:v58+s4+$0x0], $0xffff;
	v11 =	vsel vm14, $0x393, v11  }
0x283: {  	v2 =	vadd.f32 v3, v2;
	v3 =	vmul.f32 v14, v5;
	v5 =	vld.idx.msk [tilespmem:v12+s23+$0x0], $0xffff;
	v11 =	vsel vm12, $0x413, v11  }
0x284: {  	v12 =	vld.idx.msk [tilespmem:v59+s4+$0x0], $0xffff  }
0x285: {  	v2 =	vadd.f32 v3, v2;
	v3 =	vmul.f32 v15, v6;
	v6 =	vld.idx.msk [tilespmem:v8+s23+$0x0], $0xffff  }
0x286: {  	v8 =	vld.idx.msk [tilespmem:v60+s4+$0x0], $0xffff  }
0x287: {  	v2 =	vadd.f32 v3, v2;
	v3 =	vmul.f32 v17, v9  }
0x288: {  	v9 =	vld.idx.msk [tilespmem:v11+s23+$0x0], $0xffff  }
0x289: {  	v2 =	vadd.f32 v3, v2;
	v3 =	vmul.f32 v12, v5;
	v5 =	vld.idx.msk [tilespmem:v61+s4+$0x0], $0xffff;
	_ =	sdelay $0x1  }
0x28a: {  	v2 =	vadd.f32 v3, v2;
	v3 =	vmul.f32 v8, v6;
	v6 =	vimm.s32 $0x180;
	v8 =	vld [tilespmem:$0x1FC10]  }
0x28b: {  	v6 =	vsel vm2, $0x200, v6  }
0x28c: {  	v2 =	vadd.f32 v3, v2;
	v3 =	vsel vm1, $0x0, v6;
	v6 =	vimm.s32 $0x181  }
0x28d: {  	v5 =	vmul.f32 v5, v9;
	v3 =	vsel vm5, $0x80, v3;
	v6 =	vsel vm2, $0x201, v6  }
0x28e: {  	v3 =	vsel vm3, $0x100, v3;
	v6 =	vsel vm1, $0x1, v6  }
0x28f: {  	v2 =	vadd.f32 v5, v2;
	v3 =	vsel vm4, $0x200, v3;
	v5 =	vsel vm5, $0x81, v6  }
0x290: {  	v6 =	vimm.s32 $0x182;
	v3 =	vsel vm7, $0x0, v3;
	v5 =	vsel vm3, $0x101, v5  }
0x291: {  	v6 =	vsel vm2, $0x202, v6;
	v3 =	vsel vm13, $0x80, v3;
	v5 =	vsel vm4, $0x201, v5  }
0x292: {  	v6 =	vsel vm1, $0x2, v6;
	v8 =	vld.idx.msk [tilespmem:v8+s5+$0x0], $0xffff;
	v3 =	vsel vm8, $0x100, v3;
	v5 =	vsel vm7, $0x1, v5  }
0x293: {  	v6 =	vsel vm5, $0x82, v6;
	v3 =	vsel vm10, $0x200, v3;
	v5 =	vsel vm13, $0x81, v5  }
0x294: {  	v6 =	vsel vm3, $0x102, v6;
	v3 =	vsel vm9, $0x0, v3;
	v5 =	vsel vm8, $0x101, v5  }
0x295: {  	v6 =	vsel vm4, $0x202, v6;
	v3 =	vsel vm6, $0x80, v3;
	v5 =	vsel vm10, $0x201, v5  }
0x296: {  	v6 =	vsel vm7, $0x2, v6;
	v3 =	vsel vm11, $0x100, v3;
	v5 =	vsel vm9, $0x1, v5  }
0x297: {  	v6 =	vsel vm13, $0x82, v6;
	v2 =	vadd.f32 v2, v8;
	v5 =	vsel vm6, $0x81, v5  }
0x298: {  	v6 =	vsel vm8, $0x102, v6;
	v5 =	vsel vm11, $0x101, v5  }
0x299: {  	v6 =	vsel vm10, $0x202, v6;
	[tilespmem:$0xCA0] =	vst v2  }
0x29a: {  	v2 =	vsel vm9, $0x2, v6;
	v6 =	vld.idx.msk [tilespmem:v63+s23+$0x0], $0xffff  }
0x29b: {  	v12 =	vimm.s32 $0x188;
	v2 =	vsel vm6, $0x82, v2;
	v3 =	vld.idx.msk [tilespmem:v3+s4+$0x0], $0xffff  }
0x29c: {  	v12 =	vsel vm2, $0x208, v12;
	v9 =	vimm.s32 $0x183;
	v8 =	vld.idx.msk [tilespmem:v0+s23+$0x0], $0xffff;
	v2 =	vsel vm11, $0x102, v2  }
0x29d: {  	v14 =	vimm.s32 $0x189;
	v12 =	vsel vm1, $0x8, v12;
	v9 =	vsel vm2, $0x203, v9;
	v5 =	vld.idx.msk [tilespmem:v5+s4+$0x0], $0xffff  }
0x29e: {  	v14 =	vsel vm2, $0x209, v14;
	v12 =	vsel vm5, $0x88, v12;
	v9 =	vsel vm1, $0x3, v9  }
0x29f: {  	v14 =	vsel vm1, $0x9, v14;
	v12 =	vsel vm3, $0x108, v12;
	v9 =	vsel vm5, $0x83, v9  }
0x2a0: {  	v11 =	vld.idx.msk [tilespmem:v4+s23+$0x0], $0xffff;
	v3 =	vmul.f32 v3, v6;
	v6 =	vsel vm3, $0x103, v9;
	v9 =	vimm.s32 $0x186  }
0x2a1: {  	v12 =	vsel vm4, $0x208, v12;
	v2 =	vld.idx.msk [tilespmem:v2+s4+$0x0], $0xffff;
	v6 =	vsel vm4, $0x203, v6;
	v9 =	vsel vm2, $0x206, v9  }
0x2a2: {  	v3 =	vadd.f32 $0.0e+00, v3;
	v5 =	vmul.f32 v5, v8;
	v6 =	vsel vm7, $0x3, v6  }
0x2a3: {  	v8 =	vimm.s32 $0x184;
	v9 =	vsel vm1, $0x6, v9;
	v6 =	vsel vm13, $0x83, v6  }
0x2a4: {  	v8 =	vsel vm2, $0x204, v8;
	v9 =	vsel vm5, $0x86, v9;
	v3 =	vadd.f32 v5, v3  }
0x2a5: {  	v5 =	vsel vm8, $0x103, v6;
	v6 =	vsel vm1, $0x4, v8;
	v8 =	vimm.s32 $0x185  }
0x2a6: {  	v9 =	vsel vm3, $0x106, v9;
	v2 =	vmul.f32 v2, v11;
	v5 =	vsel vm10, $0x203, v5  }
0x2a7: {  	v6 =	vsel vm5, $0x84, v6;
	v8 =	vsel vm2, $0x205, v8;
	v9 =	vsel vm4, $0x206, v9  }
0x2a8: {  	v11 =	vimm.s32 $0x187;
	v5 =	vsel vm9, $0x3, v5;
	v6 =	vsel vm3, $0x104, v6  }
0x2a9: {  	v8 =	vsel vm1, $0x5, v8;
	v9 =	vsel vm7, $0x6, v9;
	v11 =	vsel vm2, $0x207, v11  }
0x2aa: {  	v5 =	vsel vm6, $0x83, v5;
	v6 =	vsel vm4, $0x204, v6;
	v8 =	vsel vm5, $0x85, v8  }
0x2ab: {  	v9 =	vsel vm13, $0x86, v9;
	v11 =	vsel vm1, $0x7, v11;
	v5 =	vsel vm11, $0x103, v5  }
0x2ac: {  	v6 =	vsel vm7, $0x4, v6;
	v8 =	vsel vm3, $0x105, v8;
	v9 =	vsel vm8, $0x106, v9  }
0x2ad: {  	v11 =	vsel vm5, $0x87, v11;
	v6 =	vsel vm13, $0x84, v6;
	v8 =	vsel vm4, $0x205, v8  }
0x2ae: {  	v9 =	vsel vm10, $0x206, v9;
	v6 =	vsel vm8, $0x104, v6;
	v8 =	vsel vm7, $0x5, v8  }
0x2af: {  	v11 =	vsel vm3, $0x107, v11;
	v6 =	vsel vm10, $0x204, v6;
	v8 =	vsel vm13, $0x85, v8  }
0x2b0: {  	v11 =	vsel vm4, $0x207, v11;
	v6 =	vsel vm9, $0x4, v6;
	v8 =	vsel vm8, $0x105, v8  }
0x2b1: {  	v11 =	vsel vm7, $0x7, v11;
	v6 =	vsel vm6, $0x84, v6;
	v8 =	vsel vm10, $0x205, v8  }
0x2b2: {  	v11 =	vsel vm13, $0x87, v11;
	v6 =	vsel vm11, $0x104, v6;
	v8 =	vsel vm9, $0x5, v8  }
0x2b3: {  	v9 =	vsel vm9, $0x6, v9;
	v11 =	vsel vm8, $0x107, v11;
	v8 =	vsel vm6, $0x85, v8  }
0x2b4: {  	v15 =	vld.idx.msk [tilespmem:v7+s23+$0x0], $0xffff;
	v9 =	vsel vm6, $0x86, v9;
	v11 =	vsel vm10, $0x207, v11;
	v8 =	vsel vm11, $0x105, v8  }
0x2b5: {  	v12 =	vsel vm7, $0x8, v12;
	v9 =	vsel vm11, $0x106, v9;
	v5 =	vld.idx.msk [tilespmem:v5+s4+$0x0], $0xffff;
	v11 =	vsel vm9, $0x7, v11  }
0x2b6: {  	v14 =	vsel vm5, $0x89, v14;
	v12 =	vsel vm13, $0x88, v12;
	v17 =	vld.idx.msk [tilespmem:v10+s23+$0x0], $0xffff;
	v11 =	vsel vm6, $0x87, v11  }
0x2b7: {  	v14 =	vsel vm3, $0x109, v14;
	v12 =	vsel vm8, $0x108, v12;
	v11 =	vsel vm11, $0x107, v11;
	v6 =	vld.idx.msk [tilespmem:v6+s4+$0x0], $0xffff  }
0x2b8: {  	v14 =	vsel vm4, $0x209, v14;
	v12 =	vsel vm10, $0x208, v12;
	v18 =	vld.idx.msk [tilespmem:v13+s23+$0x0], $0xffff  }
0x2b9: {  	v14 =	vsel vm7, $0x9, v14;
	v2 =	vadd.f32 v2, v3;
	v3 =	vld.idx.msk [tilespmem:v8+s4+$0x0], $0xffff;
	v8 =	vsel vm9, $0x8, v12  }
0x2ba: {  	v9 =	vld.idx.msk [tilespmem:v9+s4+$0x0], $0xffff;
	v5 =	vmul.f32 v5, v15;
	v12 =	vsel vm13, $0x89, v14;
	v8 =	vsel vm6, $0x88, v8  }
0x2bb: {  	v14 =	vld.idx.msk [tilespmem:v16+s23+$0x0], $0xffff;
	v12 =	vsel vm8, $0x109, v12;
	v8 =	vsel vm11, $0x108, v8  }
0x2bc: {  	v2 =	vadd.f32 v5, v2;
	v11 =	vld.idx.msk [tilespmem:v11+s4+$0x0], $0xffff;
	v12 =	vsel vm10, $0x209, v12;
	v5 =	vmul.f32 v6, v17  }
0x2bd: {  	v6 =	vld.idx.msk [tilespmem:v19+s23+$0x0], $0xffff;
	v12 =	vsel vm9, $0x9, v12  }
0x2be: {  	v12 =	vsel vm6, $0x89, v12;
	v2 =	vadd.f32 v5, v2;
	v3 =	vmul.f32 v3, v18  }
0x2bf: {  	v5 =	vsel vm11, $0x109, v12;
	v12 =	vld.idx.msk [tilespmem:v22+s23+$0x0], $0xffff  }
0x2c0: {  	v2 =	vadd.f32 v3, v2;
	v3 =	vmul.f32 v9, v14;
	v8 =	vld.idx.msk [tilespmem:v8+s4+$0x0], $0xffff  }
0x2c1: {  	v9 =	vimm.s32 $0x18A  }
0x2c2: {  	v9 =	vsel vm2, $0x20A, v9;
	v2 =	vadd.f32 v3, v2;
	v3 =	vmul.f32 v11, v6  }
0x2c3: {  	v15 =	vmov s23;
	v6 =	vld.idx.msk [tilespmem:v25+s23+$0x0], $0xffff;
	v9 =	vsel vm1, $0xA, v9  }
0x2c4: {  	vm0 =	veq.s32 v15, v53;
	v5 =	vld.idx.msk [tilespmem:v5+s4+$0x0], $0xffff;
	v2 =	vadd.f32 v3, v2;
	v3 =	vsel vm5, $0x8A, v9  }
0x2c5: {  	v9 =	vimm.s32 $0x18B;
	v8 =	vmul.f32 v8, v12;
	v3 =	vsel vm3, $0x10A, v3  }
0x2c6: {  	v9 =	vsel vm2, $0x20B, v9;
	v12 =	vimm.s32 $0x18D;
	v3 =	vsel vm4, $0x20A, v3  }
0x2c7: {  	v9 =	vsel vm1, $0xB, v9;
	v12 =	vsel vm2, $0x20D, v12;
	v8 =	vadd.f32 v8, v2  }
0x2c8: {  	v2 =	vsel vm7, $0xA, v3;
	v3 =	vsel vm5, $0x8B, v9;
	v12 =	vsel vm1, $0xD, v12  }
0x2c9: {  	v5 =	vmul.f32 v5, v6;
	v2 =	vsel vm13, $0x8A, v2;
	v3 =	vsel vm3, $0x10B, v3  }
0x2ca: {  	v6 =	vimm.s32 $0x18C;
	v12 =	vsel vm5, $0x8D, v12;
	v2 =	vsel vm8, $0x10A, v2  }
0x2cb: {  	v3 =	vsel vm4, $0x20B, v3;
	v6 =	vsel vm2, $0x20C, v6;
	v12 =	vsel vm3, $0x10D, v12  }
0x2cc: {  	v2 =	vsel vm10, $0x20A, v2;
	v3 =	vsel vm7, $0xB, v3;
	v6 =	vsel vm1, $0xC, v6  }
0x2cd: {  	v2 =	vsel vm9, $0xA, v2;
	v3 =	vsel vm13, $0x8B, v3;
	v6 =	vsel vm5, $0x8C, v6  }
0x2ce: {  	v2 =	vsel vm6, $0x8A, v2;
	v3 =	vsel vm8, $0x10B, v3;
	v6 =	vsel vm3, $0x10C, v6  }
0x2cf: {  	v9 =	vsel vm11, $0x10A, v2;
	v2 =	vsel vm10, $0x20B, v3;
	v3 =	vsel vm4, $0x20C, v6  }
0x2d0: {  	v6 =	vsel vm9, $0xB, v2;
	v3 =	vsel vm7, $0xC, v3;
	v2 =	vor.u32 s23, v53  }
0x2d1: {  	v12 =	vsel vm4, $0x20D, v12;
	v3 =	vsel vm13, $0x8C, v3;
	v11 =	vmulhi.u32 $0xCCCCCCCD, v2  }
0x2d2: {  	v5 =	vadd.f32 v5, v8;
	v12 =	vsel vm7, $0xD, v12;
	v3 =	vsel vm8, $0x10C, v3  }
0x2d3: {  	v6 =	vsel vm6, $0x8B, v6;
	v3 =	vsel vm10, $0x20C, v3;
	v11 =	vshrl.u32 v11, $0x3  }
0x2d4: {  	vm6 =	vcmask $0x3734;
	v3 =	vsel vm9, $0xC, v3;
	v14 =	vmul.u32 $0xFFFFFFF6, v11  }
0x2d5: {  	v17 =	vsub.s32 $0x0, v2;
	v6 =	vsel vm11, $0x10B, v6;
	v3 =	vsel vm6, $0x8C, v3  }
0x2d6: {  	vm14 =	vne.s32 v14, v17;
	v14 =	vsel vm11, $0x10C, v3;
	v3 =	vsel vm13, $0x8D, v12  }
0x2d7: {  	vm0 =	vmand vm0, vm14;
	v15 =	vsel vm8, $0x10D, v3;
	v3 =	vimm.s32 $0x18E  }
0x2d8: {  	v12 =	vsel vm0, $0xFFFFFFFF, v1;
	v17 =	vsel vm2, $0x20E, v3;
	vm0 =	vcmask $0x3734  }
0x2d9: {  	v3 =	vadd.s32 v12, v11;
	v11 =	vsel vm10, $0x20D, v15;
	v12 =	vsel vm1, $0xE, v17  }
0x2da: {  	v15 =	vimm.s32 $0x18F;
	(v2sf) =	vpush v3, $0x7;
	v11 =	vsel vm9, $0xD, v11  }
0x2db: {  	v9 =	vld.idx.msk [tilespmem:v9+s4+$0x0], $0xffff;
	v12 =	vsel vm5, $0x8E, v12;
	v15 =	vsel vm2, $0x20F, v15;
	(v2sf) =	vpush v3, $0x0  }
0x2dc: {  	v17 =	vld.idx.msk [tilespmem:v28+s23+$0x0], $0xffff;
	v12 =	vsel vm3, $0x10E, v12;
	v15 =	vsel vm1, $0xF, v15;
	v11 =	vsel vm0, $0x8D, v11  }
0x2dd: {  	vm0 =	vcmask $0x3734;
	(v2sf) =	vpush v3, $0x1;
	v12 =	vsel vm4, $0x20E, v12  }
0x2de: {  	v15 =	vsel vm5, $0x8F, v15;
	v11 =	vsel vm11, $0x10D, v11;
	v12 =	vsel vm7, $0xE, v12  }
0x2df: {  	(v2sf) =	vpush v3, $0x2;
	v15 =	vsel vm3, $0x10F, v15;
	v12 =	vsel vm13, $0x8E, v12  }
0x2e0: {  	v18 =	vld.idx.msk [tilespmem:v31+s23+$0x0], $0xffff;
	(v2sf) =	vpush v3, $0x3;
	v15 =	vsel vm4, $0x20F, v15;
	v12 =	vsel vm8, $0x10E, v12  }
0x2e1: {  	v6 =	vld.idx.msk [tilespmem:v6+s4+$0x0], $0xffff;
	v9 =	vmul.f32 v9, v17;
	v15 =	vsel vm7, $0xF, v15;
	v12 =	vsel vm10, $0x20E, v12  }
0x2e2: {  	(v2sf) =	vpush v3, $0x4;
	v15 =	vsel vm13, $0x8F, v15;
	v12 =	vsel vm9, $0xE, v12  }
0x2e3: {  	v20 =	vld.idx.msk [tilespmem:v34+s23+$0x0], $0xffff;
	(v2sf) =	vpush v3, $0xC;
	v15 =	vsel vm8, $0x10F, v15;
	v12 =	vsel vm0, $0x8E, v12  }
0x2e4: {  	v8 =	vld.idx.msk [tilespmem:v14+s4+$0x0], $0xffff;
	(v2sf) =	vpush v3, $0xD;
	v14 =	vsel vm10, $0x20F, v15;
	v12 =	vsel vm11, $0x10E, v12  }
0x2e5: {  	v11 =	vld.idx.msk [tilespmem:v11+s4+$0x0], $0xffff;
	vm0 =	vcmask $0x3734;
	v14 =	vsel vm9, $0xF, v14  }
0x2e6: {  	v6 =	vmul.f32 v6, v18;
	v5 =	vadd.f32 v9, v5;
	v15 =	vld.idx.msk [tilespmem:v37+s23+$0x0], $0xffff;
	v14 =	vsel vm0, $0x8F, v14  }
0x2e7: {  	(v2sf) =	vpush v3, $0x8;
	v9 =	vsel vm11, $0x10F, v14  }
0x2e8: {  	v5 =	vadd.f32 v6, v5;
	v14 =	vld.idx.msk [tilespmem:v40+s23+$0x0], $0xffff  }
0x2e9: {  	v6 =	vmul.f32 v8, v20;
	(v2sf) =	vpush v3, $0x9;
	v8 =	vld.idx.msk [tilespmem:v12+s4+$0x0], $0xffff;
	v12 =	vimm.s32 $0x190  }
0x2ea: {  	vm12 =	vmmov vm1;
	v12 =	vsel vm2, $0x210, v12  }
0x2eb: {  	s22 =	simm.s32 $0x10;
	v5 =	vadd.f32 v6, v5;
	v6 =	vmul.f32 v11, v15;
	v11 =	vld.idx.msk [tilespmem:v43+s23+$0x0], $0xffff;
	s31 =	spop (v2sf);
	v12 =	vsel vm1, $0x10, v12  }
0x2ec: {  	vm6 =	vcmask $0x2B28;
	(v2sf) =	vpush v3, $0xA;
	s11 =	smulhi.u32 $0x66666667, s31;
	s0 =	sshra.s32 s31, $0x1F;
	s7 =	spop (v2sf);
	v9 =	vld.idx.msk [tilespmem:v9+s4+$0x0], $0xffff;
	v12 =	vsel vm5, $0x90, v12  }
0x2ed: {  	vm0 =	vcmask $0x3734;
	v15 =	vmov s22;
	s1 =	smul.u32 $0x66666667, s0;
	s16 =	spop (v2sf);
	v12 =	vsel vm3, $0x110, v12  }
0x2ee: {  	v5 =	vadd.f32 v6, v5;
	s29 =	sshra.s32 s7, $0x1F;
	s12 =	smulhi.u32 $0x66666667, s16;
	v6 =	vsel vm4, $0x210, v12;
	v8 =	vmul.f32 v8, v14  }
0x2ef: {  	s6 =	spop (v2sf);
	(v2sf) =	vpush v3, $0xB;
	s29 =	smul.u32 $0x66666667, s29;
	v12 =	vimm.s32 $0x191;
	v6 =	vsel vm7, $0x10, v6  }
0x2f0: {  	s0 =	sshra.s32 s16, $0x1F;
	s24 =	smulhi.u32 $0x66666667, s6;
	s10 =	spop (v2sf);
	v12 =	vsel vm2, $0x211, v12;
	v6 =	vsel vm13, $0x90, v6;
	v5 =	vadd.f32 v8, v5  }
0x2f1: {  	s6 =	sshra.s32 s6, $0x1F;
	s13 =	smul.u32 $0x66666667, s0;
	s17 =	spop (v2sf);
	v8 =	vsel vm1, $0x11, v12;
	v9 =	vmul.f32 v9, v11;
	v6 =	vsel vm8, $0x110, v6  }
0x2f2: {  	s14 =	smul.u32 $0x66666667, s6;
	s9 =	spop (v2sf);
	v11 =	vimm.s32 $0x193;
	v8 =	vsel vm5, $0x91, v8;
	v6 =	vsel vm10, $0x210, v6  }
0x2f3: {  	s8 =	sshra.s32 s10, $0x1F;
	s10 =	smulhi.u32 $0x66666667, s10;
	s18 =	spop (v2sf);
	(v2sf) =	vpush v3, $0xF;
	v8 =	vsel vm3, $0x111, v8;
	v6 =	vsel vm9, $0x10, v6  }
0x2f4: {  	s16 =	smulhi.u32 $0x66666667, s17;
	v9 =	vadd.f32 v9, v5;
	v5 =	vsel vm0, $0x90, v6;
	v6 =	vsel vm4, $0x211, v8  }
0x2f5: {  	s15 =	smul.u32 $0x66666667, s8;
	v11 =	vsel vm2, $0x213, v11;
	v8 =	vsel vm11, $0x110, v5;
	v5 =	vsel vm7, $0x11, v6  }
0x2f6: {  	s6 =	sshra.s32 s17, $0x1F;
	s8 =	smulhi.u32 $0x66666667, s7;
	s21 =	spop (v2sf);
	(v2sf) =	vpush v3, $0xE;
	v11 =	vsel vm1, $0x13, v11;
	v5 =	vsel vm13, $0x91, v5  }
0x2f7: {  	s17 =	smul.u32 $0x66666667, s6;
	v11 =	vsel vm5, $0x93, v11;
	v6 =	vimm.s32 $0x192;
	v5 =	vsel vm8, $0x111, v5  }
0x2f8: {  	s7 =	smulhi.u32 $0x66666667, s9;
	s25 =	spop (v2sf);
	(v2sf) =	vpush v3, $0x5;
	v6 =	vsel vm2, $0x212, v6;
	v5 =	vsel vm10, $0x211, v5  }
0x2f9: {  	v14 =	vld.idx.msk [tilespmem:v46+s23+$0x0], $0xffff;
	s20 =	smulhi.u32 $0x66666667, s18;
	vm0 =	vcmask $0x3734;
	v6 =	vsel vm1, $0x12, v6;
	v5 =	vsel vm9, $0x11, v5  }
0x2fa: {  	s1 =	sadd.s32 s1, s11;
	s18 =	sshra.s32 s18, $0x1F;
	s30 =	smulhi.u32 $0x66666667, s21;
	v11 =	vsel vm3, $0x113, v11;
	v6 =	vsel vm5, $0x92, v6;
	v12 =	vsel vm0, $0x91, v5;
	v8 =	vld.idx.msk [tilespmem:v8+s4+$0x0], $0xffff  }
0x2fb: {  	s6 =	sshra.s32 s1, $0x1F;
	s14 =	sadd.s32 s14, s24;
	s18 =	smul.u32 $0x66666667, s18;
	v11 =	vsel vm4, $0x213, v11;
	v6 =	vsel vm3, $0x112, v6;
	v12 =	vsel vm11, $0x111, v12  }
0x2fc: {  	s29 =	sadd.s32 s29, s8;
	s21 =	sshra.s32 s21, $0x1F;
	s26 =	smulhi.u32 $0x66666667, s25;
	(v2sf) =	vpush v3, $0x6;
	v11 =	vsel vm7, $0x13, v11;
	v6 =	vsel vm4, $0x212, v6  }
0x2fd: {  	s8 =	sshrl.u32 s14, $0x1F;
	s3 =	sshra.s32 s25, $0x1F;
	s24 =	smul.u32 $0x66666667, s21;
	v11 =	vsel vm13, $0x93, v11;
	v5 =	vor.u32 s22, v53;
	v6 =	vsel vm7, $0x12, v6  }
0x2fe: {  	s13 =	sadd.s32 s13, s12;
	s31 =	spop (v2sf);
	s28 =	smul.u32 $0x66666667, s3;
	v11 =	vsel vm8, $0x113, v11;
	v17 =	vmulhi.u32 $0xCCCCCCCD, v5;
	v6 =	vsel vm13, $0x92, v6  }
0x2ff: {  	s3 =	sadd.s32 s17, s16;
	s16 =	smulhi.u32 $0x66666667, s31;
	s12 =	sshra.s32 s31, $0x1F;
	v11 =	vsel vm10, $0x213, v11;
	v6 =	vsel vm8, $0x112, v6;
	v8 =	vmul.f32 v8, v14;
	v14 =	vld.idx.msk [tilespmem:v48+s23+$0x0], $0xffff  }
0x300: {  	s17 =	smul.u32 $0x66666667, s12;
	s12 =	sadd.s32 s18, s20;
	s18 =	sshra.s32 s13, $0x1F;
	vm0 =	vcmask $0x3734;
	v17 =	vshrl.u32 v17, $0x3;
	v6 =	vsel vm10, $0x212, v6;
	v12 =	vld.idx.msk [tilespmem:v12+s4+$0x0], $0xffff  }
0x301: {  	s20 =	sadd.s32 s24, s30;
	s24 =	sshra.s32 s29, $0x2;
	s11 =	sadd.s32 s28, s26;
	v11 =	vsel vm9, $0x13, v11;
	v18 =	vmul.u32 $0xFFFFFFF6, v17;
	v6 =	vsel vm9, $0x12, v6  }
0x302: {  	s26 =	sshra.s32 s9, $0x1F;
	s9 =	sadd.s32 s15, s10;
	s31 =	sshra.s32 s20, $0x2;
	v20 =	vsub.s32 $0x0, v5;
	v6 =	vsel vm0, $0x92, v6;
	vm0 =	vcmask $0x3734  }
0x303: {  	s15 =	sshra.s32 s14, $0x2;
	s0 =	smul.u32 $0x66666667, s26;
	s25 =	spop (v2sf);
	vm14 =	vne.s32 v18, v20;
	v18 =	vmov s31;
	v6 =	vsel vm11, $0x112, v6  }
0x304: {  	s30 =	sshra.s32 s25, $0x1F;
	s28 =	smulhi.u32 $0x66666667, s25;
	s25 =	sshra.s32 s11, $0x2;
	v11 =	vsel vm0, $0x93, v11;
	vm0 =	veq.s32 v15, v53;
	v15 =	vmov s6  }
0x305: {  	s14 =	sshra.s32 s14, $0x1F;
	s0 =	sadd.s32 s0, s7;
	s7 =	sadd.s32 s17, s16;
	v8 =	vadd.f32 v8, v9;
	v18 =	vsel vm1, s25, v18;
	v12 =	vmul.f32 v12, v14  }
0x306: {  	s10 =	sshrl.u32 s3, $0x1F;
	s20 =	sshrl.u32 s20, $0x1F;
	v11 =	vsel vm11, $0x113, v11;
	vm0 =	vmand vm0, vm14;
	v15 =	vsel vm15, s24, v15;
	s24 =	sshra.s32 s7, $0x2  }
0x307: {  	s26 =	sshra.s32 s29, $0x1F;
	s29 =	sshrl.u32 s29, $0x1F;
	s30 =	smul.u32 $0x66666667, s30;
	v20 =	vsel vm0, $0xFFFFFFFF, v1;
	v8 =	vadd.f32 v12, v8;
	v12 =	vsel vm3, s24, v18;
	v18 =	vld [tilespmem:$0x1FC50]  }
0x308: {  	s22 =	sshra.s32 s13, $0x2;
	s13 =	sshrl.u32 s13, $0x1F;
	s17 =	spop (v2sf);
	vm14 =	vmmov $0xff;
	v15 =	vsel vm2, s26, v15;
	v21 =	vld.idx.msk [tilespmem:v6+s4+$0x0], $0xffff;
	v6 =	vadd.s32 v20, v17  }
0x309: {  	s11 =	sshrl.u32 s11, $0x1F;
	s6 =	sadd.s32 s30, s28;
	v9 =	vld.idx.msk [tilespmem:v51+s23+$0x0], $0xffff;
	s28 =	spop (v2sf);
	vm0 =	vcmask $0x3734;
	v15 =	vsel vm1, s22, v15;
	(v2sf) =	vpush v6, $0x7  }
0x30a: {  	s30 =	rddreg [dreg:$0x6];
	s31 =	smulhi.u32 $0x66666667, s28;
	s16 =	sshra.s32 s28, $0x1F;
	vm1 =	vcmask $0x1714;
	v14 =	vsel vm5, s18, v15;
	v17 =	vld.idx.msk [tilespmem:v52+s23+$0x0], $0xffff;
	(v2sf) =	vpush v6, $0x0  }
0x30b: {  	s28 =	sshra.s32 s9, $0x1F;
	s7 =	sshrl.u32 s7, $0x1F;
	s16 =	smul.u32 $0x66666667, s16;
	v15 =	vmov s20;
	v20 =	vmov s29;
	v11 =	vld.idx.msk [tilespmem:v11+s4+$0x0], $0xffff;
	(v2sf) =	vpush v6, $0x1  }
0x30c: {  	s26 =	smulhi.u32 $0x66666667, s17;
	s17 =	sshra.s32 s17, $0x1F;
	v14 =	vsel vm3, s15, v14;
	v15 =	vsel vm12, s11, v15;
	s4 =	sshra.s32 s0, $0x2;
	(v2sf) =	vpush v6, $0x2  }
0x30d: {  	s22 =	sshrl.u32 s12, $0x1F;
	s17 =	smul.u32 $0x66666667, s17;
	s23 =	sshra.s32 s9, $0x2;
	v14 =	vsel vm1, s14, v14;
	v15 =	vsel vm3, s7, v15;
	v23 =	vmov s4  }
0x30e: {  	s25 =	sadd.s32 s16, s31;
	s29 =	spop (v2sf);
	v14 =	vsel vm4, s23, v14;
	s4 =	sshra.s32 s6, $0x2;
	v9 =	vmul.f32 v21, v9;
	(v2sf) =	vpush v6, $0x3  }
0x30f: {  	s12 =	sshra.s32 s12, $0x2;
	s16 =	sadd.s32 s17, s26;
	s15 =	sshrl.u32 s25, $0x1F;
	v12 =	vsel vm4, s4, v12;
	v14 =	vsel vm7, s28, v14;
	(v2sf) =	vpush v6, $0x4;
	v18 =	vld.idx.msk [tilespmem:v18+s5+$0x0], $0xffff  }
0x310: {  	s26 =	sshra.s32 s3, $0x1F;
	s0 =	sshrl.u32 s0, $0x1F;
	s21 =	spop (v2sf);
	v8 =	vadd.f32 v9, v8;
	v9 =	vmul.f32 v11, v17;
	(v2sf) =	vpush v6, $0xC  }
0x311: {  	s31 =	smulhi.u32 $0x66666667, s29;
	s14 =	sshra.s32 s29, $0x1F;
	s24 =	sshrl.u32 s16, $0x1F;
	v21 =	vsel vm12, s12, v23;
	v17 =	vmov s0;
	(v2sf) =	vpush v6, $0xD  }
0x312: {  	s14 =	smul.u32 $0x66666667, s14;
	s5 =	sshra.s32 s25, $0x2;
	v8 =	vadd.f32 v9, v8;
	v9 =	vsel vm12, s22, v17;
	s25 =	sshra.s32 s3, $0x2;
	(v2sf) =	vpush v6, $0x8  }
0x313: {  	s23 =	smulhi.u32 $0x66666667, s21;
	s6 =	sshrl.u32 s6, $0x1F;
	s0 =	sshra.s32 s21, $0x1F;
	v11 =	vsel vm3, s5, v21;
	v9 =	vsel vm3, s15, v9;
	v14 =	vsel vm13, s25, v14  }
0x314: {  	s9 =	sshrl.u32 s9, $0x1F;
	s12 =	sadd.s32 s14, s31;
	s0 =	smul.u32 $0x66666667, s0;
	v9 =	vsel vm4, s24, v9;
	v17 =	vadd.f32 v8, v18;
	v8 =	vsel vm4, s6, v15  }
0x315: {  	s28 =	sshra.s32 s16, $0x2;
	s31 =	sshrl.u32 s1, $0x1F;
	s29 =	sshra.s32 s12, $0x2;
	v14 =	vsel vm8, s26, v14;
	v15 =	vcombine.low v8, v9;
	v9 =	vnsel vm15, $0x0, v20  }
0x316: {  	s14 =	sshra.s32 s1, $0x2;
	s4 =	sshra.s32 s12, $0x1F;
	s0 =	sadd.s32 s0, s23;
	v11 =	vsel vm4, s28, v11;
	v14 =	vsel vm6, s29, v14;
	v9 =	vsel vm12, s13, v9  }
0x317: {  	s12 =	sshrl.u32 s12, $0x1F;
	s3 =	simm.s32 $0x20;
	s11 =	sshra.s32 s0, $0x2;
	v11 =	vcombine.low v12, v11;
	v14 =	vsel vm10, s4, v14;
	v9 =	vsel vm3, s8, v9  }
0x318: {  	(v2sf) =	vpush v6, $0x9;
	s5 =	sshrl.u32 s0, $0x1F;
	s0 =	sshra.s32 s0, $0x1F;
	v12 =	vsel vm9, s11, v14;
	s17 =	spop (v2sf);
	v9 =	vsel vm4, s9, v9  }
0x319: {  	v11 =	vperm.xlane v11, v62;
	v12 =	vsel vm0, s0, v12;
	s18 =	smulhi.u32 $0x66666667, s17;
	s20 =	sshra.s32 s17, $0x1F;
	s8 =	spop (v2sf);
	v9 =	vsel vm13, s10, v9  }
0x31a: {  	v8 =	vmul.u32 $0xFFFFFFF6, v3;
	v12 =	vsel vm11, s14, v12;
	s16 =	sshra.s32 s8, $0x1F;
	s21 =	smul.u32 $0x66666667, s20;
	s22 =	spop (v2sf);
	v18 =	vsel vm6, s12, v9  }
0x31b: {  	(v2sf) =	vpush v6, $0xA;
	s23 =	smulhi.u32 $0x66666667, s22;
	s24 =	sshra.s32 s22, $0x1F;
	s25 =	spop (v2sf);
	v9 =	vmul.u32 $0x2, v53;
	v14 =	vsel vm9, s5, v18  }
0x31c: {  	v15 =	vperm.xlane v15, v62;
	(v2sf) =	vpush v6, $0xB;
	s10 =	smulhi.u32 $0x66666667, s25;
	s26 =	sshra.s32 s25, $0x1F;
	s1 =	sadd.s32 s21, s18;
	v14 =	vsel vm11, s31, v14  }
0x31d: {  	s28 =	smul.u32 $0x66666667, s24;
	s21 =	spop (v2sf);
	vm6 =	vmmov vm7;
	s29 =	sshra.s32 s1, $0x1F;
	v18 =	vperm.xlane v12, v9;
	v14 =	vperm.xlane v14, v9  }
0x31e: {  	vm7 =	vmmov vm5;
	s6 =	smul.u32 $0x66666667, s26;
	s9 =	sshra.s32 s21, $0x1F;
	v12 =	vmov s29;
	s31 =	spop (v2sf);
	(v2sf) =	vpush v6, $0xF  }
0x31f: {  	[tilespmem:$0xCB0] =	vst v17;
	s7 =	sadd.s32 s28, s23;
	s18 =	smulhi.u32 $0x66666667, s31;
	s11 =	sshra.s32 s31, $0x1F;
	v14 =	vsel vm14, v14, v15;
	v15 =	vsel vm14, v18, v11;
	v11 =	vmul.u32 $0xFFFFFFF6, v6  }
.LBB2_2:
0x320: {  	[dreg:$0x7] =	wrdreg s1;
	s22 =	smul.u32 $0x66666667, s11;
	s0 =	sshra.s32 s7, $0x2  }
0x321: {  	s14 =	smov.u32 s3;
	s12 =	smul.u32 $0x66666667, s9;
	s15 =	sshra.s32 s7, $0x1F  }
0x322: {  	s25 =	sshrl.u32 s7, $0x1F;
	s4 =	smulhi.u32 $0x66666667, s21;
	[dreg:$0x9] =	wrdreg s0  }
0x323: {  	v14 =	vadd.s32 v14, v15;
	s1 =	smov.u32 s30;
	s16 =	smul.u32 $0x66666667, s16;
	[dreg:$0xa] =	wrdreg s15  }
0x324: {  	v15 =	vmul.u32 $0xFFFFFFF6, v14;
	s10 =	sadd.s32 s6, s10;
	s6 =	smulhi.u32 $0x66666667, s8;
	s20 =	spop (v2sf)  }
0x325: {  	v17 =	vsub.s32 $0x0, v3;
	vm0 =	vlt.s32 v3, $0x1;
	p0 =	sne.s32 s3, $0x3F0;
	s17 =	spop (v2sf);
	s30 =	smulhi.u32 $0x66666667, s20  }
0x326: {  	vm5 =	vmmov vm2;
	[dreg:$0x8] =	wrdreg s25;
	vm2 =	vne.s32 v15, v17;
	(v2sf) =	vpush v6, $0xE;
	s13 =	sshra.s32 s20, $0x1F;
	s29 =	smulhi.u32 $0x66666667, s17  }
0x327: {  	s11 =	sshra.s32 s10, $0x2;
	vm0 =	vmand vm0, vm2;
	s24 =	spop (v2sf);
	s13 =	smul.u32 $0x66666667, s13  }
0x328: {  	s28 =	sadd.s32 s22, s18;
	v15 =	vsel vm0, $0xFFFFFFFF, v1;
	s23 =	sshra.s32 s17, $0x1F;
	s9 =	smulhi.u32 $0x66666667, s24  }
0x329: {  	s18 =	sshrl.u32 s28, $0x1F;
	v14 =	vadd.s32 v15, v14;
	s0 =	smul.u32 $0x66666667, s23;
	s26 =	spop (v2sf)  }
0x32a: {  	s22 =	sshra.s32 s28, $0x2;
	vm0 =	vlt.s32 v14, $0x9;
	v15 =	vmul.u32 $0xFFFFFFF6, v14;
	s15 =	sshra.s32 s24, $0x1F;
	s14 =	smulhi.u32 $0x66666667, s26  }
0x32b: {  	v18 =	vor.u32 s3, v53;
	v17 =	vmov s3;
	v14 =	vnsel vm0, $0x9, v14;
	s20 =	sshrl.u32 s10, $0x1F;
	s7 =	sshra.s32 s26, $0x1F;
	s15 =	smul.u32 $0x66666667, s15  }
0x32c: {  	s10 =	sshra.s32 s10, $0x1F;
	v15 =	vadd.s32 v3, v15;
	v3 =	vmovc v6;
	(v2sf) =	vpush v6, $0x5;
	v6 =	vmulhi.u32 $0xCCCCCCCD, v18;
	s31 =	spop (v2sf);
	s7 =	smul.u32 $0x66666667, s7  }
0x32d: {  	vm0 =	veq.s32 v17, v53;
	v17 =	vadd.s32 v2, v8;
	v15 =	vmul.u32 $0x5, v15;
	s17 =	smulhi.u32 $0x66666667, s31;
	s23 =	sshra.s32 s31, $0x1F;
	s0 =	sadd.s32 s0, s29  }
0x32e: {  	v14 =	vmul.u32 $0x5, v14;
	(v2sf) =	vpush v3, $0x6;
	s29 =	sshra.s32 s28, $0x1F;
	v6 =	vshrl.u32 v6, $0x3;
	s5 =	spop (v2sf);
	s28 =	sadd.s32 s16, s6  }
0x32f: {  	v8 =	vmovc v11;
	vm2 =	vlt.s32 v17, $0x5;
	v11 =	vadd.s32 v15, v17;
	s6 =	sadd.s32 s13, s30;
	s23 =	smul.u32 $0x66666667, s23;
	s8 =	sshrl.u32 s0, $0x1F;
	v15 =	vmul.u32 $0xFFFFFFF6, v6  }
0x330: {  	v14 =	vadd.s32 v17, v14;
	v17 =	vsub.s32 $0x0, v18;
	v11 =	vadd.s32 $0xFFFFFFFB, v11;
	s21 =	sshra.s32 s0, $0x2;
	s24 =	sshra.s32 s5, $0x1F;
	s25 =	spop (v2sf)  }
0x331: {  	s15 =	sadd.s32 s15, s9;
	v11 =	vsel vm2, v14, v11;
	s0 =	smulhi.u32 $0x66666667, s5;
	s30 =	sshra.s32 s28, $0x2;
	vm2 =	vne.s32 v15, v17  }
0x332: {  	s7 =	sadd.s32 s7, s14;
	s24 =	smul.u32 $0x66666667, s24;
	s14 =	sadd.s32 s12, s4;
	vm0 =	vmand vm0, vm2  }
0x333: {  	s4 =	sshra.s32 s28, $0x1F;
	s13 =	sshra.s32 s15, $0x2;
	v12 =	vsel vm15, s30, v12;
	s30 =	rddreg [dreg:$0x6];
	v14 =	vsel vm0, $0xFFFFFFFF, v1  }
0x334: {  	s12 =	sshra.s32 s14, $0x2;
	s31 =	sshra.s32 s7, $0x2;
	s9 =	sshra.s32 s14, $0x1F;
	v6 =	vadd.s32 v14, v6  }
0x335: {  	s17 =	sadd.s32 s23, s17;
	s7 =	sshrl.u32 s7, $0x1F;
	s26 =	spop (v2sf);
	(v2sf) =	vpush v6, $0x7  }
0x336: {  	v12 =	vsel vm5, s4, v12;
	s16 =	sadd.s32 s24, s0;
	s0 =	sshra.s32 s6, $0x2;
	s24 =	rddreg [dreg:$0x9];
	(v2sf) =	vpush v6, $0x0  }
0x337: {  	s6 =	sshrl.u32 s6, $0x1F;
	v12 =	vsel vm12, s24, v12;
	s24 =	smulhi.u32 $0x66666667, s25;
	s25 =	sshra.s32 s25, $0x1F;
	(v2sf) =	vpush v6, $0x1  }
0x338: {  	s23 =	sshra.s32 s17, $0x2;
	v21 =	vmov s0;
	s0 =	sadd.s32 $0x10, s3;
	v15 =	vld.idx.msk [tilespmem:v11+s1+$0x0], $0xffff;
	s1 =	smul.u32 $0x66666667, s25  }
0x339: {  	vm1 =	vcmask $0x1714;
	v14 =	vmov s13;
	s13 =	sshrl.u32 s15, $0x1F;
	s5 =	smulhi.u32 $0x66666667, s26;
	s26 =	sshra.s32 s26, $0x1F;
	(v2sf) =	vpush v6, $0x2  }
0x33a: {  	vm2 =	vmmov vm5;
	v14 =	vsel vm12, s31, v14;
	s31 =	sshrl.u32 s28, $0x1F;
	v20 =	vmov s13;
	s4 =	smul.u32 $0x66666667, s26;
	s26 =	rddreg [dreg:$0xa]  }
0x33b: {  	s3 =	smov.u32 s0;
	v17 =	vmov s31;
	s31 =	sshra.s32 s16, $0x2;
	v12 =	vsel vm7, s26, v12;
	s28 =	spop (v2sf);
	(v2sf) =	vpush v6, $0x3  }
0x33c: {  	v14 =	vsel vm3, s23, v14;
	s13 =	smulhi.u32 $0x66666667, s28;
	v12 =	vsel vm3, s11, v12;
	s4 =	sadd.s32 s4, s5;
	s11 =	sshrl.u32 s14, $0x1F;
	(v2sf) =	vpush v6, $0x4  }
0x33d: {  	vm0 =	vcmask $0x3734;
	v21 =	vsel vm12, s21, v21;
	v14 =	vsel vm4, s31, v14;
	s23 =	sshra.s32 s28, $0x1F;
	s5 =	sadd.s32 s1, s24;
	s28 =	spop (v2sf)  }
0x33e: {  	[tilespmem:v2+s19+$0x0] =	vst.idx.msk $0xffff, v15;
	v2 =	vmovc v5;
	v5 =	vmovc v18;
	v18 =	vsel vm12, s7, v20;
	v20 =	vmov s6;
	v12 =	vsel vm1, s10, v12;
	s10 =	sshrl.u32 s17, $0x1F;
	s25 =	sshra.s32 s4, $0x2;
	s26 =	smul.u32 $0x66666667, s23  }
0x33f: {  	v17 =	vnsel vm15, $0x0, v17;
	v20 =	vsel vm12, s8, v20;
	s31 =	smulhi.u32 $0x66666667, s28;
	s17 =	sshra.s32 s28, $0x1F;
	s15 =	sshra.s32 s5, $0x2;
	v12 =	vsel vm4, s12, v12  }
0x340: {  	s23 =	sshrl.u32 s4, $0x1F;
	vm1 =	vcmask $0x2B28;
	v15 =	vsel vm3, s25, v21;
	s21 =	smul.u32 $0x66666667, s17;
	s25 =	sshrl.u32 s5, $0x1F;
	v12 =	vsel vm6, s9, v12  }
0x341: {  	(v2sf) =	vpush v6, $0xC;
	v20 =	vsel vm3, s23, v20;
	s7 =	sadd.s32 s26, s13;
	s26 =	sshrl.u32 s16, $0x1F;
	v12 =	vsel vm13, s22, v12;
	s22 =	rddreg [dreg:$0x8]  }
0x342: {  	v18 =	vsel vm3, s10, v18;
	s24 =	sadd.s32 s21, s31;
	s28 =	sshra.s32 s7, $0x2;
	v17 =	vsel vm12, s22, v17;
	v12 =	vsel vm8, s29, v12;
	s29 =	rddreg [dreg:$0x7]  }
0x343: {  	(v2sf) =	vpush v6, $0xD;
	v20 =	vsel vm4, s25, v20;
	s12 =	sshrl.u32 s24, $0x1F;
	s13 =	sshra.s32 s24, $0x2;
	s4 =	sshra.s32 s24, $0x1F;
	v17 =	vsel vm3, s20, v17  }
0x344: {  	v15 =	vsel vm4, s15, v15;
	s31 =	sshrl.u32 s29, $0x1F;
	v12 =	vsel vm1, s28, v12;
	v17 =	vsel vm4, s11, v17;
	s11 =	sshra.s32 s7, $0x1F;
	s17 =	spop (v2sf)  }
0x345: {  	(v2sf) =	vpush v6, $0x8;
	v18 =	vsel vm4, s26, v18;
	v12 =	vsel vm10, s11, v12;
	s20 =	smulhi.u32 $0x66666667, s17;
	s21 =	sshra.s32 s17, $0x1F;
	s8 =	spop (v2sf)  }
0x346: {  	v14 =	vcombine.low v14, v15;
	s7 =	sshrl.u32 s7, $0x1F;
	v17 =	vsel vm13, s18, v17;
	v12 =	vsel vm9, s13, v12;
	s22 =	smul.u32 $0x66666667, s21;
	s23 =	spop (v2sf)  }
0x347: {  	(v2sf) =	vpush v6, $0x9;
	s14 =	sshra.s32 s29, $0x2;
	v17 =	vsel vm1, s7, v17;
	v12 =	vsel vm0, s4, v12;
	s16 =	sshra.s32 s8, $0x1F;
	s24 =	smulhi.u32 $0x66666667, s23  }
.Ltmp0:
0x348: {  	v18 =	vcombine.low v18, v20;
	v15 =	vsel vm9, s12, v17;
	v12 =	vsel vm11, s14, v12;
	s25 =	sshra.s32 s23, $0x1F;
	s26 =	spop (v2sf);
	(pc) =	sbr.rel @p0 .LBB2_2-.Ltmp0, $4  }
0x349: {  	v17 =	vperm.xlane v12, v9;
	v12 =	vsel vm11, s31, v15;
	v15 =	vperm.xlane v14, v62;
	s10 =	smulhi.u32 $0x66666667, s26;
	s28 =	sshra.s32 s26, $0x1F;
	s1 =	sadd.s32 s22, s20  }
0x34a: {  	(v2sf) =	vpush v6, $0xA;
	v14 =	vperm.xlane v18, v62;
	v18 =	vperm.xlane v12, v9;
	s29 =	smul.u32 $0x66666667, s25;
	s21 =	spop (v2sf);
	s4 =	sshra.s32 s1, $0x1F  }
0x34b: {  	v11 =	vmul.u32 $0xFFFFFFF6, v6;
	(v2sf) =	vpush v6, $0xB;
	v15 =	vsel vm14, v17, v15;
	s6 =	smul.u32 $0x66666667, s28;
	s9 =	sshra.s32 s21, $0x1F;
	s31 =	spop (v2sf)  }
0x34c: {  	(v2sf) =	vpush v6, $0xF;
	v14 =	vsel vm14, v18, v14;
	v12 =	vmov s4;
	s7 =	sadd.s32 s29, s24;
	s18 =	smulhi.u32 $0x66666667, s31;
	s11 =	sshra.s32 s31, $0x1F  }
0x34d: {  	s0 =	smul.u32 $0x66666667, s11  }
0x34e: {  	s5 =	smul.u32 $0x66666667, s9  }
0x34f: {  	s11 =	smulhi.u32 $0x66666667, s8  }
0x350: {  	s21 =	smulhi.u32 $0x66666667, s21;
	s4 =	spop (v2sf)  }
0x351: {  	s14 =	sshra.s32 s7, $0x2;
	s13 =	smulhi.u32 $0x66666667, s4;
	s4 =	sshra.s32 s4, $0x1F  }
0x352: {  	s17 =	sshra.s32 s7, $0x1F;
	s3 =	spop (v2sf);
	s4 =	smul.u32 $0x66666667, s4  }
0x353: {  	s0 =	sadd.s32 s0, s18;
	(v2sf) =	vpush v6, $0xE;
	s9 =	smulhi.u32 $0x66666667, s3;
	s3 =	sshra.s32 s3, $0x1F  }
0x354: {  	s8 =	spop (v2sf);
	s15 =	smul.u32 $0x66666667, s3;
	s3 =	sadd.s32 s6, s10  }
0x355: {  	s6 =	sshrl.u32 s7, $0x1F;
	s12 =	smulhi.u32 $0x66666667, s8;
	s8 =	sshra.s32 s8, $0x1F  }
0x356: {  	(v2sf) =	vpush v6, $0x5;
	s4 =	sadd.s32 s4, s13;
	s24 =	sshra.s32 s3, $0x2;
	s18 =	smul.u32 $0x66666667, s8  }
0x357: {  	s25 =	spop (v2sf);
	s8 =	sadd.s32 s15, s9;
	s9 =	smul.u32 $0x66666667, s16  }
0x358: {  	s20 =	smulhi.u32 $0x66666667, s25;
	s22 =	sshra.s32 s25, $0x1F;
	s25 =	sshra.s32 s3, $0x1F  }
0x359: {  	(v2sf) =	vpush v6, $0x6;
	s16 =	sshra.s32 s8, $0x2;
	s3 =	sshrl.u32 s3, $0x1F;
	s8 =	sshrl.u32 s8, $0x1F  }
0x35a: {  	s10 =	smul.u32 $0x66666667, s22;
	s12 =	sadd.s32 s18, s12;
	s26 =	spop (v2sf)  }
0x35b: {  	s22 =	smulhi.u32 $0x66666667, s26;
	s23 =	sshra.s32 s26, $0x1F;
	s26 =	spop (v2sf)  }
0x35c: {  	s11 =	sadd.s32 s9, s11;
	s23 =	smul.u32 $0x66666667, s23;
	s7 =	sshra.s32 s26, $0x1F  }
0x35d: {  	s13 =	sshra.s32 s11, $0x1F;
	s15 =	sadd.s32 s10, s20;
	s10 =	smul.u32 $0x66666667, s7  }
0x35e: {  	s20 =	spop (v2sf);
	s7 =	sadd.s32 s5, s21;
	s5 =	smulhi.u32 $0x66666667, s26  }
0x35f: {  	s26 =	sshra.s32 s15, $0x2;
	s15 =	sshrl.u32 s15, $0x1F;
	s18 =	sshra.s32 s7, $0x2  }
0x360: {  	s9 =	sadd.s32 s23, s22;
	s22 =	sshra.s32 s7, $0x1F;
	s23 =	sshra.s32 s11, $0x2  }
0x361: {  	s11 =	sshrl.u32 s11, $0x1F;
	s10 =	sadd.s32 s10, s5;
	s5 =	sshra.s32 s12, $0x2;
	v12 =	vsel vm15, s23, v12  }
0x362: {  	s12 =	sshrl.u32 s12, $0x1F;
	s21 =	spop (v2sf);
	v12 =	vsel vm2, s13, v12;
	s13 =	smulhi.u32 $0x66666667, s20  }
0x363: {  	vm1 =	vcmask $0x2B28;
	v14 =	vadd.s32 v14, v15;
	s23 =	sshra.s32 s4, $0x2;
	v17 =	vmov s5;
	s5 =	sshra.s32 s20, $0x1F;
	s28 =	smulhi.u32 $0x66666667, s21  }
0x364: {  	v18 =	vmov s11;
	s4 =	sshrl.u32 s4, $0x1F;
	v20 =	vmov s23;
	v21 =	vmov s12;
	s21 =	sshra.s32 s21, $0x1F;
	s5 =	smul.u32 $0x66666667, s5  }
0x365: {  	vm2 =	vcmask $0x1714;
	v23 =	vmov s4;
	s23 =	sshra.s32 s0, $0x1F;
	v12 =	vsel vm12, s14, v12;
	s21 =	smul.u32 $0x66666667, s21;
	s29 =	spop (v2sf)  }
0x366: {  	v18 =	vnsel vm15, $0x0, v18;
	s14 =	sshra.s32 s9, $0x2;
	v17 =	vsel vm12, s26, v17;
	v12 =	vsel vm7, s17, v12;
	s20 =	smulhi.u32 $0x66666667, s29;
	s26 =	sshra.s32 s29, $0x1F  }
0x367: {  	v20 =	vsel vm12, s16, v20;
	v21 =	vsel vm12, s15, v21;
	v12 =	vsel vm3, s24, v12;
	s24 =	sshra.s32 s10, $0x2;
	s5 =	sadd.s32 s5, s13;
	s11 =	sadd.s32 s21, s28  }
0x368: {  	v18 =	vsel vm12, s6, v18;
	v17 =	vsel vm3, s14, v17;
	s17 =	smul.u32 $0x66666667, s26;
	v12 =	vsel vm2, s25, v12;
	s16 =	spop (v2sf);
	s15 =	sshrl.u32 s5, $0x1F  }
0x369: {  	v23 =	vsel vm12, s8, v23;
	v17 =	vsel vm4, s24, v17;
	s26 =	sshra.s32 s11, $0x2;
	v12 =	vsel vm4, s18, v12;
	s13 =	sshra.s32 s16, $0x1F;
	s24 =	sshrl.u32 s11, $0x1F  }
0x36a: {  	v18 =	vsel vm3, s3, v18;
	vm2 =	vlt.s32 v3, $0x1;
	s12 =	sadd.s32 s17, s20;
	s20 =	smulhi.u32 $0x66666667, s16;
	v12 =	vsel vm6, s22, v12;
	s22 =	sshra.s32 s0, $0x2  }
0x36b: {  	s11 =	sshrl.u32 s7, $0x1F;
	s18 =	sshra.s32 s5, $0x2;
	v20 =	vsel vm3, s26, v20;
	s13 =	smul.u32 $0x66666667, s13;
	v23 =	vsel vm3, s24, v23;
	v12 =	vsel vm13, s22, v12  }
0x36c: {  	v18 =	vsel vm4, s11, v18;
	s0 =	sshrl.u32 s0, $0x1F;
	s26 =	sshra.s32 s12, $0x2;
	s14 =	sshra.s32 s12, $0x1F;
	v23 =	vsel vm4, s15, v23;
	v12 =	vsel vm8, s23, v12  }
0x36d: {  	v20 =	vsel vm4, s18, v20;
	v18 =	vsel vm13, s0, v18;
	s22 =	sshrl.u32 s12, $0x1F;
	s25 =	sadd.s32 s13, s20;
	s13 =	sshrl.u32 s9, $0x1F;
	v12 =	vsel vm1, s26, v12  }
0x36e: {  	s16 =	sshrl.u32 s10, $0x1F;
	v18 =	vsel vm1, s22, v18;
	v21 =	vsel vm3, s13, v21;
	s17 =	sshra.s32 s25, $0x2;
	v12 =	vsel vm10, s14, v12  }
0x36f: {  	v17 =	vcombine.low v17, v20;
	s20 =	sshra.s32 s25, $0x1F;
	s23 =	sshrl.u32 s25, $0x1F;
	v21 =	vsel vm4, s16, v21;
	v12 =	vsel vm9, s17, v12  }
0x370: {  	s21 =	sshra.s32 s1, $0x2;
	s24 =	sshrl.u32 s1, $0x1F;
	v15 =	vsel vm9, s23, v18;
	v18 =	vcombine.low v21, v23;
	v12 =	vsel vm0, s20, v12  }
0x371: {  	v21 =	vmul.u32 $0xFFFFFFF6, v14;
	v15 =	vsel vm11, s24, v15;
	v12 =	vsel vm11, s21, v12  }
0x372: {  	v20 =	vsub.s32 $0x0, v3;
	v12 =	vperm.xlane v12, v9;
	v9 =	vperm.xlane v15, v9  }
0x373: {  	vm0 =	vne.s32 v21, v20;
	v15 =	vperm.xlane v17, v62;
	v17 =	vperm.xlane v18, v62  }
0x374: {  	vm0 =	vmand vm2, vm0  }
0x375: {  	v9 =	vsel vm14, v9, v17;
	v17 =	vsel vm0, $0xFFFFFFFF, v1;
	v12 =	vsel vm14, v12, v15  }
0x376: {  	v14 =	vadd.s32 v17, v14;
	v9 =	vadd.s32 v9, v12  }
0x377: {  	v12 =	vmul.u32 $0xFFFFFFF6, v14;
	v15 =	vmul.u32 $0xFFFFFFF6, v9  }
0x378: {  	vm2 =	vlt.s32 v6, $0x1;
	v17 =	vsub.s32 $0x0, v6  }
0x379: {  	vm0 =	vlt.s32 v14, $0x9;
	v3 =	vadd.s32 v3, v12;
	vm11 =	vne.s32 v15, v17  }
0x37a: {  	v12 =	vnsel vm0, $0x9, v14;
	vm0 =	vmand vm2, vm11;
	v3 =	vmul.u32 $0x5, v3  }
0x37b: {  	v8 =	vadd.s32 v2, v8;
	v12 =	vmul.u32 $0x5, v12;
	v14 =	vsel vm0, $0xFFFFFFFF, v1  }
0x37c: {  	vm0 =	vlt.s32 v8, $0x5;
	v3 =	vadd.s32 v3, v8;
	v9 =	vadd.s32 v14, v9  }
0x37d: {  	v8 =	vadd.s32 v8, v12;
	v3 =	vadd.s32 $0xFFFFFFFB, v3;
	v12 =	vmul.u32 $0xFFFFFFF6, v9  }
0x37e: {  	v3 =	vsel vm0, v8, v3  }
0x37f: {  	vm0 =	vlt.s32 v9, $0x9;
	v6 =	vadd.s32 v6, v12  }
0x380: {  	v8 =	vnsel vm0, $0x9, v9;
	v6 =	vmul.u32 $0x5, v6  }
0x381: {  	v9 =	vadd.s32 v5, v11;
	v8 =	vmul.u32 $0x5, v8  }
0x382: {  	v6 =	vadd.s32 v6, v9  }
0x383: {  	vm0 =	vlt.s32 v9, $0x5;
	v8 =	vadd.s32 v9, v8;
	v3 =	vld.idx.msk [tilespmem:v3+s30+$0x0], $0xffff;
	v6 =	vadd.s32 $0xFFFFFFFB, v6  }
0x384: {  	v6 =	vsel vm0, v8, v6  }
0x385: {  	s5 =	rddreg [dreg:$0x0]  }
0x386: {  	s7 =	rddreg [dreg:$0x4]  }
0x387: {  	s11 =	rddreg [dreg:$0xb]  }
0x388: {  	s25 =	rddreg [dreg:$0x6];
	[tilespmem:v2+s19+$0x0] =	vst.idx.msk $0xffff, v3  }
0x389: {  	s12 =	rddreg [dreg:$0xd];
	v2 =	vld.idx.msk [tilespmem:v6+s25+$0x0], $0xffff  }
0x38a: {  	s31 =	simm.s32 $0xA700;
	s26 =	rddreg [dreg:$0xc]  }
0x38b: {  	s29 =	simm.s32 $0x7500;
	s28 =	simm.s32 $0x5C00;
	s13 =	rddreg [dreg:$0xe]  }
0x38c: {  	s1 =	simm.s32 $0x10B00;
	s15 =	simm.s32 $0x0;
	s14 =	rddreg [dreg:$0xf]  }
0x38d: {  	s18 =	simm.s32 $0x0;
	s22 =	simm.s32 $0x1100;
	s17 =	rddreg [dreg:$0x10]  }
0x38e: {  	s23 =	simm.s32 $0x0;
	s24 =	simm.s32 $0x2A00;
	s21 =	rddreg [dreg:$0x11];
	[tilespmem:v5+s19+$0x0] =	vst.idx.msk $0xffff, v2  }
0x38f: {  	[tilespmem:s22], [sflag:$0x1] =	stream.linear.gather [hbm4b:s26+s15], $0x1900, $0x38;
	[tilespmem:$0x13D00] =	vst v63  }
0x390: {  	vm7 =	vmmov vm6;
	vm1 =	vmmov vm12;
	s30 =	simm.s32 $0x8E00;
	s25 =	simm.s32 $0x1;
	s26 =	simm.s32 $0x4300  }
.LBB2_4:
0x391: {  	s3 =	smul.u32 $0x3200, s18;
	_ =	sdelay $0x1  }
0x392: {  	s16 =	sadd.s32 $0x1900, s3  }
0x393: {  	s0 =	sadd.s32 s11, s16  }
0x394: {  	s9 =	sshrl.u32 s0, $0x3  }
0x395: {  	s0 =	sadd.s32 s5, s9  }
0x396: {  	[tilespmem:s24], [sflag:$0x2] =	stream.linear.gather [hbm4b:s0+s23], $0x1900, $0x38;
	[tilespmem:$0x13D00] =	vst v63  }
0x397: {  	_ =	swait.ge [sflag:s25], $0x1900  }
0x398: {  	p0 =	seq.s32 s18, $0x0;
	[sflag:s25] =	ssyncset.done $0x0  }
0x399: {  	s0 =	simm.s32 @!p0 $0x3;
	[sflag:s25] =	ssyncadd.s32 $0xFFFFE700  }
0x39a: {  	_ =	swait.ge @!p0 [sflag:s0], $0x1900  }
0x39b: {  	[sflag:s0] =	ssyncset.done @!p0 $0x0  }
0x39c: {  	[sflag:s0] =	ssyncadd.s32 @!p0 $0xFFFFE700  }
0x39d: {  	_ =	swait.ge @!p0 [sflag:s0], $0x1900  }
0x39e: {  	[sflag:s0] =	ssyncset.done @!p0 $0x0  }
0x39f: {  	[sflag:s0] =	ssyncadd.s32 @!p0 $0xFFFFE700  }
0x3a0: {  	_ =	swait.ge @!p0 [sflag:s0], $0x1900  }
0x3a1: {  	[sflag:s0] =	ssyncset.done @!p0 $0x0  }
0x3a2: {  	[sflag:s0] =	ssyncadd.s32 @!p0 $0xFFFFE700  }
0x3a3: {  	_ =	swait.ge @!p0 [sflag:s0], $0x1900  }
0x3a4: {  	[sflag:s0] =	ssyncset.done @!p0 $0x0  }
0x3a5: {  	[sflag:s0] =	ssyncadd.s32 @!p0 $0xFFFFE700  }
0x3a6: {  	_ =	swait.ge @!p0 [sflag:s0], $0x1900  }
0x3a7: {  	[sflag:s0] =	ssyncset.done @!p0 $0x0  }
0x3a8: {  	s20 =	simm.s32 $0x1110;
	[sflag:s0] =	ssyncadd.s32 @!p0 $0xFFFFE700  }
0x3a9: {  	v2 =	vld [tilespmem:s20+$0xFFFFFFF0]  }
0x3aa: {  	v3 =	vld [tilespmem:s20+$0x0];
	_ =	sdelay $0x4  }
0x3ab: {  	v2 =	vmul.u32 $0x64, v2;
	v3 =	vmul.u32 $0xA, v3;
	_ =	sdelay $0x1  }
0x3ac: {  	v26 =	vadd.s32 v2, v3  }
0x3ad: {  	s4 =	simm.s32 $0x1130  }
0x3ae: {  	v2 =	vld [tilespmem:s4+$0xFFFFFFF0]  }
0x3af: {  	v3 =	vld [tilespmem:s4+$0x0];
	_ =	sdelay $0x1  }
0x3b0: {  	v14 =	vor.u32 s15, v53;
	v5 =	vld.idx.msk [tilespmem:v26+s19+$0x0], $0xffff  }
0x3b1: {  	v8 =	vadd.s32 $0x5, v26;
	_ =	sdelay $0x1  }
0x3b2: {  	v2 =	vmul.u32 $0x64, v2;
	v3 =	vmul.u32 $0xA, v3;
	_ =	sdelay $0x1  }
0x3b3: {  	v6 =	vadd.s32 v2, v3;
	v2 =	vor.u32 $0x10, v53;
	[tilespmem:v14+s26+$0x0] =	vst.idx.msk $0xffff, v5  }
0x3b4: {  	s6 =	simm.s32 $0x1150;
	v3 =	vld.idx.msk [tilespmem:v8+s19+$0x0], $0xffff;
	v8 =	vor.u32 s15, v2  }
0x3b5: {  	v9 =	vld [tilespmem:s6+$0xFFFFFFF0];
	v11 =	vor.u32 $0x1, v26  }
0x3b6: {  	v12 =	vld [tilespmem:s6+$0x0]  }
0x3b7: {  	s8 =	simm.s32 $0x20  }
0x3b8: {  	v5 =	vor.u32 s8, v53;
	v15 =	vld.idx.msk [tilespmem:v6+s19+$0x0], $0xffff  }
0x3b9: {  	[tilespmem:v8+s26+$0x0] =	vst.idx.msk $0xffff, v3;
	v3 =	vadd.s32 $0x5, v6  }
0x3ba: {  	v17 =	vld.idx.msk [tilespmem:v11+s19+$0x0], $0xffff  }
0x3bb: {  	v9 =	vmul.u32 $0x64, v9;
	v18 =	vadd.s32 $0x6, v26;
	v11 =	vmul.u32 $0xA, v12  }
0x3bc: {  	s4 =	simm.s32 $0x1170  }
0x3bd: {  	v20 =	vld [tilespmem:s4+$0x0];
	[tilespmem:v5+s26+$0x0] =	vst.idx.msk $0xffff, v15;
	v11 =	vadd.s32 v9, v11  }
0x3be: {  	v12 =	vld.idx.msk [tilespmem:v3+s19+$0x0], $0xffff;
	v3 =	vor.u32 s8, v2  }
0x3bf: {  	v15 =	vld [tilespmem:s4+$0xFFFFFFF0];
	[tilespmem:v14+s28+$0x0] =	vst.idx.msk $0xffff, v17;
	v17 =	vor.u32 $0x1, v6  }
0x3c0: {  	v18 =	vld.idx.msk [tilespmem:v18+s19+$0x0], $0xffff  }
0x3c1: {  	s10 =	simm.s32 $0x40;
	v21 =	vadd.s32 $0x2, v26  }
0x3c2: {  	v9 =	vor.u32 s10, v53;
	v23 =	vld.idx.msk [tilespmem:v11+s19+$0x0], $0xffff  }
0x3c3: {  	[tilespmem:v3+s26+$0x0] =	vst.idx.msk $0xffff, v12;
	v12 =	vadd.s32 $0x5, v11  }
0x3c4: {  	v20 =	vmul.u32 $0xA, v20;
	v15 =	vmul.u32 $0x64, v15;
	v17 =	vld.idx.msk [tilespmem:v17+s19+$0x0], $0xffff  }
0x3c5: {  	[tilespmem:v8+s28+$0x0] =	vst.idx.msk $0xffff, v18;
	v18 =	vadd.s32 $0x6, v6  }
0x3c6: {  	s20 =	simm.s32 $0x1190;
	v15 =	vadd.s32 v15, v20;
	v21 =	vld.idx.msk [tilespmem:v21+s19+$0x0], $0xffff  }
0x3c7: {  	v24 =	vld [tilespmem:s20+$0xFFFFFFF0];
	[tilespmem:v9+s26+$0x0] =	vst.idx.msk $0xffff, v23;
	v23 =	vadd.s32 $0x7, v26  }
0x3c8: {  	v20 =	vld.idx.msk [tilespmem:v12+s19+$0x0], $0xffff;
	v12 =	vor.u32 s10, v2  }
0x3c9: {  	v29 =	vld [tilespmem:s20+$0x0];
	v27 =	vor.u32 $0x1, v11;
	[tilespmem:v5+s28+$0x0] =	vst.idx.msk $0xffff, v17  }
0x3ca: {  	s6 =	simm.s32 $0x60;
	v18 =	vld.idx.msk [tilespmem:v18+s19+$0x0], $0xffff  }
0x3cb: {  	v30 =	vld.idx.msk [tilespmem:v15+s19+$0x0], $0xffff;
	v17 =	vor.u32 s6, v53;
	[tilespmem:v14+s29+$0x0] =	vst.idx.msk $0xffff, v21;
	v21 =	vadd.s32 $0x2, v6  }
0x3cc: {  	v32 =	vadd.s32 $0x5, v15;
	v23 =	vld.idx.msk [tilespmem:v23+s19+$0x0], $0xffff  }
0x3cd: {  	[tilespmem:v12+s26+$0x0] =	vst.idx.msk $0xffff, v20;
	v20 =	vadd.s32 $0x3, v26  }
0x3ce: {  	v27 =	vld.idx.msk [tilespmem:v27+s19+$0x0], $0xffff  }
0x3cf: {  	v33 =	vadd.s32 $0x6, v11;
	[tilespmem:v3+s28+$0x0] =	vst.idx.msk $0xffff, v18;
	v18 =	vmul.u32 $0x64, v24;
	v24 =	vmul.u32 $0xA, v29  }
0x3d0: {  	[tilespmem:v17+s26+$0x0] =	vst.idx.msk $0xffff, v30;
	v21 =	vld.idx.msk [tilespmem:v21+s19+$0x0], $0xffff  }
0x3d1: {  	v30 =	vld.idx.msk [tilespmem:v32+s19+$0x0], $0xffff;
	[tilespmem:v8+s29+$0x0] =	vst.idx.msk $0xffff, v23;
	v23 =	vadd.s32 $0x7, v6;
	v18 =	vadd.s32 v18, v24;
	v24 =	vor.u32 s6, v2  }
0x3d2: {  	s8 =	simm.s32 $0x11B0;
	v20 =	vld.idx.msk [tilespmem:v20+s19+$0x0], $0xffff  }
0x3d3: {  	v36 =	vld [tilespmem:s8+$0x0];
	v54 =	vor.u32 $0x1, v15;
	[tilespmem:v9+s28+$0x0] =	vst.idx.msk $0xffff, v27  }
0x3d4: {  	v27 =	vadd.s32 $0x8, v26;
	v33 =	vld.idx.msk [tilespmem:v33+s19+$0x0], $0xffff  }
0x3d5: {  	v29 =	vld [tilespmem:s8+$0xFFFFFFF0];
	[tilespmem:v5+s29+$0x0] =	vst.idx.msk $0xffff, v21;
	v21 =	vadd.s32 $0x2, v11  }
0x3d6: {  	s10 =	simm.s32 $0x80;
	v23 =	vld.idx.msk [tilespmem:v23+s19+$0x0], $0xffff;
	[tilespmem:v24+s26+$0x0] =	vst.idx.msk $0xffff, v30  }
0x3d7: {  	v39 =	vadd.s32 $0x3, v6;
	v38 =	vld.idx.msk [tilespmem:v18+s19+$0x0], $0xffff;
	[tilespmem:v14+s30+$0x0] =	vst.idx.msk $0xffff, v20;
	v20 =	vor.u32 s10, v53  }
0x3d8: {  	v30 =	vadd.s32 $0x5, v18;
	v32 =	vld.idx.msk [tilespmem:v54+s19+$0x0], $0xffff  }
0x3d9: {  	v41 =	vadd.s32 $0x6, v15;
	v27 =	vld.idx.msk [tilespmem:v27+s19+$0x0], $0xffff;
	[tilespmem:v12+s28+$0x0] =	vst.idx.msk $0xffff, v33  }
0x3da: {  	s0 =	simm.s32 $0x11D0;
	v55 =	vadd.s32 $0x4, v26;
	v42 =	vld.idx.msk [tilespmem:v21+s19+$0x0], $0xffff  }
0x3db: {  	v35 =	vld [tilespmem:s0+$0xFFFFFFF0];
	v21 =	vmul.u32 $0x64, v29;
	v29 =	vmul.u32 $0xA, v36;
	[tilespmem:v3+s29+$0x0] =	vst.idx.msk $0xffff, v23  }
0x3dc: {  	v44 =	vadd.s32 $0x7, v11;
	[tilespmem:v20+s26+$0x0] =	vst.idx.msk $0xffff, v38;
	v45 =	vld.idx.msk [tilespmem:v39+s19+$0x0], $0xffff  }
0x3dd: {  	v21 =	vadd.s32 v21, v29;
	[tilespmem:v17+s28+$0x0] =	vst.idx.msk $0xffff, v32;
	v38 =	vld.idx.msk [tilespmem:v30+s19+$0x0], $0xffff  }
0x3de: {  	v23 =	vor.u32 s10, v2;
	v32 =	vadd.s32 $0x8, v6;
	[tilespmem:v8+s30+$0x0] =	vst.idx.msk $0xffff, v27;
	v36 =	vld.idx.msk [tilespmem:v41+s19+$0x0], $0xffff  }
0x3df: {  	v29 =	vld.idx.msk [tilespmem:v55+s19+$0x0], $0xffff;
	[tilespmem:v9+s29+$0x0] =	vst.idx.msk $0xffff, v42;
	v42 =	vor.u32 $0x1, v18  }
0x3e0: {  	v41 =	vld [tilespmem:s0+$0x0];
	v27 =	vadd.s32 $0x9, v26  }
0x3e1: {  	s20 =	sadd.s32 s11, s3;
	v39 =	vadd.s32 $0x2, v15;
	v30 =	vld.idx.msk [tilespmem:v44+s19+$0x0], $0xffff  }
0x3e2: {  	s8 =	simm.s32 $0xC0;
	s6 =	simm.s32 $0xE0;
	s10 =	simm.s32 $0xA0;
	v33 =	vmov v23;
	v26 =	vmov v24;
	v44 =	vld.idx.msk [tilespmem:v21+s19+$0x0], $0xffff;
	[tilespmem:v5+s30+$0x0] =	vst.idx.msk $0xffff, v45  }
.LBB2_5:
0x3e3: {  	p1 =	sne.s32 s6, $0x18E0;
	v45 =	vor.u32 s10, v53;
	[tilespmem:v23+s26+$0x0] =	vst.idx.msk $0xffff, v38;
	v38 =	vadd.s32 $0x3, v11;
	v32 =	vld.idx.msk [tilespmem:v32+s19+$0x0], $0xffff  }
0x3e4: {  	v47 =	vadd.s32 $0x5, v21;
	v42 =	vld.idx.msk [tilespmem:v42+s19+$0x0], $0xffff;
	[tilespmem:v14+s31+$0x0] =	vst.idx.msk $0xffff, v29;
	v14 =	vmovc v5;
	v5 =	vmov v9;
	v9 =	vmov v17  }
0x3e5: {  	v29 =	vadd.s32 $0x4, v6;
	v17 =	vmovc v20;
	v20 =	vmov v45;
	[tilespmem:v24+s28+$0x0] =	vst.idx.msk $0xffff, v36;
	v27 =	vld.idx.msk [tilespmem:v27+s19+$0x0], $0xffff;
	v24 =	vmov v23  }
0x3e6: {  	s0 =	sadd.s32 $0x20, s0;
	v36 =	vadd.s32 $0x6, v18;
	v39 =	vld.idx.msk [tilespmem:v39+s19+$0x0], $0xffff  }
0x3e7: {  	v23 =	vmul.u32 $0x64, v35;
	v41 =	vmul.u32 $0xA, v41;
	v35 =	vld [tilespmem:s0+$0xFFFFFFF0];
	[tilespmem:v12+s29+$0x0] =	vst.idx.msk $0xffff, v30  }
0x3e8: {  	v30 =	vadd.s32 $0x7, v15;
	[tilespmem:v45+s26+$0x0] =	vst.idx.msk $0xffff, v44;
	v45 =	vld.idx.msk [tilespmem:v38+s19+$0x0], $0xffff  }
0x3e9: {  	v44 =	vadd.s32 v23, v41;
	v38 =	vld.idx.msk [tilespmem:v47+s19+$0x0], $0xffff;
	[tilespmem:v3+s30+$0x0] =	vst.idx.msk $0xffff, v32  }
.Ltmp1:
0x3ea: {  	v23 =	vor.u32 s10, v2;
	s10 =	smov.u32 s8;
	s8 =	smov.u32 s6;
	v32 =	vadd.s32 $0x8, v11;
	[tilespmem:v17+s28+$0x0] =	vst.idx.msk $0xffff, v42;
	v29 =	vld.idx.msk [tilespmem:v29+s19+$0x0], $0xffff;
	(pc) =	sbr.rel @p1 .LBB2_5-.Ltmp1, $4  }
0x3eb: {  	v42 =	vor.u32 $0x1, v21;
	v36 =	vld.idx.msk [tilespmem:v36+s19+$0x0], $0xffff;
	[tilespmem:v8+s31+$0x0] =	vst.idx.msk $0xffff, v27;
	v8 =	vmovc v3;
	v3 =	vmov v12;
	v12 =	vmov v26  }
0x3ec: {  	v27 =	vadd.s32 $0x9, v6;
	v6 =	vmovc v11;
	v11 =	vmovc v15;
	v15 =	vmov v18;
	v18 =	vmov v21;
	v41 =	vld [tilespmem:s0+$0x0];
	[tilespmem:v9+s29+$0x0] =	vst.idx.msk $0xffff, v39  }
0x3ed: {  	v21 =	vmovc v44;
	v26 =	vmov v33;
	v33 =	vmov v23;
	v39 =	vadd.s32 $0x2, v15;
	v30 =	vld.idx.msk [tilespmem:v30+s19+$0x0], $0xffff  }
0x3ee: {  	s6 =	sadd.s32 $0x20, s6;
	v44 =	vld.idx.msk [tilespmem:v44+s19+$0x0], $0xffff;
	[tilespmem:v5+s30+$0x0] =	vst.idx.msk $0xffff, v45  }
0x3ef: {  	_ =	sdelay $0x1  }
0x3f0: {  	v35 =	vmul.u32 $0x64, v35;
	v41 =	vmul.u32 $0xA, v41;
	_ =	sdelay $0x1  }
0x3f1: {  	v35 =	vadd.s32 v35, v41;
	_ =	sdelay $0x3  }
0x3f2: {  	v41 =	vor.u32 s10, v53  }
0x3f3: {  	v45 =	vadd.s32 $0x5, v21;
	v49 =	vor.u32 s8, v53;
	v47 =	vld.idx.msk [tilespmem:v35+s19+$0x0], $0xffff  }
0x3f4: {  	v50 =	vadd.s32 $0x5, v35;
	_ =	sdelay $0x2  }
0x3f5: {  	[tilespmem:v41+s26+$0x0] =	vst.idx.msk $0xffff, v44  }
0x3f6: {  	v44 =	vld.idx.msk [tilespmem:v45+s19+$0x0], $0xffff;
	v45 =	vor.u32 s10, v2;
	[tilespmem:v49+s26+$0x0] =	vst.idx.msk $0xffff, v47  }
0x3f7: {  	v54 =	vor.u32 s8, v2;
	v47 =	vor.u32 $0x1, v21;
	v50 =	vld.idx.msk [tilespmem:v50+s19+$0x0], $0xffff  }
0x3f8: {  	v55 =	vor.u32 $0x1, v35  }
0x3f9: {  	[tilespmem:v23+s26+$0x0] =	vst.idx.msk $0xffff, v38  }
0x3fa: {  	v38 =	vld.idx.msk [tilespmem:v42+s19+$0x0], $0xffff  }
0x3fb: {  	v42 =	vadd.s32 $0x6, v18;
	[tilespmem:v45+s26+$0x0] =	vst.idx.msk $0xffff, v44  }
0x3fc: {  	v44 =	vld.idx.msk [tilespmem:v47+s19+$0x0], $0xffff;
	[tilespmem:v54+s26+$0x0] =	vst.idx.msk $0xffff, v50  }
0x3fd: {  	v47 =	vadd.s32 $0x6, v21;
	v50 =	vld.idx.msk [tilespmem:v55+s19+$0x0], $0xffff  }
0x3fe: {  	v55 =	vadd.s32 $0x6, v35  }
0x3ff: {  	[tilespmem:v20+s28+$0x0] =	vst.idx.msk $0xffff, v38  }
0x400: {  	v38 =	vld.idx.msk [tilespmem:v42+s19+$0x0], $0xffff  }
0x401: {  	[tilespmem:v41+s28+$0x0] =	vst.idx.msk $0xffff, v44  }
0x402: {  	v42 =	vadd.s32 $0x2, v18;
	v44 =	vld.idx.msk [tilespmem:v47+s19+$0x0], $0xffff;
	[tilespmem:v49+s28+$0x0] =	vst.idx.msk $0xffff, v50  }
0x403: {  	[tilespmem:v24+s28+$0x0] =	vst.idx.msk $0xffff, v36;
	v47 =	vadd.s32 $0x2, v21;
	v50 =	vld.idx.msk [tilespmem:v55+s19+$0x0], $0xffff  }
0x404: {  	v24 =	vld.idx.msk [tilespmem:v39+s19+$0x0], $0xffff;
	v55 =	vadd.s32 $0x2, v35  }
0x405: {  	[tilespmem:v23+s28+$0x0] =	vst.idx.msk $0xffff, v38;
	v23 =	vadd.s32 $0x7, v15;
	_ =	sdelay $0x1  }
0x406: {  	v36 =	vld.idx.msk [tilespmem:v42+s19+$0x0], $0xffff;
	[tilespmem:v45+s28+$0x0] =	vst.idx.msk $0xffff, v44  }
0x407: {  	v38 =	vadd.s32 $0x7, v18;
	v39 =	vld.idx.msk [tilespmem:v47+s19+$0x0], $0xffff;
	[tilespmem:v54+s28+$0x0] =	vst.idx.msk $0xffff, v50  }
0x408: {  	[tilespmem:v17+s29+$0x0] =	vst.idx.msk $0xffff, v24;
	v42 =	vadd.s32 $0x7, v21;
	v55 =	vld.idx.msk [tilespmem:v55+s19+$0x0], $0xffff  }
0x409: {  	v23 =	vld.idx.msk [tilespmem:v23+s19+$0x0], $0xffff;
	v47 =	vadd.s32 $0x7, v35  }
0x40a: {  	[tilespmem:v14+s31+$0x0] =	vst.idx.msk $0xffff, v29;
	v50 =	vadd.s32 $0x3, v15  }
0x40b: {  	v32 =	vld.idx.msk [tilespmem:v32+s19+$0x0], $0xffff;
	v24 =	vadd.s32 $0x3, v11;
	[tilespmem:v20+s29+$0x0] =	vst.idx.msk $0xffff, v36  }
0x40c: {  	v38 =	vld.idx.msk [tilespmem:v38+s19+$0x0], $0xffff;
	[tilespmem:v41+s29+$0x0] =	vst.idx.msk $0xffff, v39  }
0x40d: {  	v42 =	vld.idx.msk [tilespmem:v42+s19+$0x0], $0xffff;
	[tilespmem:v49+s29+$0x0] =	vst.idx.msk $0xffff, v55;
	v55 =	vadd.s32 $0x3, v18  }
0x40e: {  	v14 =	vadd.s32 $0x3, v21;
	[tilespmem:v26+s29+$0x0] =	vst.idx.msk $0xffff, v23;
	v29 =	vld.idx.msk [tilespmem:v47+s19+$0x0], $0xffff  }
0x40f: {  	[tilespmem:v12+s29+$0x0] =	vst.idx.msk $0xffff, v30;
	v30 =	vadd.s32 $0x3, v35;
	v36 =	vld.idx.msk [tilespmem:v50+s19+$0x0], $0xffff  }
0x410: {  	[tilespmem:v3+s30+$0x0] =	vst.idx.msk $0xffff, v32;
	v24 =	vld.idx.msk [tilespmem:v24+s19+$0x0], $0xffff;
	v50 =	vadd.s32 $0x8, v15  }
0x411: {  	v27 =	vld.idx.msk [tilespmem:v27+s19+$0x0], $0xffff;
	v23 =	vadd.s32 $0x8, v11;
	[tilespmem:v33+s29+$0x0] =	vst.idx.msk $0xffff, v38  }
0x412: {  	[tilespmem:v45+s29+$0x0] =	vst.idx.msk $0xffff, v42;
	v39 =	vld.idx.msk [tilespmem:v55+s19+$0x0], $0xffff;
	v55 =	vadd.s32 $0x4, v6  }
0x413: {  	v42 =	vadd.s32 $0x8, v18;
	v14 =	vld.idx.msk [tilespmem:v14+s19+$0x0], $0xffff;
	[tilespmem:v54+s29+$0x0] =	vst.idx.msk $0xffff, v29  }
0x414: {  	[tilespmem:v17+s30+$0x0] =	vst.idx.msk $0xffff, v36;
	v29 =	vadd.s32 $0x8, v21;
	v30 =	vld.idx.msk [tilespmem:v30+s19+$0x0], $0xffff  }
0x415: {  	[tilespmem:v9+s30+$0x0] =	vst.idx.msk $0xffff, v24;
	v24 =	vadd.s32 $0x8, v35;
	v38 =	vld.idx.msk [tilespmem:v50+s19+$0x0], $0xffff  }
0x416: {  	[tilespmem:v8+s31+$0x0] =	vst.idx.msk $0xffff, v27;
	v23 =	vld.idx.msk [tilespmem:v23+s19+$0x0], $0xffff;
	v50 =	vadd.s32 $0x4, v15  }
0x417: {  	v47 =	vadd.s32 $0x4, v11;
	[tilespmem:v20+s30+$0x0] =	vst.idx.msk $0xffff, v39;
	v27 =	vld.idx.msk [tilespmem:v55+s19+$0x0], $0xffff  }
0x418: {  	[tilespmem:v41+s30+$0x0] =	vst.idx.msk $0xffff, v14;
	v42 =	vld.idx.msk [tilespmem:v42+s19+$0x0], $0xffff  }
0x419: {  	v14 =	vadd.s32 $0x4, v18;
	v29 =	vld.idx.msk [tilespmem:v29+s19+$0x0], $0xffff;
	[tilespmem:v49+s30+$0x0] =	vst.idx.msk $0xffff, v30  }
0x41a: {  	v8 =	vadd.s32 $0x4, v21;
	[tilespmem:v26+s30+$0x0] =	vst.idx.msk $0xffff, v38;
	v24 =	vld.idx.msk [tilespmem:v24+s19+$0x0], $0xffff  }
0x41b: {  	[tilespmem:v12+s30+$0x0] =	vst.idx.msk $0xffff, v23;
	v23 =	vadd.s32 $0x4, v35;
	v55 =	vld.idx.msk [tilespmem:v50+s19+$0x0], $0xffff  }
0x41c: {  	v6 =	vadd.s32 $0x9, v6;
	v30 =	vld.idx.msk [tilespmem:v47+s19+$0x0], $0xffff;
	[tilespmem:v5+s31+$0x0] =	vst.idx.msk $0xffff, v27  }
0x41d: {  	v15 =	vadd.s32 $0x9, v15;
	[tilespmem:v33+s30+$0x0] =	vst.idx.msk $0xffff, v42  }
0x41e: {  	v11 =	vadd.s32 $0x9, v11;
	[tilespmem:v45+s30+$0x0] =	vst.idx.msk $0xffff, v29;
	v14 =	vld.idx.msk [tilespmem:v14+s19+$0x0], $0xffff  }
0x41f: {  	v18 =	vadd.s32 $0x9, v18;
	v8 =	vld.idx.msk [tilespmem:v8+s19+$0x0], $0xffff;
	[tilespmem:v54+s30+$0x0] =	vst.idx.msk $0xffff, v24  }
0x420: {  	v5 =	vadd.s32 $0x9, v21;
	[tilespmem:v17+s31+$0x0] =	vst.idx.msk $0xffff, v55;
	v21 =	vld.idx.msk [tilespmem:v23+s19+$0x0], $0xffff  }
0x421: {  	v6 =	vld.idx.msk [tilespmem:v6+s19+$0x0], $0xffff;
	[tilespmem:v9+s31+$0x0] =	vst.idx.msk $0xffff, v30;
	v9 =	vadd.s32 $0x9, v35  }
0x422: {  	v15 =	vld.idx.msk [tilespmem:v15+s19+$0x0], $0xffff  }
0x423: {  	v11 =	vld.idx.msk [tilespmem:v11+s19+$0x0], $0xffff;
	[tilespmem:v20+s31+$0x0] =	vst.idx.msk $0xffff, v14  }
0x424: {  	[tilespmem:v41+s31+$0x0] =	vst.idx.msk $0xffff, v8;
	v14 =	vld.idx.msk [tilespmem:v18+s19+$0x0], $0xffff  }
0x425: {  	v5 =	vld.idx.msk [tilespmem:v5+s19+$0x0], $0xffff;
	[tilespmem:v49+s31+$0x0] =	vst.idx.msk $0xffff, v21  }
0x426: {  	[tilespmem:v3+s31+$0x0] =	vst.idx.msk $0xffff, v6;
	v3 =	vld.idx.msk [tilespmem:v9+s19+$0x0], $0xffff  }
0x427: {  	[tilespmem:v26+s31+$0x0] =	vst.idx.msk $0xffff, v15  }
0x428: {  	[tilespmem:v12+s31+$0x0] =	vst.idx.msk $0xffff, v11  }
0x429: {  	[tilespmem:v33+s31+$0x0] =	vst.idx.msk $0xffff, v14  }
0x42a: {  	s0 =	sshrl.u32 s20, $0x3;
	s4 =	sadd.s32 s12, s3;
	[tilespmem:v45+s31+$0x0] =	vst.idx.msk $0xffff, v5  }
0x42b: {  	s20 =	sadd.s32 s13, s3;
	s0 =	sadd.s32 s7, s0;
	s10 =	sshrl.u32 s4, $0x3;
	[tilespmem:v54+s31+$0x0] =	vst.idx.msk $0xffff, v3  }
0x42c: {  	[hbm4b:s0+s23] =	stream.linear.scatter [tilespmem:s26], [sflag:$0x3], $0x1900, $0x38;
	[tilespmem:$0x13D00] =	vst v63  }
0x42d: {  	s4 =	sshrl.u32 s20, $0x3;
	s0 =	sadd.s32 s7, s10  }
0x42e: {  	[hbm4b:s0+s23] =	stream.linear.scatter [tilespmem:s28], [sflag:$0x3], $0x1900, $0x38;
	[tilespmem:$0x13D00] =	vst v63  }
0x42f: {  	s6 =	sadd.s32 s14, s3;
	p1 =	sne.s32 s18, $0x7;
	s0 =	sadd.s32 s7, s4  }
0x430: {  	[hbm4b:s0+s23] =	stream.linear.scatter [tilespmem:s29], [sflag:$0x3], $0x1900, $0x38;
	[tilespmem:$0x13D00] =	vst v63  }
.Ltmp2:
0x431: {  	s8 =	sshrl.u32 s6, $0x3;
	s10 =	sadd.s32 s17, s3;
	(pc) =	sbr.rel @p1 .LBB2_8-.Ltmp2, $4  }
0x432: {  	s20 =	sshrl.u32 s10, $0x3;
	s0 =	sadd.s32 s7, s8  }
0x433: {  	[hbm4b:s0+s23] =	stream.linear.scatter [tilespmem:s30], [sflag:$0x3], $0x1900, $0x38;
	[tilespmem:$0x13D00] =	vst v63  }
0x434: {  	s0 =	sadd.s32 s7, s20  }
0x435: {  	[hbm4b:s0+s23] =	stream.linear.scatter [tilespmem:s31], [sflag:$0x3], $0x1900, $0x38;
	[tilespmem:$0x13D00] =	vst v63  }
.Ltmp3:
0x436: {  	(pc) =	sbr.rel .LBB2_9-.Ltmp3, $4  }
0x437: {  	s0 =	simm.s32 $0x2  }
0x438: {  	_ =	swait.ge [sflag:s0], $0x1900  }
0x439: {  	s4 =	simm.s32 $0xC000;
	[sflag:s0] =	ssyncset.done $0x0  }
0x43a: {  	s10 =	simm.s32 $0xD900;
	s20 =	simm.s32 $0xF200;
	[sflag:s0] =	ssyncadd.s32 $0xFFFFE700  }
.LBB2_8:
0x43b: {  	s0 =	sadd.s32 s3, s21  }
0x43c: {  	s0 =	sshrl.u32 s0, $0x3  }
.Ltmp4:
0x43d: {  	s20 =	simm.s32 $0x2;
	s0 =	sadd.s32 s5, s0;
	(pc) =	sbr.rel @p0 .LBB2_10-.Ltmp4, $4  }
0x43e: {  	[tilespmem:s22], [sflag:$0x1] =	stream.linear.gather [hbm4b:s0+s23], $0x1900, $0x38;
	[tilespmem:$0x13D00] =	vst v63  }
0x43f: {  	_ =	swait.ge [sflag:s20], $0x1900  }
0x440: {  	s4 =	simm.s32 $0xC000;
	[sflag:s20] =	ssyncset.done $0x0  }
0x441: {  	s10 =	simm.s32 $0xD900;
	[sflag:s20] =	ssyncadd.s32 $0xFFFFE700;
	s20 =	simm.s32 $0xF200  }
.LBB2_9:
0x442: {  	s0 =	simm.s32 $0x4  }
0x443: {  	_ =	swait.ge [sflag:s0], $0x1900  }
0x444: {  	[sflag:s0] =	ssyncset.done $0x0  }
0x445: {  	[sflag:s0] =	ssyncadd.s32 $0xFFFFE700  }
0x446: {  	_ =	swait.ge [sflag:s0], $0x1900  }
0x447: {  	[sflag:s0] =	ssyncset.done $0x0  }
0x448: {  	[sflag:s0] =	ssyncadd.s32 $0xFFFFE700  }
0x449: {  	_ =	swait.ge [sflag:s0], $0x1900  }
0x44a: {  	[sflag:s0] =	ssyncset.done $0x0  }
0x44b: {  	[sflag:s0] =	ssyncadd.s32 $0xFFFFE700  }
0x44c: {  	_ =	swait.ge [sflag:s0], $0x1900  }
0x44d: {  	[sflag:s0] =	ssyncset.done $0x0  }
0x44e: {  	[sflag:s0] =	ssyncadd.s32 $0xFFFFE700  }
0x44f: {  	_ =	swait.ge [sflag:s0], $0x1900  }
0x450: {  	[sflag:s0] =	ssyncset.done $0x0  }
0x451: {  	[sflag:s0] =	ssyncadd.s32 $0xFFFFE700  }
.LBB2_10:
0x452: {  	s0 =	simm.s32 $0x2A10  }
0x453: {  	v3 =	vld [tilespmem:s0+$0xFFFFFFF0]  }
0x454: {  	v5 =	vld [tilespmem:s0+$0x0];
	_ =	sdelay $0x4  }
0x455: {  	v3 =	vmul.u32 $0x64, v3;
	v5 =	vmul.u32 $0xA, v5;
	_ =	sdelay $0x1  }
0x456: {  	v23 =	vadd.s32 v3, v5  }
0x457: {  	s6 =	simm.s32 $0x2A30  }
0x458: {  	v3 =	vld [tilespmem:s6+$0xFFFFFFF0]  }
0x459: {  	v5 =	vld [tilespmem:s6+$0x0]  }
0x45a: {  	s8 =	simm.s32 $0x0  }
0x45b: {  	v15 =	vor.u32 s8, v53;
	v6 =	vld.idx.msk [tilespmem:v23+s19+$0x0], $0xffff  }
0x45c: {  	v8 =	vadd.s32 $0x5, v23;
	_ =	sdelay $0x1  }
0x45d: {  	v3 =	vmul.u32 $0x64, v3;
	v5 =	vmul.u32 $0xA, v5;
	_ =	sdelay $0x1  }
0x45e: {  	[tilespmem:v15+s4+$0x0] =	vst.idx.msk $0xffff, v6;
	v6 =	vadd.s32 v3, v5  }
0x45f: {  	s3 =	simm.s32 $0x2A50;
	v3 =	vld.idx.msk [tilespmem:v8+s19+$0x0], $0xffff;
	v8 =	vor.u32 s8, v2  }
0x460: {  	v9 =	vld [tilespmem:s3+$0xFFFFFFF0];
	v11 =	vor.u32 $0x1, v23  }
0x461: {  	v12 =	vld [tilespmem:s3+$0x0]  }
0x462: {  	s6 =	simm.s32 $0x20  }
0x463: {  	v5 =	vor.u32 s6, v53;
	v14 =	vld.idx.msk [tilespmem:v6+s19+$0x0], $0xffff  }
0x464: {  	[tilespmem:v8+s4+$0x0] =	vst.idx.msk $0xffff, v3;
	v3 =	vadd.s32 $0x5, v6  }
0x465: {  	v17 =	vld.idx.msk [tilespmem:v11+s19+$0x0], $0xffff  }
0x466: {  	v9 =	vmul.u32 $0x64, v9;
	v18 =	vadd.s32 $0x6, v23;
	v11 =	vmul.u32 $0xA, v12  }
0x467: {  	s8 =	simm.s32 $0x2A70  }
0x468: {  	v20 =	vld [tilespmem:s8+$0x0];
	v11 =	vadd.s32 v9, v11;
	[tilespmem:v5+s4+$0x0] =	vst.idx.msk $0xffff, v14  }
0x469: {  	v12 =	vld.idx.msk [tilespmem:v3+s19+$0x0], $0xffff;
	v3 =	vor.u32 s6, v2  }
0x46a: {  	v14 =	vld [tilespmem:s8+$0xFFFFFFF0];
	[tilespmem:v15+s10+$0x0] =	vst.idx.msk $0xffff, v17;
	v17 =	vor.u32 $0x1, v6  }
0x46b: {  	v18 =	vld.idx.msk [tilespmem:v18+s19+$0x0], $0xffff  }
0x46c: {  	v21 =	vadd.s32 $0x2, v23;
	s6 =	simm.s32 $0x40  }
0x46d: {  	v9 =	vor.u32 s6, v53;
	v24 =	vld.idx.msk [tilespmem:v11+s19+$0x0], $0xffff  }
0x46e: {  	[tilespmem:v3+s4+$0x0] =	vst.idx.msk $0xffff, v12;
	v12 =	vadd.s32 $0x5, v11  }
0x46f: {  	v20 =	vmul.u32 $0xA, v20;
	v14 =	vmul.u32 $0x64, v14;
	v17 =	vld.idx.msk [tilespmem:v17+s19+$0x0], $0xffff  }
0x470: {  	[tilespmem:v8+s10+$0x0] =	vst.idx.msk $0xffff, v18;
	v18 =	vadd.s32 $0x6, v6  }
0x471: {  	s8 =	simm.s32 $0x2A90;
	v14 =	vadd.s32 v14, v20;
	v21 =	vld.idx.msk [tilespmem:v21+s19+$0x0], $0xffff  }
0x472: {  	v26 =	vld [tilespmem:s8+$0xFFFFFFF0];
	[tilespmem:v9+s4+$0x0] =	vst.idx.msk $0xffff, v24;
	v24 =	vadd.s32 $0x7, v23  }
0x473: {  	v20 =	vld.idx.msk [tilespmem:v12+s19+$0x0], $0xffff;
	v12 =	vor.u32 s6, v2  }
0x474: {  	v27 =	vor.u32 $0x1, v11;
	v29 =	vld [tilespmem:s8+$0x0];
	[tilespmem:v5+s10+$0x0] =	vst.idx.msk $0xffff, v17  }
0x475: {  	s3 =	simm.s32 $0x60;
	v18 =	vld.idx.msk [tilespmem:v18+s19+$0x0], $0xffff  }
0x476: {  	v30 =	vld.idx.msk [tilespmem:v14+s19+$0x0], $0xffff;
	v17 =	vor.u32 s3, v53;
	[tilespmem:v15+s20+$0x0] =	vst.idx.msk $0xffff, v21;
	v21 =	vadd.s32 $0x2, v6  }
0x477: {  	v32 =	vadd.s32 $0x5, v14;
	v24 =	vld.idx.msk [tilespmem:v24+s19+$0x0], $0xffff  }
0x478: {  	[tilespmem:v12+s4+$0x0] =	vst.idx.msk $0xffff, v20;
	v20 =	vadd.s32 $0x3, v23  }
0x479: {  	v27 =	vld.idx.msk [tilespmem:v27+s19+$0x0], $0xffff  }
0x47a: {  	v33 =	vadd.s32 $0x6, v11;
	[tilespmem:v3+s10+$0x0] =	vst.idx.msk $0xffff, v18;
	v18 =	vmul.u32 $0x64, v26;
	v26 =	vmul.u32 $0xA, v29  }
0x47b: {  	[tilespmem:v17+s4+$0x0] =	vst.idx.msk $0xffff, v30;
	v21 =	vld.idx.msk [tilespmem:v21+s19+$0x0], $0xffff  }
0x47c: {  	v30 =	vld.idx.msk [tilespmem:v32+s19+$0x0], $0xffff;
	[tilespmem:v8+s20+$0x0] =	vst.idx.msk $0xffff, v24;
	v24 =	vadd.s32 $0x7, v6;
	v18 =	vadd.s32 v18, v26;
	v26 =	vor.u32 s3, v2  }
0x47d: {  	s6 =	simm.s32 $0x2AB0;
	v20 =	vld.idx.msk [tilespmem:v20+s19+$0x0], $0xffff  }
0x47e: {  	v54 =	vor.u32 $0x1, v14;
	v36 =	vld [tilespmem:s6+$0x0];
	[tilespmem:v9+s10+$0x0] =	vst.idx.msk $0xffff, v27  }
0x47f: {  	v27 =	vadd.s32 $0x8, v23;
	v33 =	vld.idx.msk [tilespmem:v33+s19+$0x0], $0xffff  }
0x480: {  	v29 =	vld [tilespmem:s6+$0xFFFFFFF0];
	[tilespmem:v5+s20+$0x0] =	vst.idx.msk $0xffff, v21;
	v21 =	vadd.s32 $0x2, v11  }
0x481: {  	s8 =	simm.s32 $0x80;
	v24 =	vld.idx.msk [tilespmem:v24+s19+$0x0], $0xffff;
	[tilespmem:v26+s4+$0x0] =	vst.idx.msk $0xffff, v30  }
0x482: {  	v39 =	vadd.s32 $0x3, v6;
	v38 =	vld.idx.msk [tilespmem:v18+s19+$0x0], $0xffff;
	[tilespmem:v15+s1+$0x0] =	vst.idx.msk $0xffff, v20;
	v20 =	vor.u32 s8, v53  }
0x483: {  	v30 =	vadd.s32 $0x5, v18;
	v32 =	vld.idx.msk [tilespmem:v54+s19+$0x0], $0xffff  }
0x484: {  	v41 =	vadd.s32 $0x6, v14;
	v27 =	vld.idx.msk [tilespmem:v27+s19+$0x0], $0xffff;
	[tilespmem:v12+s10+$0x0] =	vst.idx.msk $0xffff, v33  }
0x485: {  	s0 =	simm.s32 $0x2AD0;
	v55 =	vadd.s32 $0x4, v23;
	v42 =	vld.idx.msk [tilespmem:v21+s19+$0x0], $0xffff  }
0x486: {  	v35 =	vld [tilespmem:s0+$0xFFFFFFF0];
	v21 =	vmul.u32 $0x64, v29;
	v29 =	vmul.u32 $0xA, v36;
	[tilespmem:v3+s20+$0x0] =	vst.idx.msk $0xffff, v24  }
0x487: {  	v24 =	vadd.s32 $0x7, v11;
	[tilespmem:v20+s4+$0x0] =	vst.idx.msk $0xffff, v38;
	v45 =	vld.idx.msk [tilespmem:v39+s19+$0x0], $0xffff  }
0x488: {  	v21 =	vadd.s32 v21, v29;
	[tilespmem:v17+s10+$0x0] =	vst.idx.msk $0xffff, v32;
	v38 =	vld.idx.msk [tilespmem:v30+s19+$0x0], $0xffff  }
0x489: {  	v33 =	vor.u32 s8, v2;
	v32 =	vadd.s32 $0x8, v6;
	[tilespmem:v8+s1+$0x0] =	vst.idx.msk $0xffff, v27;
	v36 =	vld.idx.msk [tilespmem:v41+s19+$0x0], $0xffff  }
0x48a: {  	v29 =	vld.idx.msk [tilespmem:v55+s19+$0x0], $0xffff;
	[tilespmem:v9+s20+$0x0] =	vst.idx.msk $0xffff, v42;
	v42 =	vor.u32 $0x1, v18  }
0x48b: {  	v41 =	vld [tilespmem:s0+$0x0];
	v27 =	vadd.s32 $0x9, v23  }
0x48c: {  	v39 =	vadd.s32 $0x2, v14;
	v30 =	vld.idx.msk [tilespmem:v24+s19+$0x0], $0xffff  }
0x48d: {  	s6 =	simm.s32 $0xE0;
	s3 =	simm.s32 $0xC0;
	s8 =	simm.s32 $0xA0;
	v23 =	vmov v33;
	v24 =	vmov v26;
	v44 =	vld.idx.msk [tilespmem:v21+s19+$0x0], $0xffff;
	[tilespmem:v5+s1+$0x0] =	vst.idx.msk $0xffff, v45  }
.LBB2_11:
0x48e: {  	p0 =	sne.s32 s6, $0x18E0;
	v45 =	vor.u32 s8, v53;
	[tilespmem:v33+s4+$0x0] =	vst.idx.msk $0xffff, v38;
	v38 =	vadd.s32 $0x3, v11;
	v32 =	vld.idx.msk [tilespmem:v32+s19+$0x0], $0xffff  }
0x48f: {  	v47 =	vadd.s32 $0x5, v21;
	v42 =	vld.idx.msk [tilespmem:v42+s19+$0x0], $0xffff;
	[tilespmem:v15+s2+$0x0] =	vst.idx.msk $0xffff, v29;
	v15 =	vmovc v5;
	v5 =	vmov v9;
	v9 =	vmov v17  }
0x490: {  	v29 =	vadd.s32 $0x4, v6;
	v17 =	vmovc v20;
	v20 =	vmov v45;
	[tilespmem:v26+s10+$0x0] =	vst.idx.msk $0xffff, v36;
	v27 =	vld.idx.msk [tilespmem:v27+s19+$0x0], $0xffff;
	v26 =	vmov v33  }
0x491: {  	s0 =	sadd.s32 $0x20, s0;
	v36 =	vadd.s32 $0x6, v18;
	v39 =	vld.idx.msk [tilespmem:v39+s19+$0x0], $0xffff  }
0x492: {  	v33 =	vmul.u32 $0x64, v35;
	v41 =	vmul.u32 $0xA, v41;
	v35 =	vld [tilespmem:s0+$0xFFFFFFF0];
	[tilespmem:v12+s20+$0x0] =	vst.idx.msk $0xffff, v30  }
0x493: {  	v30 =	vadd.s32 $0x7, v14;
	[tilespmem:v45+s4+$0x0] =	vst.idx.msk $0xffff, v44;
	v45 =	vld.idx.msk [tilespmem:v38+s19+$0x0], $0xffff  }
0x494: {  	v44 =	vadd.s32 v33, v41;
	v38 =	vld.idx.msk [tilespmem:v47+s19+$0x0], $0xffff;
	[tilespmem:v3+s1+$0x0] =	vst.idx.msk $0xffff, v32  }
.Ltmp5:
0x495: {  	v33 =	vor.u32 s8, v2;
	s8 =	smov.u32 s3;
	s3 =	smov.u32 s6;
	v32 =	vadd.s32 $0x8, v11;
	[tilespmem:v17+s10+$0x0] =	vst.idx.msk $0xffff, v42;
	v29 =	vld.idx.msk [tilespmem:v29+s19+$0x0], $0xffff;
	(pc) =	sbr.rel @p0 .LBB2_11-.Ltmp5, $4  }
0x496: {  	v42 =	vor.u32 $0x1, v21;
	v36 =	vld.idx.msk [tilespmem:v36+s19+$0x0], $0xffff;
	[tilespmem:v8+s2+$0x0] =	vst.idx.msk $0xffff, v27;
	v8 =	vmovc v3;
	v3 =	vmov v12;
	v12 =	vmov v24  }
0x497: {  	v27 =	vadd.s32 $0x9, v6;
	v6 =	vmovc v11;
	v11 =	vmovc v14;
	v14 =	vmov v18;
	v18 =	vmov v21;
	v41 =	vld [tilespmem:s0+$0x0];
	[tilespmem:v9+s20+$0x0] =	vst.idx.msk $0xffff, v39  }
0x498: {  	v21 =	vmovc v44;
	v24 =	vmov v23;
	v23 =	vmov v33;
	v39 =	vadd.s32 $0x2, v14;
	v30 =	vld.idx.msk [tilespmem:v30+s19+$0x0], $0xffff  }
0x499: {  	s6 =	sadd.s32 $0x20, s6;
	v44 =	vld.idx.msk [tilespmem:v44+s19+$0x0], $0xffff;
	[tilespmem:v5+s1+$0x0] =	vst.idx.msk $0xffff, v45  }
0x49a: {  	_ =	sdelay $0x1  }
0x49b: {  	v35 =	vmul.u32 $0x64, v35;
	v41 =	vmul.u32 $0xA, v41;
	_ =	sdelay $0x1  }
0x49c: {  	v35 =	vadd.s32 v35, v41;
	_ =	sdelay $0x3  }
0x49d: {  	v41 =	vor.u32 s8, v53  }
0x49e: {  	v45 =	vadd.s32 $0x5, v21;
	v49 =	vor.u32 s3, v53;
	v47 =	vld.idx.msk [tilespmem:v35+s19+$0x0], $0xffff  }
0x49f: {  	v50 =	vadd.s32 $0x5, v35;
	_ =	sdelay $0x2  }
0x4a0: {  	[tilespmem:v41+s4+$0x0] =	vst.idx.msk $0xffff, v44  }
0x4a1: {  	v44 =	vld.idx.msk [tilespmem:v45+s19+$0x0], $0xffff;
	v45 =	vor.u32 s8, v2;
	[tilespmem:v49+s4+$0x0] =	vst.idx.msk $0xffff, v47  }
0x4a2: {  	v2 =	vor.u32 s3, v2;
	v47 =	vor.u32 $0x1, v21;
	v50 =	vld.idx.msk [tilespmem:v50+s19+$0x0], $0xffff  }
0x4a3: {  	v54 =	vor.u32 $0x1, v35;
	_ =	sdelay $0x1  }
0x4a4: {  	[tilespmem:v33+s4+$0x0] =	vst.idx.msk $0xffff, v38  }
0x4a5: {  	v38 =	vld.idx.msk [tilespmem:v42+s19+$0x0], $0xffff;
	[tilespmem:v45+s4+$0x0] =	vst.idx.msk $0xffff, v44  }
0x4a6: {  	v42 =	vadd.s32 $0x6, v18;
	v44 =	vld.idx.msk [tilespmem:v47+s19+$0x0], $0xffff;
	[tilespmem:v2+s4+$0x0] =	vst.idx.msk $0xffff, v50  }
0x4a7: {  	v47 =	vadd.s32 $0x6, v21;
	v50 =	vld.idx.msk [tilespmem:v54+s19+$0x0], $0xffff  }
0x4a8: {  	v54 =	vadd.s32 $0x6, v35;
	_ =	sdelay $0x1  }
0x4a9: {  	[tilespmem:v20+s10+$0x0] =	vst.idx.msk $0xffff, v38  }
0x4aa: {  	v38 =	vld.idx.msk [tilespmem:v42+s19+$0x0], $0xffff;
	[tilespmem:v41+s10+$0x0] =	vst.idx.msk $0xffff, v44  }
0x4ab: {  	v42 =	vadd.s32 $0x2, v18;
	v44 =	vld.idx.msk [tilespmem:v47+s19+$0x0], $0xffff;
	[tilespmem:v49+s10+$0x0] =	vst.idx.msk $0xffff, v50  }
0x4ac: {  	v47 =	vadd.s32 $0x2, v21;
	v50 =	vld.idx.msk [tilespmem:v54+s19+$0x0], $0xffff  }
0x4ad: {  	v54 =	vadd.s32 $0x2, v35  }
0x4ae: {  	[tilespmem:v26+s10+$0x0] =	vst.idx.msk $0xffff, v36  }
0x4af: {  	v26 =	vld.idx.msk [tilespmem:v39+s19+$0x0], $0xffff;
	[tilespmem:v33+s10+$0x0] =	vst.idx.msk $0xffff, v38  }
0x4b0: {  	v33 =	vadd.s32 $0x7, v14;
	v36 =	vld.idx.msk [tilespmem:v42+s19+$0x0], $0xffff;
	[tilespmem:v45+s10+$0x0] =	vst.idx.msk $0xffff, v44  }
0x4b1: {  	v38 =	vadd.s32 $0x7, v18;
	v39 =	vld.idx.msk [tilespmem:v47+s19+$0x0], $0xffff;
	[tilespmem:v2+s10+$0x0] =	vst.idx.msk $0xffff, v50  }
0x4b2: {  	v42 =	vadd.s32 $0x7, v21;
	v55 =	vld.idx.msk [tilespmem:v54+s19+$0x0], $0xffff  }
0x4b3: {  	v50 =	vadd.s32 $0x7, v35  }
0x4b4: {  	[tilespmem:v17+s20+$0x0] =	vst.idx.msk $0xffff, v26  }
0x4b5: {  	v26 =	vadd.s32 $0x3, v11;
	v33 =	vld.idx.msk [tilespmem:v33+s19+$0x0], $0xffff;
	[tilespmem:v20+s20+$0x0] =	vst.idx.msk $0xffff, v36  }
0x4b6: {  	v38 =	vld.idx.msk [tilespmem:v38+s19+$0x0], $0xffff;
	v54 =	vadd.s32 $0x3, v14;
	[tilespmem:v41+s20+$0x0] =	vst.idx.msk $0xffff, v39  }
0x4b7: {  	v42 =	vld.idx.msk [tilespmem:v42+s19+$0x0], $0xffff;
	[tilespmem:v49+s20+$0x0] =	vst.idx.msk $0xffff, v55;
	v55 =	vadd.s32 $0x3, v18  }
0x4b8: {  	[tilespmem:v15+s2+$0x0] =	vst.idx.msk $0xffff, v29;
	v15 =	vadd.s32 $0x3, v21;
	v29 =	vld.idx.msk [tilespmem:v50+s19+$0x0], $0xffff  }
0x4b9: {  	v32 =	vld.idx.msk [tilespmem:v32+s19+$0x0], $0xffff;
	[tilespmem:v12+s20+$0x0] =	vst.idx.msk $0xffff, v30;
	v30 =	vadd.s32 $0x3, v35  }
0x4ba: {  	v26 =	vld.idx.msk [tilespmem:v26+s19+$0x0], $0xffff;
	[tilespmem:v24+s20+$0x0] =	vst.idx.msk $0xffff, v33  }
0x4bb: {  	[tilespmem:v23+s20+$0x0] =	vst.idx.msk $0xffff, v38;
	v47 =	vadd.s32 $0x8, v11;
	v36 =	vld.idx.msk [tilespmem:v54+s19+$0x0], $0xffff  }
0x4bc: {  	v50 =	vadd.s32 $0x8, v14;
	[tilespmem:v45+s20+$0x0] =	vst.idx.msk $0xffff, v42;
	v39 =	vld.idx.msk [tilespmem:v55+s19+$0x0], $0xffff  }
0x4bd: {  	v54 =	vadd.s32 $0x8, v18;
	v15 =	vld.idx.msk [tilespmem:v15+s19+$0x0], $0xffff;
	[tilespmem:v2+s20+$0x0] =	vst.idx.msk $0xffff, v29  }
0x4be: {  	[tilespmem:v3+s1+$0x0] =	vst.idx.msk $0xffff, v32;
	v29 =	vadd.s32 $0x8, v21;
	v30 =	vld.idx.msk [tilespmem:v30+s19+$0x0], $0xffff  }
0x4bf: {  	v27 =	vld.idx.msk [tilespmem:v27+s19+$0x0], $0xffff;
	[tilespmem:v9+s1+$0x0] =	vst.idx.msk $0xffff, v26;
	v26 =	vadd.s32 $0x8, v35  }
0x4c0: {  	v33 =	vld.idx.msk [tilespmem:v47+s19+$0x0], $0xffff;
	v55 =	vadd.s32 $0x4, v6;
	[tilespmem:v17+s1+$0x0] =	vst.idx.msk $0xffff, v36  }
0x4c1: {  	v47 =	vadd.s32 $0x4, v11;
	v38 =	vld.idx.msk [tilespmem:v50+s19+$0x0], $0xffff;
	[tilespmem:v20+s1+$0x0] =	vst.idx.msk $0xffff, v39  }
0x4c2: {  	v50 =	vadd.s32 $0x4, v14;
	[tilespmem:v41+s1+$0x0] =	vst.idx.msk $0xffff, v15;
	v42 =	vld.idx.msk [tilespmem:v54+s19+$0x0], $0xffff  }
0x4c3: {  	v15 =	vadd.s32 $0x4, v18;
	v29 =	vld.idx.msk [tilespmem:v29+s19+$0x0], $0xffff;
	[tilespmem:v49+s1+$0x0] =	vst.idx.msk $0xffff, v30  }
0x4c4: {  	[tilespmem:v8+s2+$0x0] =	vst.idx.msk $0xffff, v27;
	v8 =	vadd.s32 $0x4, v21;
	v26 =	vld.idx.msk [tilespmem:v26+s19+$0x0], $0xffff  }
0x4c5: {  	[tilespmem:v12+s1+$0x0] =	vst.idx.msk $0xffff, v33;
	v27 =	vld.idx.msk [tilespmem:v55+s19+$0x0], $0xffff;
	v30 =	vadd.s32 $0x4, v35  }
0x4c6: {  	v6 =	vadd.s32 $0x9, v6;
	v54 =	vld.idx.msk [tilespmem:v47+s19+$0x0], $0xffff;
	[tilespmem:v24+s1+$0x0] =	vst.idx.msk $0xffff, v38  }
0x4c7: {  	v11 =	vadd.s32 $0x9, v11;
	v55 =	vld.idx.msk [tilespmem:v50+s19+$0x0], $0xffff;
	[tilespmem:v23+s1+$0x0] =	vst.idx.msk $0xffff, v42  }
0x4c8: {  	v14 =	vadd.s32 $0x9, v14;
	[tilespmem:v45+s1+$0x0] =	vst.idx.msk $0xffff, v29;
	v15 =	vld.idx.msk [tilespmem:v15+s19+$0x0], $0xffff  }
0x4c9: {  	v18 =	vadd.s32 $0x9, v18;
	v8 =	vld.idx.msk [tilespmem:v8+s19+$0x0], $0xffff;
	[tilespmem:v2+s1+$0x0] =	vst.idx.msk $0xffff, v26  }
0x4ca: {  	[tilespmem:v5+s2+$0x0] =	vst.idx.msk $0xffff, v27;
	v5 =	vadd.s32 $0x9, v21;
	v21 =	vld.idx.msk [tilespmem:v30+s19+$0x0], $0xffff  }
0x4cb: {  	v6 =	vld.idx.msk [tilespmem:v6+s19+$0x0], $0xffff;
	[tilespmem:v9+s2+$0x0] =	vst.idx.msk $0xffff, v54;
	v9 =	vadd.s32 $0x9, v35  }
0x4cc: {  	v11 =	vld.idx.msk [tilespmem:v11+s19+$0x0], $0xffff;
	[tilespmem:v17+s2+$0x0] =	vst.idx.msk $0xffff, v55  }
0x4cd: {  	v14 =	vld.idx.msk [tilespmem:v14+s19+$0x0], $0xffff;
	[tilespmem:v20+s2+$0x0] =	vst.idx.msk $0xffff, v15  }
0x4ce: {  	[tilespmem:v41+s2+$0x0] =	vst.idx.msk $0xffff, v8;
	v15 =	vld.idx.msk [tilespmem:v18+s19+$0x0], $0xffff  }
0x4cf: {  	v5 =	vld.idx.msk [tilespmem:v5+s19+$0x0], $0xffff;
	[tilespmem:v49+s2+$0x0] =	vst.idx.msk $0xffff, v21  }
0x4d0: {  	[tilespmem:v3+s2+$0x0] =	vst.idx.msk $0xffff, v6;
	v3 =	vld.idx.msk [tilespmem:v9+s19+$0x0], $0xffff  }
0x4d1: {  	[tilespmem:v12+s2+$0x0] =	vst.idx.msk $0xffff, v11  }
0x4d2: {  	[tilespmem:v24+s2+$0x0] =	vst.idx.msk $0xffff, v14  }
0x4d3: {  	[tilespmem:v23+s2+$0x0] =	vst.idx.msk $0xffff, v15  }
0x4d4: {  	s0 =	sadd.s32 s12, s16;
	[tilespmem:v45+s2+$0x0] =	vst.idx.msk $0xffff, v5  }
0x4d5: {  	s9 =	sadd.s32 s7, s9;
	s6 =	sadd.s32 s13, s16;
	s0 =	sshrl.u32 s0, $0x3;
	[tilespmem:v2+s2+$0x0] =	vst.idx.msk $0xffff, v3  }
0x4d6: {  	[hbm4b:s9+s23] =	stream.linear.scatter [tilespmem:s4], [sflag:$0x4], $0x1900, $0x38;
	[tilespmem:$0x13D00] =	vst v63  }
0x4d7: {  	s18 =	sadd.s32 $0x1, s18;
	s0 =	sadd.s32 s7, s0;
	s8 =	sshrl.u32 s6, $0x3  }
0x4d8: {  	[hbm4b:s0+s23] =	stream.linear.scatter [tilespmem:s10], [sflag:$0x4], $0x1900, $0x38;
	[tilespmem:$0x13D00] =	vst v63  }
0x4d9: {  	p0 =	sne.s32 s18, $0x8;
	s9 =	sadd.s32 s14, s16;
	s0 =	sadd.s32 s7, s8  }
0x4da: {  	[hbm4b:s0+s23] =	stream.linear.scatter [tilespmem:s20], [sflag:$0x4], $0x1900, $0x38;
	[tilespmem:$0x13D00] =	vst v63  }
.Ltmp6:
0x4db: {  	s16 =	sadd.s32 s17, s16;
	s10 =	sshrl.u32 s9, $0x3;
	(pc) =	sbr.rel @p0 .LBB2_4-.Ltmp6, $4  }
0x4dc: {  	s0 =	sadd.s32 s7, s10;
	s20 =	sshrl.u32 s16, $0x3  }
0x4dd: {  	[hbm4b:s0+s23] =	stream.linear.scatter [tilespmem:s1], [sflag:$0x4], $0x1900, $0x38;
	[tilespmem:$0x13D00] =	vst v63  }
0x4de: {  	s0 =	sadd.s32 s7, s20  }
0x4df: {  	[hbm4b:s0+s23] =	stream.linear.scatter [tilespmem:s2], [sflag:$0x4], $0x1900, $0x38;
	[tilespmem:$0x13D00] =	vst v63  }
0x4e0: {  	s0 =	simm.s32 $0x3  }
0x4e1: {  	_ =	swait.ge [sflag:s0], $0x1900  }
0x4e2: {  	[sflag:s0] =	ssyncset.done $0x0  }
0x4e3: {  	[sflag:s0] =	ssyncadd.s32 $0xFFFFE700  }
0x4e4: {  	_ =	swait.ge [sflag:s0], $0x1900  }
0x4e5: {  	[sflag:s0] =	ssyncset.done $0x0  }
0x4e6: {  	[sflag:s0] =	ssyncadd.s32 $0xFFFFE700  }
0x4e7: {  	_ =	swait.ge [sflag:s0], $0x1900  }
0x4e8: {  	[sflag:s0] =	ssyncset.done $0x0  }
0x4e9: {  	[sflag:s0] =	ssyncadd.s32 $0xFFFFE700  }
0x4ea: {  	_ =	swait.ge [sflag:s0], $0x1900  }
0x4eb: {  	[sflag:s0] =	ssyncset.done $0x0  }
0x4ec: {  	[sflag:s0] =	ssyncadd.s32 $0xFFFFE700  }
0x4ed: {  	_ =	swait.ge [sflag:s0], $0x1900  }
0x4ee: {  	[sflag:s0] =	ssyncset.done $0x0  }
0x4ef: {  	s3 =	simm.s32 $0x4;
	[sflag:s0] =	ssyncadd.s32 $0xFFFFE700  }
0x4f0: {  	_ =	swait.ge [sflag:s3], $0x1900  }
0x4f1: {  	[sflag:s3] =	ssyncset.done $0x0  }
0x4f2: {  	[sflag:s3] =	ssyncadd.s32 $0xFFFFE700  }
0x4f3: {  	_ =	swait.ge [sflag:s3], $0x1900  }
0x4f4: {  	[sflag:s3] =	ssyncset.done $0x0  }
0x4f5: {  	[sflag:s3] =	ssyncadd.s32 $0xFFFFE700  }
0x4f6: {  	_ =	swait.ge [sflag:s3], $0x1900  }
0x4f7: {  	[sflag:s3] =	ssyncset.done $0x0  }
0x4f8: {  	[sflag:s3] =	ssyncadd.s32 $0xFFFFE700  }
0x4f9: {  	_ =	swait.ge [sflag:s3], $0x1900  }
0x4fa: {  	[sflag:s3] =	ssyncset.done $0x0  }
0x4fb: {  	[sflag:s3] =	ssyncadd.s32 $0xFFFFE700  }
0x4fc: {  	_ =	swait.ge [sflag:s3], $0x1900  }
0x4fd: {  	s4 =	rddreg [dreg:$0x13]  }
0x4fe: {  	s31 =	rddreg [dreg:$0x12];
	s4 =	sadd.s32 $0x1, s4  }
0x4ff: {  	p0 =	sne.s32 s4, s31  }
.Ltmp7:
0x500: {  	_ = 	snop;
	(pc) =	sbr.rel @p0 .LBB2_1-.Ltmp7, $4  }
0x501: {  	vm2 =	vmmov vm5;
	vm5 =	vcmask $0xF0C  }
0x502: {  	vm8 =	vcmask $0x2724;
	vm10 =	vcmask $0x2F2C;
	vm6 =	vcmask $0x3734  }
0x503: {  	vm13 =	vcmask $0x2320;
	vm9 =	vcmask $0x3330;
	vm11 =	vcmask $0x3B38;
	[sflag:s3] =	ssyncset.done $0x0  }
0x504: {  	vm15 =	vcmask $0x300;
	vm3 =	vcmask $0x1310;
	vm4 =	vcmask $0x1B18;
	[sflag:s3] =	ssyncadd.s32 $0xFFFFE700  }
0x505: {  	_ =	sfence.sel $0x180000  }
0x506: {  	[bflag:$0x0] =	sbarrier.arrive $0xFFFF  }
0x507: {  	_ =	strace $0x90000047  }
0x508: {  	s0 =	stileid.u32;
	[bflag:$0x2] =	sbarrier.arrive $0xFFFF  }
0x509: {  	p0 =	sne.s32 s0, $0x0;
	s0 =	rddreg [dreg:$0x5]  }
0x50a: {  	s0 =	sadd.s32 @!p0 $0x100000, s0  }
0x50b: {  	[sflag:s0] =	ssyncadd.tile.s32 @!p0 $0x1;
	_ =	shalt  }
.Lfunc_end2:
_tile_overlayer_lowered:
.L_overlay_start_2:
0x50c: {  	(tag) =	ssettag $0x2  }
0x50d: {  	s0 =	rddreg [dreg:$0x0];
	s2 =	stileid.u32  }
0x50e: {  	s1 =	rddreg [dreg:$0x1];
	p0 =	sne.s32 s2, $0x0  }
0x50f: {  	s3 =	rddreg [dreg:$0x2];
	[bflag:$0x3] =	sbarrier.arrive $0xFFFF;
	s2 =	simm.s32 @!p0 $0x1C05  }
0x510: {  	[timem:s3], [sflag:s2] =	dma.local @!p0 [hbm:s0], s1  }
0x511: {  	s0 =	simm.s32 @!p0 $0x5  }
0x512: {  	_ =	swait.ge @!p0 [sflag:s0], s1  }
0x513: {  	s1 =	ssub.s32 @!p0 $0x0, s1;
	[sflag:s0] =	ssyncset.done @!p0 $0x0  }
0x514: {  	[sflag:s0] =	ssyncadd.s32 @!p0 s1  }
0x515: {  	[bflag:$0x3] =	sbarrier.arrive $0xFFFF  }
0x516: {  	_ =	shalt  }

</sc_bundles>
